<compile_context>
chip_gen: v7x
topology: tpu7x:2x2x1
jax: 0.10.2.dev20260603
libtpu: 0.0.44.dev20260713+nightly
codegen_flags: <defaults>
</compile_context>

<pallas_src>
import functools

import jax
import jax.numpy as jnp
from jax import lax
from jax.experimental import pallas as pl
from jax.experimental.pallas import tpu as pltpu
from jax.experimental.pallas import tpu_sc as plsc

_B, _C, _H, _W = 4, 96, 384, 384
_NW = 32
_PLANES = _B * _C
_PPW = _PLANES // _NW
_CH_ROWS = 96
_CHUNKS = _PPW * 2
_NBUF = 3
_LANES = 16


def _sc_reduce_body(bt_hbm, out_hbm, idx0, idx1, idx2, buf0, buf1, buf2,
                    pacc_v, sem0, sem1, sem2):
    wid = lax.axis_index("s") * 2 + lax.axis_index("c")
    w0 = wid * _PPW
    liota = lax.iota(jnp.int32, _LANES)
    zeros = jnp.zeros((_LANES,), jnp.float32)

    slots = ((idx0, buf0, sem0), (idx1, buf1, sem1), (idx2, buf2, sem2))

    for j in range(_PPW):
        pacc_v[j] = zeros

    def fill_idx(idx_ref, k):
        plane = w0 + k // 2
        base = plane * _H + (k % 2) * (2 * _CH_ROWS)
        for j in range(_CH_ROWS // _LANES):
            idx_ref[pl.ds(j * _LANES, _LANES)] = (
                base + 2 * (j * _LANES) + 2 * liota)

    def start_gather(slot, k):
        idx_ref, buf_ref, sem = slot
        fill_idx(idx_ref, k)
        pltpu.make_async_copy(bt_hbm.at[idx_ref], buf_ref, sem).start()

    def consume(slot, k):
        idx_ref, buf_ref, sem = slot
        pltpu.make_async_copy(bt_hbm.at[idx_ref], buf_ref, sem).wait()

        def rbody(r, accs):
            accs = list(accs)
            for j in range(_W // _LANES):
                v = buf_ref[r, pl.ds(j * _LANES, _LANES)]
                accs[j % 4] = accs[j % 4] + v
            return tuple(accs)

        a0, a1, a2, a3 = lax.fori_loop(0, _CH_ROWS, rbody,
                                       (zeros, zeros, zeros, zeros))
        pj = k // 2
        pacc_v[pj] = pacc_v[pj] + ((a0 + a1) + (a2 + a3))

    for b in range(_NBUF):
        start_gather(slots[b], jnp.int32(b))

    n_groups = _CHUNKS // _NBUF - 1

    def gbody(g, carry):
        for b in range(_NBUF):
            k = g * _NBUF + b
            consume(slots[b], k)
            start_gather(slots[b], k + _NBUF)
        return carry

    lax.fori_loop(0, n_groups, gbody, jnp.int32(0))

    for b in range(_NBUF):
        k = n_groups * _NBUF + b
        consume(slots[b], jnp.int32(k))

    pltpu.sync_copy(pacc_v, out_hbm.at[wid])


def _sc_pool_partials(b):
    bt = b.reshape(_PLANES * _H, _W)
    mesh = plsc.VectorSubcoreMesh(core_axis_name="c", subcore_axis_name="s")
    run = functools.partial(
        pl.kernel,
        out_type=jax.ShapeDtypeStruct((_NW, _PPW, _LANES), jnp.float32),
        mesh=mesh,
        scratch_types=[
            pltpu.VMEM((_CH_ROWS,), jnp.int32),
            pltpu.VMEM((_CH_ROWS,), jnp.int32),
            pltpu.VMEM((_CH_ROWS,), jnp.int32),
            pltpu.VMEM((_CH_ROWS, _W), jnp.float32),
            pltpu.VMEM((_CH_ROWS, _W), jnp.float32),
            pltpu.VMEM((_CH_ROWS, _W), jnp.float32),
            pltpu.VMEM((_PPW, _LANES), jnp.float32),
            pltpu.SemaphoreType.DMA,
            pltpu.SemaphoreType.DMA,
            pltpu.SemaphoreType.DMA,
        ],
    )(_sc_reduce_body)
    return run(bt)


def _mlp_body(part_ref, fc1_ref, fc2_ref, o_ref):
    part = part_ref[...]
    lane = lax.broadcasted_iota(jnp.int32, (_B, _C, _LANES), 2)
    pooled = jnp.sum(jnp.where(lane % 2 == 0, part, 0.0), axis=2)
    pooled = pooled * (1.0 / (_H * _W))
    h = lax.dot_general(pooled, fc1_ref[...], (((1,), (1,)), ((), ())),
                        preferred_element_type=jnp.float32)
    h = jnp.maximum(h, 0.0)
    o_ref[...] = lax.dot_general(h, fc2_ref[...], (((1,), (1,)), ((), ())),
                                 preferred_element_type=jnp.float32)


def kernel(a, b, attn_w, attn_b, fc1_w, fc2_w):
    del a, attn_w, attn_b
    partials = _sc_pool_partials(b).reshape(_B, _C, _LANES)
    fc1 = fc1_w.reshape(_C // 4, _C)
    fc2 = fc2_w.reshape(_C, _C // 4)
    out = pl.pallas_call(
        _mlp_body,
        out_shape=jax.ShapeDtypeStruct((_B, _C), jnp.float32),
    )(partials, fc1, fc2)
    return out.reshape(_B, _C, 1, 1)

# --- scband reference (transcript-rebuilt; emitter-appended) ---
"""Pipeline reference for scband-sampler-45913200394825 (READ-ONLY COPY).

The authoritative reference and input builder live on the scoring server;
editing this copy changes nothing except your own understanding.
"""

import jax, jax.numpy as jnp
import numpy as np

B, C, H, W = 4, 96, 384, 384
RATIO = 0.25


def _equidistant_flat_idx(h, w, ratio):
    # Faithful port of Sampler.equidistant_sample for the case where the
    # stride grid produces exactly num_samples points (ratio=0.25, even H/W),
    # so the torch code takes the deterministic coords[:num_samples] branch.
    total = h * w
    num_samples = int(total * ratio)
    stride = max(1, int((total / num_samples) ** 0.5))
    hi = np.arange(0, h, stride)
    wi = np.arange(0, w, stride)
    hg, wg = np.meshgrid(hi, wi, indexing="ij")
    coords = np.stack([hg.reshape(-1), wg.reshape(-1)], axis=1)[:num_samples]
    return jnp.asarray(coords[:, 0] * w + coords[:, 1], dtype=jnp.int32)


def setup_inputs(seed: int = 0) -> dict:
    key = jax.random.key(seed)
    k1, k2, k3, k4, k5 = jax.random.split(key, 5)
    a = jax.random.normal(k1, (B, C, H, W), dtype=jnp.float32)
    b = jax.random.normal(k2, (B, C, H, W), dtype=jnp.float32)
    attn_w = jax.random.normal(k3, (1, C, 1, 1), dtype=jnp.float32) * 0.05
    attn_b = jnp.zeros((1,), dtype=jnp.float32)
    fc1_w = jax.random.normal(k4, (C // 4, C, 1, 1), dtype=jnp.float32) * 0.05
    fc2_w = jax.random.normal(k5, (C, C // 4, 1, 1), dtype=jnp.float32) * 0.05
    return {"a": a, "b": b, "attn_w": attn_w, "attn_b": attn_b, "fc1_w": fc1_w, "fc2_w": fc2_w}


def reference(a, b, attn_w, attn_b, fc1_w, fc2_w):
    Bq, Cq, Hq, Wq = b.shape
    # attn_conv(a).squeeze(1) -- 1x1 conv; computed faithfully even though
    # equidistant_sample only uses the attention map's shape, not its values.
    attn = jnp.einsum("bchw,oc->bohw", a, attn_w.reshape(1, Cq)) + attn_b.reshape(1, 1, 1, 1)
    attn = attn[:, 0]
    # equidistant_sample -> identical coords for every batch element
    flat_idx = _equidistant_flat_idx(Hq, Wq, RATIO)
    # scatter_sparse_features: zeros tensor, overwrite sampled pixels with b's values
    b_flat = b.reshape(Bq, Cq, Hq * Wq)
    gathered = jnp.take(b_flat, flat_idx, axis=2)
    sparse_flat = jnp.zeros_like(b_flat).at[:, :, flat_idx].set(gathered)
    # AdaptiveAvgPool2d(1)
    pooled = sparse_flat.mean(axis=2)  # [B, C]
    # fc: Conv2d(C, C//4, 1, bias=False) -> ReLU -> Conv2d(C//4, C, 1, bias=False)
    hidden = jax.nn.relu(pooled @ fc1_w.reshape(Cq // 4, Cq).T)
    out = hidden @ fc2_w.reshape(Cq, Cq // 4).T
    return out.reshape(Bq, Cq, 1, 1)

if __name__ == "__main__":
    import jax
    _d = setup_inputs()
    print(jax.jit(kernel)(*tuple(_d.values())))

</pallas_src>

<mosaic_0001>
#map = affine_map<(d0, d1) -> (0, 0)>
#map1 = affine_map<(d0, d1) -> (0, 0, 0)>
module attributes {stable_mosaic.version = 14 : i64} {
  func.func @_sc_reduce_body(%arg0: i32, %arg1: i32, %arg2: memref<147456x384xf32, #tpu.memory_space<hbm>>, %arg3: memref<32x12x16xf32, #tpu.memory_space<hbm>>, %arg4: memref<96xi32, #tpu.memory_space<vmem>>, %arg5: memref<96xi32, #tpu.memory_space<vmem>>, %arg6: memref<96xi32, #tpu.memory_space<vmem>>, %arg7: memref<96x384xf32, #tpu.memory_space<vmem>>, %arg8: memref<96x384xf32, #tpu.memory_space<vmem>>, %arg9: memref<96x384xf32, #tpu.memory_space<vmem>>, %arg10: memref<12x16xf32, #tpu.memory_space<vmem>>, %arg11: memref<!tpu.dma_semaphore, #tpu.memory_space<semaphore_mem>>, %arg12: memref<!tpu.dma_semaphore, #tpu.memory_space<semaphore_mem>>, %arg13: memref<!tpu.dma_semaphore, #tpu.memory_space<semaphore_mem>>) attributes {dimension_semantics = [#tpu.dimension_semantics<core_parallel>, #tpu.dimension_semantics<subcore_parallel>], iteration_bounds = array<i64: 2, 16>, scalar_prefetch = 0 : i64, scratch_operands = 10 : i64, tpu.core_type = #tpu.core_type<sc_vector_subcore>, window_params = [{transform_indices = #map}, {transform_indices = #map1}]} {
    %mul3A = arith.constant 2 : i32
    %mul3A_0 = arith.muli %arg1, %mul3A : i32
    %add3A = arith.addi %mul3A_0, %arg0 : i32
    %mul3A_1 = arith.constant 12 : i32
    %mul3A_2 = arith.muli %add3A, %mul3A_1 : i32
    %iota3A = tpu.iota {dimensions = array<i32: 0>} : vector<16xi32>
    %broadcast_in_dim3A = arith.constant 0.000000e+00 : f32
    %broadcast_in_dim3A_3 = vector.broadcast %broadcast_in_dim3A : f32 to vector<16xf32>
    %swap3A = arith.constant 0 : i32
    %swap3A_4 = arith.index_cast %swap3A : i32 to index
    %swap3A_5 = arith.constant 0 : index
    %swap3A_6 = tpu.vector_load %arg10[%swap3A_4, %swap3A_5] {strides = array<i32>} : memref<12x16xf32, #tpu.memory_space<vmem>>, vector<1x16xf32>,
    %swap3A_7 = vector.shape_cast %swap3A_6 : vector<1x16xf32> to vector<16xf32>
    %swap3A_8 = vector.shape_cast %broadcast_in_dim3A_3 : vector<16xf32> to vector<1x16xf32>
    tpu.vector_store %arg10[%swap3A_4, %swap3A_5], %swap3A_8 {strides = array<i32>} : memref<12x16xf32, #tpu.memory_space<vmem>>, vector<1x16xf32>,
    %swap3A_9 = arith.constant 1 : i32
    %swap3A_10 = arith.index_cast %swap3A_9 : i32 to index
    %swap3A_11 = arith.constant 0 : index
    %swap3A_12 = tpu.vector_load %arg10[%swap3A_10, %swap3A_11] {strides = array<i32>} : memref<12x16xf32, #tpu.memory_space<vmem>>, vector<1x16xf32>,
    %swap3A_13 = vector.shape_cast %swap3A_12 : vector<1x16xf32> to vector<16xf32>
    %swap3A_14 = vector.shape_cast %broadcast_in_dim3A_3 : vector<16xf32> to vector<1x16xf32>
    tpu.vector_store %arg10[%swap3A_10, %swap3A_11], %swap3A_14 {strides = array<i32>} : memref<12x16xf32, #tpu.memory_space<vmem>>, vector<1x16xf32>,
    %swap3A_15 = arith.constant 2 : i32
    %swap3A_16 = arith.index_cast %swap3A_15 : i32 to index
    %swap3A_17 = arith.constant 0 : index
    %swap3A_18 = tpu.vector_load %arg10[%swap3A_16, %swap3A_17] {strides = array<i32>} : memref<12x16xf32, #tpu.memory_space<vmem>>, vector<1x16xf32>,
    %swap3A_19 = vector.shape_cast %swap3A_18 : vector<1x16xf32> to vector<16xf32>
    %swap3A_20 = vector.shape_cast %broadcast_in_dim3A_3 : vector<16xf32> to vector<1x16xf32>
    tpu.vector_store %arg10[%swap3A_16, %swap3A_17], %swap3A_20 {strides = array<i32>} : memref<12x16xf32, #tpu.memory_space<vmem>>, vector<1x16xf32>,
    %swap3A_21 = arith.constant 3 : i32
    %swap3A_22 = arith.index_cast %swap3A_21 : i32 to index
    %swap3A_23 = arith.constant 0 : index
    %swap3A_24 = tpu.vector_load %arg10[%swap3A_22, %swap3A_23] {strides = array<i32>} : memref<12x16xf32, #tpu.memory_space<vmem>>, vector<1x16xf32>,
    %swap3A_25 = vector.shape_cast %swap3A_24 : vector<1x16xf32> to vector<16xf32>
    %swap3A_26 = vector.shape_cast %broadcast_in_dim3A_3 : vector<16xf32> to vector<1x16xf32>
    tpu.vector_store %arg10[%swap3A_22, %swap3A_23], %swap3A_26 {strides = array<i32>} : memref<12x16xf32, #tpu.memory_space<vmem>>, vector<1x16xf32>,
    %swap3A_27 = arith.constant 4 : i32
    %swap3A_28 = arith.index_cast %swap3A_27 : i32 to index
    %swap3A_29 = arith.constant 0 : index
    %swap3A_30 = tpu.vector_load %arg10[%swap3A_28, %swap3A_29] {strides = array<i32>} : memref<12x16xf32, #tpu.memory_space<vmem>>, vector<1x16xf32>,
    %swap3A_31 = vector.shape_cast %swap3A_30 : vector<1x16xf32> to vector<16xf32>
    %swap3A_32 = vector.shape_cast %broadcast_in_dim3A_3 : vector<16xf32> to vector<1x16xf32>
    tpu.vector_store %arg10[%swap3A_28, %swap3A_29], %swap3A_32 {strides = array<i32>} : memref<12x16xf32, #tpu.memory_space<vmem>>, vector<1x16xf32>,
    %swap3A_33 = arith.constant 5 : i32
    %swap3A_34 = arith.index_cast %swap3A_33 : i32 to index
    %swap3A_35 = arith.constant 0 : index
    %swap3A_36 = tpu.vector_load %arg10[%swap3A_34, %swap3A_35] {strides = array<i32>} : memref<12x16xf32, #tpu.memory_space<vmem>>, vector<1x16xf32>,
    %swap3A_37 = vector.shape_cast %swap3A_36 : vector<1x16xf32> to vector<16xf32>
    %swap3A_38 = vector.shape_cast %broadcast_in_dim3A_3 : vector<16xf32> to vector<1x16xf32>
    tpu.vector_store %arg10[%swap3A_34, %swap3A_35], %swap3A_38 {strides = array<i32>} : memref<12x16xf32, #tpu.memory_space<vmem>>, vector<1x16xf32>,
    %swap3A_39 = arith.constant 6 : i32
    %swap3A_40 = arith.index_cast %swap3A_39 : i32 to index
    %swap3A_41 = arith.constant 0 : index
    %swap3A_42 = tpu.vector_load %arg10[%swap3A_40, %swap3A_41] {strides = array<i32>} : memref<12x16xf32, #tpu.memory_space<vmem>>, vector<1x16xf32>,
    %swap3A_43 = vector.shape_cast %swap3A_42 : vector<1x16xf32> to vector<16xf32>
    %swap3A_44 = vector.shape_cast %broadcast_in_dim3A_3 : vector<16xf32> to vector<1x16xf32>
    tpu.vector_store %arg10[%swap3A_40, %swap3A_41], %swap3A_44 {strides = array<i32>} : memref<12x16xf32, #tpu.memory_space<vmem>>, vector<1x16xf32>,
    %swap3A_45 = arith.constant 7 : i32
    %swap3A_46 = arith.index_cast %swap3A_45 : i32 to index
    %swap3A_47 = arith.constant 0 : index
    %swap3A_48 = tpu.vector_load %arg10[%swap3A_46, %swap3A_47] {strides = array<i32>} : memref<12x16xf32, #tpu.memory_space<vmem>>, vector<1x16xf32>,
    %swap3A_49 = vector.shape_cast %swap3A_48 : vector<1x16xf32> to vector<16xf32>
    %swap3A_50 = vector.shape_cast %broadcast_in_dim3A_3 : vector<16xf32> to vector<1x16xf32>
    tpu.vector_store %arg10[%swap3A_46, %swap3A_47], %swap3A_50 {strides = array<i32>} : memref<12x16xf32, #tpu.memory_space<vmem>>, vector<1x16xf32>,
    %swap3A_51 = arith.constant 8 : i32
    %swap3A_52 = arith.index_cast %swap3A_51 : i32 to index
    %swap3A_53 = arith.constant 0 : index
    %swap3A_54 = tpu.vector_load %arg10[%swap3A_52, %swap3A_53] {strides = array<i32>} : memref<12x16xf32, #tpu.memory_space<vmem>>, vector<1x16xf32>,
    %swap3A_55 = vector.shape_cast %swap3A_54 : vector<1x16xf32> to vector<16xf32>
    %swap3A_56 = vector.shape_cast %broadcast_in_dim3A_3 : vector<16xf32> to vector<1x16xf32>
    tpu.vector_store %arg10[%swap3A_52, %swap3A_53], %swap3A_56 {strides = array<i32>} : memref<12x16xf32, #tpu.memory_space<vmem>>, vector<1x16xf32>,
    %swap3A_57 = arith.constant 9 : i32
    %swap3A_58 = arith.index_cast %swap3A_57 : i32 to index
    %swap3A_59 = arith.constant 0 : index
    %swap3A_60 = tpu.vector_load %arg10[%swap3A_58, %swap3A_59] {strides = array<i32>} : memref<12x16xf32, #tpu.memory_space<vmem>>, vector<1x16xf32>,
    %swap3A_61 = vector.shape_cast %swap3A_60 : vector<1x16xf32> to vector<16xf32>
    %swap3A_62 = vector.shape_cast %broadcast_in_dim3A_3 : vector<16xf32> to vector<1x16xf32>
    tpu.vector_store %arg10[%swap3A_58, %swap3A_59], %swap3A_62 {strides = array<i32>} : memref<12x16xf32, #tpu.memory_space<vmem>>, vector<1x16xf32>,
    %swap3A_63 = arith.constant 10 : i32
    %swap3A_64 = arith.index_cast %swap3A_63 : i32 to index
    %swap3A_65 = arith.constant 0 : index
    %swap3A_66 = tpu.vector_load %arg10[%swap3A_64, %swap3A_65] {strides = array<i32>} : memref<12x16xf32, #tpu.memory_space<vmem>>, vector<1x16xf32>,
    %swap3A_67 = vector.shape_cast %swap3A_66 : vector<1x16xf32> to vector<16xf32>
    %swap3A_68 = vector.shape_cast %broadcast_in_dim3A_3 : vector<16xf32> to vector<1x16xf32>
    tpu.vector_store %arg10[%swap3A_64, %swap3A_65], %swap3A_68 {strides = array<i32>} : memref<12x16xf32, #tpu.memory_space<vmem>>, vector<1x16xf32>,
    %swap3A_69 = arith.constant 11 : i32
    %swap3A_70 = arith.index_cast %swap3A_69 : i32 to index
    %swap3A_71 = arith.constant 0 : index
    %swap3A_72 = tpu.vector_load %arg10[%swap3A_70, %swap3A_71] {strides = array<i32>} : memref<12x16xf32, #tpu.memory_space<vmem>>, vector<1x16xf32>,
    %swap3A_73 = vector.shape_cast %swap3A_72 : vector<1x16xf32> to vector<16xf32>
    %swap3A_74 = vector.shape_cast %broadcast_in_dim3A_3 : vector<16xf32> to vector<1x16xf32>
    tpu.vector_store %arg10[%swap3A_70, %swap3A_71], %swap3A_74 {strides = array<i32>} : memref<12x16xf32, #tpu.memory_space<vmem>>, vector<1x16xf32>,
    %jit3A = arith.constant 0 : i32
    %jit3A_75 = arith.constant 2 : i32
    %div3A = arith.divsi %jit3A, %jit3A_75 : i32
    %sign3A = arith.constant 0 : i32
    %sign3A_76 = arith.cmpi sgt, %jit3A, %sign3A : i32
    %sign3A_77 = arith.extui %sign3A_76 : i1 to i32
    %sign3A_78 = arith.constant 0 : i32
    %sign3A_79 = arith.cmpi slt, %jit3A, %sign3A_78 : i32
    %sign3A_80 = arith.extui %sign3A_79 : i1 to i32
    %sign3A_81 = arith.subi %sign3A_77, %sign3A_80 : i32
    %sign3A_82 = arith.constant 0 : i32
    %sign3A_83 = arith.cmpi sgt, %jit3A_75, %sign3A_82 : i32
    %sign3A_84 = arith.extui %sign3A_83 : i1 to i32
    %sign3A_85 = arith.constant 0 : i32
    %sign3A_86 = arith.cmpi slt, %jit3A_75, %sign3A_85 : i32
    %sign3A_87 = arith.extui %sign3A_86 : i1 to i32
    %sign3A_88 = arith.subi %sign3A_84, %sign3A_87 : i32
    %ne3A = arith.cmpi ne, %sign3A_81, %sign3A_88 : i32
    %rem3A = arith.remsi %jit3A, %jit3A_75 : i32
    %ne3A_89 = arith.constant 0 : i32
    %ne3A_90 = arith.cmpi ne, %rem3A, %ne3A_89 : i32
    %and3A = arith.andi %ne3A, %ne3A_90 : i1
    %sub3A = arith.constant 1 : i32
    %sub3A_91 = arith.subi %div3A, %sub3A : i32
    %select_n3A = arith.select %and3A, %sub3A_91, %div3A : i32
    %add3A_92 = arith.addi %mul3A_2, %select_n3A : i32
    %mul3A_93 = arith.constant 384 : i32
    %mul3A_94 = arith.muli %add3A_92, %mul3A_93 : i32
    %jit3A_95 = arith.constant 0 : i32
    %jit3A_96 = arith.constant 2 : i32
    %eq3A = arith.constant 0 : i32
    %eq3A_97 = arith.cmpi eq, %jit3A_96, %eq3A : i32
    %jit3A_98 = arith.constant 1 : i32
    %select_n3A_99 = arith.select %eq3A_97, %jit3A_98, %jit3A_96 : i32
    %rem3A_100 = arith.remsi %jit3A_95, %select_n3A_99 : i32
    %ne3A_101 = arith.constant 0 : i32
    %ne3A_102 = arith.cmpi ne, %rem3A_100, %ne3A_101 : i32
    %lt3A = arith.constant 0 : i32
    %lt3A_103 = arith.cmpi slt, %rem3A_100, %lt3A : i32
    %lt3A_104 = arith.constant 0 : i32
    %lt3A_105 = arith.cmpi slt, %select_n3A_99, %lt3A_104 : i32
    %ne3A_106 = arith.xori %lt3A_103, %lt3A_105 : i1
    %and3A_107 = arith.andi %ne3A_106, %ne3A_102 : i1
    %add3A_108 = arith.addi %rem3A_100, %select_n3A_99 : i32
    %select_n3A_109 = arith.select %and3A_107, %add3A_108, %rem3A_100 : i32
    %mul3A_110 = arith.constant 192 : i32
    %mul3A_111 = arith.muli %select_n3A_109, %mul3A_110 : i32
    %add3A_112 = arith.addi %mul3A_94, %mul3A_111 : i32
    %add3A_113 = arith.constant 0 : i32
    %add3A_114 = arith.addi %add3A_112, %add3A_113 : i32
    %mul3A_115 = arith.constant 2 : i32
    %mul3A_116 = vector.broadcast %mul3A_115 : i32 to vector<16xi32>
    %mul3A_117 = arith.muli %mul3A_116, %iota3A : vector<16xi32>
    %add3A_118 = vector.broadcast %add3A_114 : i32 to vector<16xi32>
    %add3A_119 = arith.addi %add3A_118, %mul3A_117 : vector<16xi32>
    %swap3A_120 = arith.constant 0 : index
    %swap3A_121 = tpu.vector_load %arg4[%swap3A_120] {strides = array<i32>} : memref<96xi32, #tpu.memory_space<vmem>>, vector<16xi32>,
    %swap3A_122 = vector.shape_cast %swap3A_121 : vector<16xi32> to vector<16xi32>
    %swap3A_123 = vector.shape_cast %add3A_119 : vector<16xi32> to vector<16xi32>
    tpu.vector_store %arg4[%swap3A_120], %swap3A_123 {strides = array<i32>} : memref<96xi32, #tpu.memory_space<vmem>>, vector<16xi32>,
    %add3A_124 = arith.constant 32 : i32
    %add3A_125 = arith.addi %add3A_112, %add3A_124 : i32
    %mul3A_126 = arith.constant 2 : i32
    %mul3A_127 = vector.broadcast %mul3A_126 : i32 to vector<16xi32>
    %mul3A_128 = arith.muli %mul3A_127, %iota3A : vector<16xi32>
    %add3A_129 = vector.broadcast %add3A_125 : i32 to vector<16xi32>
    %add3A_130 = arith.addi %add3A_129, %mul3A_128 : vector<16xi32>
    %swap3A_131 = arith.constant 16 : index
    %swap3A_132 = tpu.vector_load %arg4[%swap3A_131] {strides = array<i32>} : memref<96xi32, #tpu.memory_space<vmem>>, vector<16xi32>,
    %swap3A_133 = vector.shape_cast %swap3A_132 : vector<16xi32> to vector<16xi32>
    %swap3A_134 = vector.shape_cast %add3A_130 : vector<16xi32> to vector<16xi32>
    tpu.vector_store %arg4[%swap3A_131], %swap3A_134 {strides = array<i32>} : memref<96xi32, #tpu.memory_space<vmem>>, vector<16xi32>,
    %add3A_135 = arith.constant 64 : i32
    %add3A_136 = arith.addi %add3A_112, %add3A_135 : i32
    %mul3A_137 = arith.constant 2 : i32
    %mul3A_138 = vector.broadcast %mul3A_137 : i32 to vector<16xi32>
    %mul3A_139 = arith.muli %mul3A_138, %iota3A : vector<16xi32>
    %add3A_140 = vector.broadcast %add3A_136 : i32 to vector<16xi32>
    %add3A_141 = arith.addi %add3A_140, %mul3A_139 : vector<16xi32>
    %swap3A_142 = arith.constant 32 : index
    %swap3A_143 = tpu.vector_load %arg4[%swap3A_142] {strides = array<i32>} : memref<96xi32, #tpu.memory_space<vmem>>, vector<16xi32>,
    %swap3A_144 = vector.shape_cast %swap3A_143 : vector<16xi32> to vector<16xi32>
    %swap3A_145 = vector.shape_cast %add3A_141 : vector<16xi32> to vector<16xi32>
    tpu.vector_store %arg4[%swap3A_142], %swap3A_145 {strides = array<i32>} : memref<96xi32, #tpu.memory_space<vmem>>, vector<16xi32>,
    %add3A_146 = arith.constant 96 : i32
    %add3A_147 = arith.addi %add3A_112, %add3A_146 : i32
    %mul3A_148 = arith.constant 2 : i32
    %mul3A_149 = vector.broadcast %mul3A_148 : i32 to vector<16xi32>
    %mul3A_150 = arith.muli %mul3A_149, %iota3A : vector<16xi32>
    %add3A_151 = vector.broadcast %add3A_147 : i32 to vector<16xi32>
    %add3A_152 = arith.addi %add3A_151, %mul3A_150 : vector<16xi32>
    %swap3A_153 = arith.constant 48 : index
    %swap3A_154 = tpu.vector_load %arg4[%swap3A_153] {strides = array<i32>} : memref<96xi32, #tpu.memory_space<vmem>>, vector<16xi32>,
    %swap3A_155 = vector.shape_cast %swap3A_154 : vector<16xi32> to vector<16xi32>
    %swap3A_156 = vector.shape_cast %add3A_152 : vector<16xi32> to vector<16xi32>
    tpu.vector_store %arg4[%swap3A_153], %swap3A_156 {strides = array<i32>} : memref<96xi32, #tpu.memory_space<vmem>>, vector<16xi32>,
    %add3A_157 = arith.constant 128 : i32
    %add3A_158 = arith.addi %add3A_112, %add3A_157 : i32
    %mul3A_159 = arith.constant 2 : i32
    %mul3A_160 = vector.broadcast %mul3A_159 : i32 to vector<16xi32>
    %mul3A_161 = arith.muli %mul3A_160, %iota3A : vector<16xi32>
    %add3A_162 = vector.broadcast %add3A_158 : i32 to vector<16xi32>
    %add3A_163 = arith.addi %add3A_162, %mul3A_161 : vector<16xi32>
    %swap3A_164 = arith.constant 64 : index
    %swap3A_165 = tpu.vector_load %arg4[%swap3A_164] {strides = array<i32>} : memref<96xi32, #tpu.memory_space<vmem>>, vector<16xi32>,
    %swap3A_166 = vector.shape_cast %swap3A_165 : vector<16xi32> to vector<16xi32>
    %swap3A_167 = vector.shape_cast %add3A_163 : vector<16xi32> to vector<16xi32>
    tpu.vector_store %arg4[%swap3A_164], %swap3A_167 {strides = array<i32>} : memref<96xi32, #tpu.memory_space<vmem>>, vector<16xi32>,
    %add3A_168 = arith.constant 160 : i32
    %add3A_169 = arith.addi %add3A_112, %add3A_168 : i32
    %mul3A_170 = arith.constant 2 : i32
    %mul3A_171 = vector.broadcast %mul3A_170 : i32 to vector<16xi32>
    %mul3A_172 = arith.muli %mul3A_171, %iota3A : vector<16xi32>
    %add3A_173 = vector.broadcast %add3A_169 : i32 to vector<16xi32>
    %add3A_174 = arith.addi %add3A_173, %mul3A_172 : vector<16xi32>
    %swap3A_175 = arith.constant 80 : index
    %swap3A_176 = tpu.vector_load %arg4[%swap3A_175] {strides = array<i32>} : memref<96xi32, #tpu.memory_space<vmem>>, vector<16xi32>,
    %swap3A_177 = vector.shape_cast %swap3A_176 : vector<16xi32> to vector<16xi32>
    %swap3A_178 = vector.shape_cast %add3A_174 : vector<16xi32> to vector<16xi32>
    tpu.vector_store %arg4[%swap3A_175], %swap3A_178 {strides = array<i32>} : memref<96xi32, #tpu.memory_space<vmem>>, vector<16xi32>,
    %dma_start3A = arith.constant 0 : i32
    %dma_start3A_179 = arith.constant 0 : i32
    %dma_start3A_180 = tpu.memref_slice %arg2[%dma_start3A, %dma_start3A_179] : memref<147456x384xf32, #tpu.memory_space<hbm>> -> memref<147456x384xf32, #tpu.memory_space<hbm>>
    tpu.enqueue_indirect_dma source(%dma_start3A_180 : memref<147456x384xf32, #tpu.memory_space<hbm>>) target(%arg7 : memref<96x384xf32, #tpu.memory_space<vmem>>) offsets(%arg4 : memref<96xi32, #tpu.memory_space<vmem>>) semaphore(%arg11 : memref<!tpu.dma_semaphore, #tpu.memory_space<semaphore_mem>>)
    %jit3A_181 = arith.constant 1 : i32
    %jit3A_182 = arith.constant 2 : i32
    %div3A_183 = arith.divsi %jit3A_181, %jit3A_182 : i32
    %sign3A_184 = arith.constant 0 : i32
    %sign3A_185 = arith.cmpi sgt, %jit3A_181, %sign3A_184 : i32
    %sign3A_186 = arith.extui %sign3A_185 : i1 to i32
    %sign3A_187 = arith.constant 0 : i32
    %sign3A_188 = arith.cmpi slt, %jit3A_181, %sign3A_187 : i32
    %sign3A_189 = arith.extui %sign3A_188 : i1 to i32
    %sign3A_190 = arith.subi %sign3A_186, %sign3A_189 : i32
    %sign3A_191 = arith.constant 0 : i32
    %sign3A_192 = arith.cmpi sgt, %jit3A_182, %sign3A_191 : i32
    %sign3A_193 = arith.extui %sign3A_192 : i1 to i32
    %sign3A_194 = arith.constant 0 : i32
    %sign3A_195 = arith.cmpi slt, %jit3A_182, %sign3A_194 : i32
    %sign3A_196 = arith.extui %sign3A_195 : i1 to i32
    %sign3A_197 = arith.subi %sign3A_193, %sign3A_196 : i32
    %ne3A_198 = arith.cmpi ne, %sign3A_190, %sign3A_197 : i32
    %rem3A_199 = arith.remsi %jit3A_181, %jit3A_182 : i32
    %ne3A_200 = arith.constant 0 : i32
    %ne3A_201 = arith.cmpi ne, %rem3A_199, %ne3A_200 : i32
    %and3A_202 = arith.andi %ne3A_198, %ne3A_201 : i1
    %sub3A_203 = arith.constant 1 : i32
    %sub3A_204 = arith.subi %div3A_183, %sub3A_203 : i32
    %select_n3A_205 = arith.select %and3A_202, %sub3A_204, %div3A_183 : i32
    %add3A_206 = arith.addi %mul3A_2, %select_n3A_205 : i32
    %mul3A_207 = arith.constant 384 : i32
    %mul3A_208 = arith.muli %add3A_206, %mul3A_207 : i32
    %jit3A_209 = arith.constant 1 : i32
    %jit3A_210 = arith.constant 2 : i32
    %eq3A_211 = arith.constant 0 : i32
    %eq3A_212 = arith.cmpi eq, %jit3A_210, %eq3A_211 : i32
    %jit3A_213 = arith.constant 1 : i32
    %select_n3A_214 = arith.select %eq3A_212, %jit3A_213, %jit3A_210 : i32
    %rem3A_215 = arith.remsi %jit3A_209, %select_n3A_214 : i32
    %ne3A_216 = arith.constant 0 : i32
    %ne3A_217 = arith.cmpi ne, %rem3A_215, %ne3A_216 : i32
    %lt3A_218 = arith.constant 0 : i32
    %lt3A_219 = arith.cmpi slt, %rem3A_215, %lt3A_218 : i32
    %lt3A_220 = arith.constant 0 : i32
    %lt3A_221 = arith.cmpi slt, %select_n3A_214, %lt3A_220 : i32
    %ne3A_222 = arith.xori %lt3A_219, %lt3A_221 : i1
    %and3A_223 = arith.andi %ne3A_222, %ne3A_217 : i1
    %add3A_224 = arith.addi %rem3A_215, %select_n3A_214 : i32
    %select_n3A_225 = arith.select %and3A_223, %add3A_224, %rem3A_215 : i32
    %mul3A_226 = arith.constant 192 : i32
    %mul3A_227 = arith.muli %select_n3A_225, %mul3A_226 : i32
    %add3A_228 = arith.addi %mul3A_208, %mul3A_227 : i32
    %add3A_229 = arith.constant 0 : i32
    %add3A_230 = arith.addi %add3A_228, %add3A_229 : i32
    %mul3A_231 = arith.constant 2 : i32
    %mul3A_232 = vector.broadcast %mul3A_231 : i32 to vector<16xi32>
    %mul3A_233 = arith.muli %mul3A_232, %iota3A : vector<16xi32>
    %add3A_234 = vector.broadcast %add3A_230 : i32 to vector<16xi32>
    %add3A_235 = arith.addi %add3A_234, %mul3A_233 : vector<16xi32>
    %swap3A_236 = arith.constant 0 : index
    %swap3A_237 = tpu.vector_load %arg5[%swap3A_236] {strides = array<i32>} : memref<96xi32, #tpu.memory_space<vmem>>, vector<16xi32>,
    %swap3A_238 = vector.shape_cast %swap3A_237 : vector<16xi32> to vector<16xi32>
    %swap3A_239 = vector.shape_cast %add3A_235 : vector<16xi32> to vector<16xi32>
    tpu.vector_store %arg5[%swap3A_236], %swap3A_239 {strides = array<i32>} : memref<96xi32, #tpu.memory_space<vmem>>, vector<16xi32>,
    %add3A_240 = arith.constant 32 : i32
    %add3A_241 = arith.addi %add3A_228, %add3A_240 : i32
    %mul3A_242 = arith.constant 2 : i32
    %mul3A_243 = vector.broadcast %mul3A_242 : i32 to vector<16xi32>
    %mul3A_244 = arith.muli %mul3A_243, %iota3A : vector<16xi32>
    %add3A_245 = vector.broadcast %add3A_241 : i32 to vector<16xi32>
    %add3A_246 = arith.addi %add3A_245, %mul3A_244 : vector<16xi32>
    %swap3A_247 = arith.constant 16 : index
    %swap3A_248 = tpu.vector_load %arg5[%swap3A_247] {strides = array<i32>} : memref<96xi32, #tpu.memory_space<vmem>>, vector<16xi32>,
    %swap3A_249 = vector.shape_cast %swap3A_248 : vector<16xi32> to vector<16xi32>
    %swap3A_250 = vector.shape_cast %add3A_246 : vector<16xi32> to vector<16xi32>
    tpu.vector_store %arg5[%swap3A_247], %swap3A_250 {strides = array<i32>} : memref<96xi32, #tpu.memory_space<vmem>>, vector<16xi32>,
    %add3A_251 = arith.constant 64 : i32
    %add3A_252 = arith.addi %add3A_228, %add3A_251 : i32
    %mul3A_253 = arith.constant 2 : i32
    %mul3A_254 = vector.broadcast %mul3A_253 : i32 to vector<16xi32>
    %mul3A_255 = arith.muli %mul3A_254, %iota3A : vector<16xi32>
    %add3A_256 = vector.broadcast %add3A_252 : i32 to vector<16xi32>
    %add3A_257 = arith.addi %add3A_256, %mul3A_255 : vector<16xi32>
    %swap3A_258 = arith.constant 32 : index
    %swap3A_259 = tpu.vector_load %arg5[%swap3A_258] {strides = array<i32>} : memref<96xi32, #tpu.memory_space<vmem>>, vector<16xi32>,
    %swap3A_260 = vector.shape_cast %swap3A_259 : vector<16xi32> to vector<16xi32>
    %swap3A_261 = vector.shape_cast %add3A_257 : vector<16xi32> to vector<16xi32>
    tpu.vector_store %arg5[%swap3A_258], %swap3A_261 {strides = array<i32>} : memref<96xi32, #tpu.memory_space<vmem>>, vector<16xi32>,
    %add3A_262 = arith.constant 96 : i32
    %add3A_263 = arith.addi %add3A_228, %add3A_262 : i32
    %mul3A_264 = arith.constant 2 : i32
    %mul3A_265 = vector.broadcast %mul3A_264 : i32 to vector<16xi32>
    %mul3A_266 = arith.muli %mul3A_265, %iota3A : vector<16xi32>
    %add3A_267 = vector.broadcast %add3A_263 : i32 to vector<16xi32>
    %add3A_268 = arith.addi %add3A_267, %mul3A_266 : vector<16xi32>
    %swap3A_269 = arith.constant 48 : index
    %swap3A_270 = tpu.vector_load %arg5[%swap3A_269] {strides = array<i32>} : memref<96xi32, #tpu.memory_space<vmem>>, vector<16xi32>,
    %swap3A_271 = vector.shape_cast %swap3A_270 : vector<16xi32> to vector<16xi32>
    %swap3A_272 = vector.shape_cast %add3A_268 : vector<16xi32> to vector<16xi32>
    tpu.vector_store %arg5[%swap3A_269], %swap3A_272 {strides = array<i32>} : memref<96xi32, #tpu.memory_space<vmem>>, vector<16xi32>,
    %add3A_273 = arith.constant 128 : i32
    %add3A_274 = arith.addi %add3A_228, %add3A_273 : i32
    %mul3A_275 = arith.constant 2 : i32
    %mul3A_276 = vector.broadcast %mul3A_275 : i32 to vector<16xi32>
    %mul3A_277 = arith.muli %mul3A_276, %iota3A : vector<16xi32>
    %add3A_278 = vector.broadcast %add3A_274 : i32 to vector<16xi32>
    %add3A_279 = arith.addi %add3A_278, %mul3A_277 : vector<16xi32>
    %swap3A_280 = arith.constant 64 : index
    %swap3A_281 = tpu.vector_load %arg5[%swap3A_280] {strides = array<i32>} : memref<96xi32, #tpu.memory_space<vmem>>, vector<16xi32>,
    %swap3A_282 = vector.shape_cast %swap3A_281 : vector<16xi32> to vector<16xi32>
    %swap3A_283 = vector.shape_cast %add3A_279 : vector<16xi32> to vector<16xi32>
    tpu.vector_store %arg5[%swap3A_280], %swap3A_283 {strides = array<i32>} : memref<96xi32, #tpu.memory_space<vmem>>, vector<16xi32>,
    %add3A_284 = arith.constant 160 : i32
    %add3A_285 = arith.addi %add3A_228, %add3A_284 : i32
    %mul3A_286 = arith.constant 2 : i32
    %mul3A_287 = vector.broadcast %mul3A_286 : i32 to vector<16xi32>
    %mul3A_288 = arith.muli %mul3A_287, %iota3A : vector<16xi32>
    %add3A_289 = vector.broadcast %add3A_285 : i32 to vector<16xi32>
    %add3A_290 = arith.addi %add3A_289, %mul3A_288 : vector<16xi32>
    %swap3A_291 = arith.constant 80 : index
    %swap3A_292 = tpu.vector_load %arg5[%swap3A_291] {strides = array<i32>} : memref<96xi32, #tpu.memory_space<vmem>>, vector<16xi32>,
    %swap3A_293 = vector.shape_cast %swap3A_292 : vector<16xi32> to vector<16xi32>
    %swap3A_294 = vector.shape_cast %add3A_290 : vector<16xi32> to vector<16xi32>
    tpu.vector_store %arg5[%swap3A_291], %swap3A_294 {strides = array<i32>} : memref<96xi32, #tpu.memory_space<vmem>>, vector<16xi32>,
    %dma_start3A_295 = arith.constant 0 : i32
    %dma_start3A_296 = arith.constant 0 : i32
    %dma_start3A_297 = tpu.memref_slice %arg2[%dma_start3A_295, %dma_start3A_296] : memref<147456x384xf32, #tpu.memory_space<hbm>> -> memref<147456x384xf32, #tpu.memory_space<hbm>>
    tpu.enqueue_indirect_dma source(%dma_start3A_297 : memref<147456x384xf32, #tpu.memory_space<hbm>>) target(%arg8 : memref<96x384xf32, #tpu.memory_space<vmem>>) offsets(%arg5 : memref<96xi32, #tpu.memory_space<vmem>>) semaphore(%arg12 : memref<!tpu.dma_semaphore, #tpu.memory_space<semaphore_mem>>)
    %jit3A_298 = arith.constant 2 : i32
    %jit3A_299 = arith.constant 2 : i32
    %div3A_300 = arith.divsi %jit3A_298, %jit3A_299 : i32
    %sign3A_301 = arith.constant 0 : i32
    %sign3A_302 = arith.cmpi sgt, %jit3A_298, %sign3A_301 : i32
    %sign3A_303 = arith.extui %sign3A_302 : i1 to i32
    %sign3A_304 = arith.constant 0 : i32
    %sign3A_305 = arith.cmpi slt, %jit3A_298, %sign3A_304 : i32
    %sign3A_306 = arith.extui %sign3A_305 : i1 to i32
    %sign3A_307 = arith.subi %sign3A_303, %sign3A_306 : i32
    %sign3A_308 = arith.constant 0 : i32
    %sign3A_309 = arith.cmpi sgt, %jit3A_299, %sign3A_308 : i32
    %sign3A_310 = arith.extui %sign3A_309 : i1 to i32
    %sign3A_311 = arith.constant 0 : i32
    %sign3A_312 = arith.cmpi slt, %jit3A_299, %sign3A_311 : i32
    %sign3A_313 = arith.extui %sign3A_312 : i1 to i32
    %sign3A_314 = arith.subi %sign3A_310, %sign3A_313 : i32
    %ne3A_315 = arith.cmpi ne, %sign3A_307, %sign3A_314 : i32
    %rem3A_316 = arith.remsi %jit3A_298, %jit3A_299 : i32
    %ne3A_317 = arith.constant 0 : i32
    %ne3A_318 = arith.cmpi ne, %rem3A_316, %ne3A_317 : i32
    %and3A_319 = arith.andi %ne3A_315, %ne3A_318 : i1
    %sub3A_320 = arith.constant 1 : i32
    %sub3A_321 = arith.subi %div3A_300, %sub3A_320 : i32
    %select_n3A_322 = arith.select %and3A_319, %sub3A_321, %div3A_300 : i32
    %add3A_323 = arith.addi %mul3A_2, %select_n3A_322 : i32
    %mul3A_324 = arith.constant 384 : i32
    %mul3A_325 = arith.muli %add3A_323, %mul3A_324 : i32
    %jit3A_326 = arith.constant 2 : i32
    %jit3A_327 = arith.constant 2 : i32
    %eq3A_328 = arith.constant 0 : i32
    %eq3A_329 = arith.cmpi eq, %jit3A_327, %eq3A_328 : i32
    %jit3A_330 = arith.constant 1 : i32
    %select_n3A_331 = arith.select %eq3A_329, %jit3A_330, %jit3A_327 : i32
    %rem3A_332 = arith.remsi %jit3A_326, %select_n3A_331 : i32
    %ne3A_333 = arith.constant 0 : i32
    %ne3A_334 = arith.cmpi ne, %rem3A_332, %ne3A_333 : i32
    %lt3A_335 = arith.constant 0 : i32
    %lt3A_336 = arith.cmpi slt, %rem3A_332, %lt3A_335 : i32
    %lt3A_337 = arith.constant 0 : i32
    %lt3A_338 = arith.cmpi slt, %select_n3A_331, %lt3A_337 : i32
    %ne3A_339 = arith.xori %lt3A_336, %lt3A_338 : i1
    %and3A_340 = arith.andi %ne3A_339, %ne3A_334 : i1
    %add3A_341 = arith.addi %rem3A_332, %select_n3A_331 : i32
    %select_n3A_342 = arith.select %and3A_340, %add3A_341, %rem3A_332 : i32
    %mul3A_343 = arith.constant 192 : i32
    %mul3A_344 = arith.muli %select_n3A_342, %mul3A_343 : i32
    %add3A_345 = arith.addi %mul3A_325, %mul3A_344 : i32
    %add3A_346 = arith.constant 0 : i32
    %add3A_347 = arith.addi %add3A_345, %add3A_346 : i32
    %mul3A_348 = arith.constant 2 : i32
    %mul3A_349 = vector.broadcast %mul3A_348 : i32 to vector<16xi32>
    %mul3A_350 = arith.muli %mul3A_349, %iota3A : vector<16xi32>
    %add3A_351 = vector.broadcast %add3A_347 : i32 to vector<16xi32>
    %add3A_352 = arith.addi %add3A_351, %mul3A_350 : vector<16xi32>
    %swap3A_353 = arith.constant 0 : index
    %swap3A_354 = tpu.vector_load %arg6[%swap3A_353] {strides = array<i32>} : memref<96xi32, #tpu.memory_space<vmem>>, vector<16xi32>,
    %swap3A_355 = vector.shape_cast %swap3A_354 : vector<16xi32> to vector<16xi32>
    %swap3A_356 = vector.shape_cast %add3A_352 : vector<16xi32> to vector<16xi32>
    tpu.vector_store %arg6[%swap3A_353], %swap3A_356 {strides = array<i32>} : memref<96xi32, #tpu.memory_space<vmem>>, vector<16xi32>,
    %add3A_357 = arith.constant 32 : i32
    %add3A_358 = arith.addi %add3A_345, %add3A_357 : i32
    %mul3A_359 = arith.constant 2 : i32
    %mul3A_360 = vector.broadcast %mul3A_359 : i32 to vector<16xi32>
    %mul3A_361 = arith.muli %mul3A_360, %iota3A : vector<16xi32>
    %add3A_362 = vector.broadcast %add3A_358 : i32 to vector<16xi32>
    %add3A_363 = arith.addi %add3A_362, %mul3A_361 : vector<16xi32>
    %swap3A_364 = arith.constant 16 : index
    %swap3A_365 = tpu.vector_load %arg6[%swap3A_364] {strides = array<i32>} : memref<96xi32, #tpu.memory_space<vmem>>, vector<16xi32>,
    %swap3A_366 = vector.shape_cast %swap3A_365 : vector<16xi32> to vector<16xi32>
    %swap3A_367 = vector.shape_cast %add3A_363 : vector<16xi32> to vector<16xi32>
    tpu.vector_store %arg6[%swap3A_364], %swap3A_367 {strides = array<i32>} : memref<96xi32, #tpu.memory_space<vmem>>, vector<16xi32>,
    %add3A_368 = arith.constant 64 : i32
    %add3A_369 = arith.addi %add3A_345, %add3A_368 : i32
    %mul3A_370 = arith.constant 2 : i32
    %mul3A_371 = vector.broadcast %mul3A_370 : i32 to vector<16xi32>
    %mul3A_372 = arith.muli %mul3A_371, %iota3A : vector<16xi32>
    %add3A_373 = vector.broadcast %add3A_369 : i32 to vector<16xi32>
    %add3A_374 = arith.addi %add3A_373, %mul3A_372 : vector<16xi32>
    %swap3A_375 = arith.constant 32 : index
    %swap3A_376 = tpu.vector_load %arg6[%swap3A_375] {strides = array<i32>} : memref<96xi32, #tpu.memory_space<vmem>>, vector<16xi32>,
    %swap3A_377 = vector.shape_cast %swap3A_376 : vector<16xi32> to vector<16xi32>
    %swap3A_378 = vector.shape_cast %add3A_374 : vector<16xi32> to vector<16xi32>
    tpu.vector_store %arg6[%swap3A_375], %swap3A_378 {strides = array<i32>} : memref<96xi32, #tpu.memory_space<vmem>>, vector<16xi32>,
    %add3A_379 = arith.constant 96 : i32
    %add3A_380 = arith.addi %add3A_345, %add3A_379 : i32
    %mul3A_381 = arith.constant 2 : i32
    %mul3A_382 = vector.broadcast %mul3A_381 : i32 to vector<16xi32>
    %mul3A_383 = arith.muli %mul3A_382, %iota3A : vector<16xi32>
    %add3A_384 = vector.broadcast %add3A_380 : i32 to vector<16xi32>
    %add3A_385 = arith.addi %add3A_384, %mul3A_383 : vector<16xi32>
    %swap3A_386 = arith.constant 48 : index
    %swap3A_387 = tpu.vector_load %arg6[%swap3A_386] {strides = array<i32>} : memref<96xi32, #tpu.memory_space<vmem>>, vector<16xi32>,
    %swap3A_388 = vector.shape_cast %swap3A_387 : vector<16xi32> to vector<16xi32>
    %swap3A_389 = vector.shape_cast %add3A_385 : vector<16xi32> to vector<16xi32>
    tpu.vector_store %arg6[%swap3A_386], %swap3A_389 {strides = array<i32>} : memref<96xi32, #tpu.memory_space<vmem>>, vector<16xi32>,
    %add3A_390 = arith.constant 128 : i32
    %add3A_391 = arith.addi %add3A_345, %add3A_390 : i32
    %mul3A_392 = arith.constant 2 : i32
    %mul3A_393 = vector.broadcast %mul3A_392 : i32 to vector<16xi32>
    %mul3A_394 = arith.muli %mul3A_393, %iota3A : vector<16xi32>
    %add3A_395 = vector.broadcast %add3A_391 : i32 to vector<16xi32>
    %add3A_396 = arith.addi %add3A_395, %mul3A_394 : vector<16xi32>
    %swap3A_397 = arith.constant 64 : index
    %swap3A_398 = tpu.vector_load %arg6[%swap3A_397] {strides = array<i32>} : memref<96xi32, #tpu.memory_space<vmem>>, vector<16xi32>,
    %swap3A_399 = vector.shape_cast %swap3A_398 : vector<16xi32> to vector<16xi32>
    %swap3A_400 = vector.shape_cast %add3A_396 : vector<16xi32> to vector<16xi32>
    tpu.vector_store %arg6[%swap3A_397], %swap3A_400 {strides = array<i32>} : memref<96xi32, #tpu.memory_space<vmem>>, vector<16xi32>,
    %add3A_401 = arith.constant 160 : i32
    %add3A_402 = arith.addi %add3A_345, %add3A_401 : i32
    %mul3A_403 = arith.constant 2 : i32
    %mul3A_404 = vector.broadcast %mul3A_403 : i32 to vector<16xi32>
    %mul3A_405 = arith.muli %mul3A_404, %iota3A : vector<16xi32>
    %add3A_406 = vector.broadcast %add3A_402 : i32 to vector<16xi32>
    %add3A_407 = arith.addi %add3A_406, %mul3A_405 : vector<16xi32>
    %swap3A_408 = arith.constant 80 : index
    %swap3A_409 = tpu.vector_load %arg6[%swap3A_408] {strides = array<i32>} : memref<96xi32, #tpu.memory_space<vmem>>, vector<16xi32>,
    %swap3A_410 = vector.shape_cast %swap3A_409 : vector<16xi32> to vector<16xi32>
    %swap3A_411 = vector.shape_cast %add3A_407 : vector<16xi32> to vector<16xi32>
    tpu.vector_store %arg6[%swap3A_408], %swap3A_411 {strides = array<i32>} : memref<96xi32, #tpu.memory_space<vmem>>, vector<16xi32>,
    %dma_start3A_412 = arith.constant 0 : i32
    %dma_start3A_413 = arith.constant 0 : i32
    %dma_start3A_414 = tpu.memref_slice %arg2[%dma_start3A_412, %dma_start3A_413] : memref<147456x384xf32, #tpu.memory_space<hbm>> -> memref<147456x384xf32, #tpu.memory_space<hbm>>
    tpu.enqueue_indirect_dma source(%dma_start3A_414 : memref<147456x384xf32, #tpu.memory_space<hbm>>) target(%arg9 : memref<96x384xf32, #tpu.memory_space<vmem>>) offsets(%arg6 : memref<96xi32, #tpu.memory_space<vmem>>) semaphore(%arg13 : memref<!tpu.dma_semaphore, #tpu.memory_space<semaphore_mem>>)
    %scan3A = arith.constant 0 : i32
    %scan3A_415 = arith.constant 0 : i32
    %scan3A_416 = arith.constant 7 : i32
    %scan3A_417 = arith.addi %scan3A_415, %scan3A_416 : i32
    %scan3A_418 = arith.constant 1 : i32
    scf.for %scan3A_559 = %scan3A_415 to %scan3A_417 step %scan3A_418  : i32 {
      %mul3A_560 = arith.constant 3 : i32
      %mul3A_561 = arith.muli %scan3A_559, %mul3A_560 : i32
      %add3A_562 = arith.constant 0 : i32
      %add3A_563 = arith.addi %mul3A_561, %add3A_562 : i32
      %dma_wait3A_564 = arith.constant 0 : i32
      %dma_wait3A_565 = arith.constant 0 : i32
      %dma_wait3A_566 = tpu.memref_slice %arg2[%dma_wait3A_564, %dma_wait3A_565] : memref<147456x384xf32, #tpu.memory_space<hbm>> -> memref<147456x384xf32, #tpu.memory_space<hbm>>
      tpu.wait_indirect_dma semaphore(%arg11 : memref<!tpu.dma_semaphore, #tpu.memory_space<semaphore_mem>>) src(%dma_wait3A_566 : memref<147456x384xf32, #tpu.memory_space<hbm>>) dst(%arg7 : memref<96x384xf32, #tpu.memory_space<vmem>>)
      %scan3A_567 = arith.constant 0 : i32
      %scan3A_568 = arith.constant 96 : i32
      %scan3A_569 = arith.addi %scan3A_567, %scan3A_568 : i32
      %scan3A_570 = arith.constant 1 : i32
      %scan3A_571:4 = scf.for %scan3A_1061 = %scan3A_567 to %scan3A_569 step %scan3A_570 iter_args(%scan3A_1062 = %broadcast_in_dim3A_3, %scan3A_1063 = %broadcast_in_dim3A_3, %scan3A_1064 = %broadcast_in_dim3A_3, %scan3A_1065 = %broadcast_in_dim3A_3) -> (vector<16xf32>, vector<16xf32>, vector<16xf32>, vector<16xf32>)  : i32 {
        %get3A_1066 = arith.index_cast %scan3A_1061 : i32 to index
        %get3A_1067 = arith.constant 0 : index
        %get3A_1068 = tpu.vector_load %arg7[%get3A_1066, %get3A_1067] {strides = array<i32>} : memref<96x384xf32, #tpu.memory_space<vmem>>, vector<1x16xf32>,
        %get3A_1069 = vector.shape_cast %get3A_1068 : vector<1x16xf32> to vector<16xf32>
        %add3A_1070 = arith.addf %scan3A_1062, %get3A_1069 : vector<16xf32>
        %get3A_1071 = arith.index_cast %scan3A_1061 : i32 to index
        %get3A_1072 = arith.constant 16 : index
        %get3A_1073 = tpu.vector_load %arg7[%get3A_1071, %get3A_1072] {strides = array<i32>} : memref<96x384xf32, #tpu.memory_space<vmem>>, vector<1x16xf32>,
        %get3A_1074 = vector.shape_cast %get3A_1073 : vector<1x16xf32> to vector<16xf32>
        %add3A_1075 = arith.addf %scan3A_1063, %get3A_1074 : vector<16xf32>
        %get3A_1076 = arith.index_cast %scan3A_1061 : i32 to index
        %get3A_1077 = arith.constant 32 : index
        %get3A_1078 = tpu.vector_load %arg7[%get3A_1076, %get3A_1077] {strides = array<i32>} : memref<96x384xf32, #tpu.memory_space<vmem>>, vector<1x16xf32>,
        %get3A_1079 = vector.shape_cast %get3A_1078 : vector<1x16xf32> to vector<16xf32>
        %add3A_1080 = arith.addf %scan3A_1064, %get3A_1079 : vector<16xf32>
        %get3A_1081 = arith.index_cast %scan3A_1061 : i32 to index
        %get3A_1082 = arith.constant 48 : index
        %get3A_1083 = tpu.vector_load %arg7[%get3A_1081, %get3A_1082] {strides = array<i32>} : memref<96x384xf32, #tpu.memory_space<vmem>>, vector<1x16xf32>,
        %get3A_1084 = vector.shape_cast %get3A_1083 : vector<1x16xf32> to vector<16xf32>
        %add3A_1085 = arith.addf %scan3A_1065, %get3A_1084 : vector<16xf32>
        %get3A_1086 = arith.index_cast %scan3A_1061 : i32 to index
        %get3A_1087 = arith.constant 64 : index
        %get3A_1088 = tpu.vector_load %arg7[%get3A_1086, %get3A_1087] {strides = array<i32>} : memref<96x384xf32, #tpu.memory_space<vmem>>, vector<1x16xf32>,
        %get3A_1089 = vector.shape_cast %get3A_1088 : vector<1x16xf32> to vector<16xf32>
        %add3A_1090 = arith.addf %add3A_1070, %get3A_1089 : vector<16xf32>
        %get3A_1091 = arith.index_cast %scan3A_1061 : i32 to index
        %get3A_1092 = arith.constant 80 : index
        %get3A_1093 = tpu.vector_load %arg7[%get3A_1091, %get3A_1092] {strides = array<i32>} : memref<96x384xf32, #tpu.memory_space<vmem>>, vector<1x16xf32>,
        %get3A_1094 = vector.shape_cast %get3A_1093 : vector<1x16xf32> to vector<16xf32>
        %add3A_1095 = arith.addf %add3A_1075, %get3A_1094 : vector<16xf32>
        %get3A_1096 = arith.index_cast %scan3A_1061 : i32 to index
        %get3A_1097 = arith.constant 96 : index
        %get3A_1098 = tpu.vector_load %arg7[%get3A_1096, %get3A_1097] {strides = array<i32>} : memref<96x384xf32, #tpu.memory_space<vmem>>, vector<1x16xf32>,
        %get3A_1099 = vector.shape_cast %get3A_1098 : vector<1x16xf32> to vector<16xf32>
        %add3A_1100 = arith.addf %add3A_1080, %get3A_1099 : vector<16xf32>
        %get3A_1101 = arith.index_cast %scan3A_1061 : i32 to index
        %get3A_1102 = arith.constant 112 : index
        %get3A_1103 = tpu.vector_load %arg7[%get3A_1101, %get3A_1102] {strides = array<i32>} : memref<96x384xf32, #tpu.memory_space<vmem>>, vector<1x16xf32>,
        %get3A_1104 = vector.shape_cast %get3A_1103 : vector<1x16xf32> to vector<16xf32>
        %add3A_1105 = arith.addf %add3A_1085, %get3A_1104 : vector<16xf32>
        %get3A_1106 = arith.index_cast %scan3A_1061 : i32 to index
        %get3A_1107 = arith.constant 128 : index
        %get3A_1108 = tpu.vector_load %arg7[%get3A_1106, %get3A_1107] {strides = array<i32>} : memref<96x384xf32, #tpu.memory_space<vmem>>, vector<1x16xf32>,
        %get3A_1109 = vector.shape_cast %get3A_1108 : vector<1x16xf32> to vector<16xf32>
        %add3A_1110 = arith.addf %add3A_1090, %get3A_1109 : vector<16xf32>
        %get3A_1111 = arith.index_cast %scan3A_1061 : i32 to index
        %get3A_1112 = arith.constant 144 : index
        %get3A_1113 = tpu.vector_load %arg7[%get3A_1111, %get3A_1112] {strides = array<i32>} : memref<96x384xf32, #tpu.memory_space<vmem>>, vector<1x16xf32>,
        %get3A_1114 = vector.shape_cast %get3A_1113 : vector<1x16xf32> to vector<16xf32>
        %add3A_1115 = arith.addf %add3A_1095, %get3A_1114 : vector<16xf32>
        %get3A_1116 = arith.index_cast %scan3A_1061 : i32 to index
        %get3A_1117 = arith.constant 160 : index
        %get3A_1118 = tpu.vector_load %arg7[%get3A_1116, %get3A_1117] {strides = array<i32>} : memref<96x384xf32, #tpu.memory_space<vmem>>, vector<1x16xf32>,
        %get3A_1119 = vector.shape_cast %get3A_1118 : vector<1x16xf32> to vector<16xf32>
        %add3A_1120 = arith.addf %add3A_1100, %get3A_1119 : vector<16xf32>
        %get3A_1121 = arith.index_cast %scan3A_1061 : i32 to index
        %get3A_1122 = arith.constant 176 : index
        %get3A_1123 = tpu.vector_load %arg7[%get3A_1121, %get3A_1122] {strides = array<i32>} : memref<96x384xf32, #tpu.memory_space<vmem>>, vector<1x16xf32>,
        %get3A_1124 = vector.shape_cast %get3A_1123 : vector<1x16xf32> to vector<16xf32>
        %add3A_1125 = arith.addf %add3A_1105, %get3A_1124 : vector<16xf32>
        %get3A_1126 = arith.index_cast %scan3A_1061 : i32 to index
        %get3A_1127 = arith.constant 192 : index
        %get3A_1128 = tpu.vector_load %arg7[%get3A_1126, %get3A_1127] {strides = array<i32>} : memref<96x384xf32, #tpu.memory_space<vmem>>, vector<1x16xf32>,
        %get3A_1129 = vector.shape_cast %get3A_1128 : vector<1x16xf32> to vector<16xf32>
        %add3A_1130 = arith.addf %add3A_1110, %get3A_1129 : vector<16xf32>
        %get3A_1131 = arith.index_cast %scan3A_1061 : i32 to index
        %get3A_1132 = arith.constant 208 : index
        %get3A_1133 = tpu.vector_load %arg7[%get3A_1131, %get3A_1132] {strides = array<i32>} : memref<96x384xf32, #tpu.memory_space<vmem>>, vector<1x16xf32>,
        %get3A_1134 = vector.shape_cast %get3A_1133 : vector<1x16xf32> to vector<16xf32>
        %add3A_1135 = arith.addf %add3A_1115, %get3A_1134 : vector<16xf32>
        %get3A_1136 = arith.index_cast %scan3A_1061 : i32 to index
        %get3A_1137 = arith.constant 224 : index
        %get3A_1138 = tpu.vector_load %arg7[%get3A_1136, %get3A_1137] {strides = array<i32>} : memref<96x384xf32, #tpu.memory_space<vmem>>, vector<1x16xf32>,
        %get3A_1139 = vector.shape_cast %get3A_1138 : vector<1x16xf32> to vector<16xf32>
        %add3A_1140 = arith.addf %add3A_1120, %get3A_1139 : vector<16xf32>
        %get3A_1141 = arith.index_cast %scan3A_1061 : i32 to index
        %get3A_1142 = arith.constant 240 : index
        %get3A_1143 = tpu.vector_load %arg7[%get3A_1141, %get3A_1142] {strides = array<i32>} : memref<96x384xf32, #tpu.memory_space<vmem>>, vector<1x16xf32>,
        %get3A_1144 = vector.shape_cast %get3A_1143 : vector<1x16xf32> to vector<16xf32>
        %add3A_1145 = arith.addf %add3A_1125, %get3A_1144 : vector<16xf32>
        %get3A_1146 = arith.index_cast %scan3A_1061 : i32 to index
        %get3A_1147 = arith.constant 256 : index
        %get3A_1148 = tpu.vector_load %arg7[%get3A_1146, %get3A_1147] {strides = array<i32>} : memref<96x384xf32, #tpu.memory_space<vmem>>, vector<1x16xf32>,
        %get3A_1149 = vector.shape_cast %get3A_1148 : vector<1x16xf32> to vector<16xf32>
        %add3A_1150 = arith.addf %add3A_1130, %get3A_1149 : vector<16xf32>
        %get3A_1151 = arith.index_cast %scan3A_1061 : i32 to index
        %get3A_1152 = arith.constant 272 : index
        %get3A_1153 = tpu.vector_load %arg7[%get3A_1151, %get3A_1152] {strides = array<i32>} : memref<96x384xf32, #tpu.memory_space<vmem>>, vector<1x16xf32>,
        %get3A_1154 = vector.shape_cast %get3A_1153 : vector<1x16xf32> to vector<16xf32>
        %add3A_1155 = arith.addf %add3A_1135, %get3A_1154 : vector<16xf32>
        %get3A_1156 = arith.index_cast %scan3A_1061 : i32 to index
        %get3A_1157 = arith.constant 288 : index
        %get3A_1158 = tpu.vector_load %arg7[%get3A_1156, %get3A_1157] {strides = array<i32>} : memref<96x384xf32, #tpu.memory_space<vmem>>, vector<1x16xf32>,
        %get3A_1159 = vector.shape_cast %get3A_1158 : vector<1x16xf32> to vector<16xf32>
        %add3A_1160 = arith.addf %add3A_1140, %get3A_1159 : vector<16xf32>
        %get3A_1161 = arith.index_cast %scan3A_1061 : i32 to index
        %get3A_1162 = arith.constant 304 : index
        %get3A_1163 = tpu.vector_load %arg7[%get3A_1161, %get3A_1162] {strides = array<i32>} : memref<96x384xf32, #tpu.memory_space<vmem>>, vector<1x16xf32>,
        %get3A_1164 = vector.shape_cast %get3A_1163 : vector<1x16xf32> to vector<16xf32>
        %add3A_1165 = arith.addf %add3A_1145, %get3A_1164 : vector<16xf32>
        %get3A_1166 = arith.index_cast %scan3A_1061 : i32 to index
        %get3A_1167 = arith.constant 320 : index
        %get3A_1168 = tpu.vector_load %arg7[%get3A_1166, %get3A_1167] {strides = array<i32>} : memref<96x384xf32, #tpu.memory_space<vmem>>, vector<1x16xf32>,
        %get3A_1169 = vector.shape_cast %get3A_1168 : vector<1x16xf32> to vector<16xf32>
        %add3A_1170 = arith.addf %add3A_1150, %get3A_1169 : vector<16xf32>
        %get3A_1171 = arith.index_cast %scan3A_1061 : i32 to index
        %get3A_1172 = arith.constant 336 : index
        %get3A_1173 = tpu.vector_load %arg7[%get3A_1171, %get3A_1172] {strides = array<i32>} : memref<96x384xf32, #tpu.memory_space<vmem>>, vector<1x16xf32>,
        %get3A_1174 = vector.shape_cast %get3A_1173 : vector<1x16xf32> to vector<16xf32>
        %add3A_1175 = arith.addf %add3A_1155, %get3A_1174 : vector<16xf32>
        %get3A_1176 = arith.index_cast %scan3A_1061 : i32 to index
        %get3A_1177 = arith.constant 352 : index
        %get3A_1178 = tpu.vector_load %arg7[%get3A_1176, %get3A_1177] {strides = array<i32>} : memref<96x384xf32, #tpu.memory_space<vmem>>, vector<1x16xf32>,
        %get3A_1179 = vector.shape_cast %get3A_1178 : vector<1x16xf32> to vector<16xf32>
        %add3A_1180 = arith.addf %add3A_1160, %get3A_1179 : vector<16xf32>
        %get3A_1181 = arith.index_cast %scan3A_1061 : i32 to index
        %get3A_1182 = arith.constant 368 : index
        %get3A_1183 = tpu.vector_load %arg7[%get3A_1181, %get3A_1182] {strides = array<i32>} : memref<96x384xf32, #tpu.memory_space<vmem>>, vector<1x16xf32>,
        %get3A_1184 = vector.shape_cast %get3A_1183 : vector<1x16xf32> to vector<16xf32>
        %add3A_1185 = arith.addf %add3A_1165, %get3A_1184 : vector<16xf32>
        scf.yield %add3A_1170, %add3A_1175, %add3A_1180, %add3A_1185 : vector<16xf32>, vector<16xf32>, vector<16xf32>, vector<16xf32>
      }
      %scan3A_572 = arith.constant 96 : i32
      %jit3A_573 = arith.constant 2 : i32
      %div3A_574 = arith.divsi %add3A_563, %jit3A_573 : i32
      %sign3A_575 = arith.constant 0 : i32
      %sign3A_576 = arith.cmpi sgt, %add3A_563, %sign3A_575 : i32
      %sign3A_577 = arith.extui %sign3A_576 : i1 to i32
      %sign3A_578 = arith.constant 0 : i32
      %sign3A_579 = arith.cmpi slt, %add3A_563, %sign3A_578 : i32
      %sign3A_580 = arith.extui %sign3A_579 : i1 to i32
      %sign3A_581 = arith.subi %sign3A_577, %sign3A_580 : i32
      %sign3A_582 = arith.constant 0 : i32
      %sign3A_583 = arith.cmpi sgt, %jit3A_573, %sign3A_582 : i32
      %sign3A_584 = arith.extui %sign3A_583 : i1 to i32
      %sign3A_585 = arith.constant 0 : i32
      %sign3A_586 = arith.cmpi slt, %jit3A_573, %sign3A_585 : i32
      %sign3A_587 = arith.extui %sign3A_586 : i1 to i32
      %sign3A_588 = arith.subi %sign3A_584, %sign3A_587 : i32
      %ne3A_589 = arith.cmpi ne, %sign3A_581, %sign3A_588 : i32
      %rem3A_590 = arith.remsi %add3A_563, %jit3A_573 : i32
      %ne3A_591 = arith.constant 0 : i32
      %ne3A_592 = arith.cmpi ne, %rem3A_590, %ne3A_591 : i32
      %and3A_593 = arith.andi %ne3A_589, %ne3A_592 : i1
      %sub3A_594 = arith.constant 1 : i32
      %sub3A_595 = arith.subi %div3A_574, %sub3A_594 : i32
      %select_n3A_596 = arith.select %and3A_593, %sub3A_595, %div3A_574 : i32
      %get3A_597 = arith.index_cast %select_n3A_596 : i32 to index
      %get3A_598 = arith.constant 0 : index
      %get3A_599 = tpu.vector_load %arg10[%get3A_597, %get3A_598] {strides = array<i32>} : memref<12x16xf32, #tpu.memory_space<vmem>>, vector<1x16xf32>,
      %get3A_600 = vector.shape_cast %get3A_599 : vector<1x16xf32> to vector<16xf32>
      %add3A_601 = arith.addf %scan3A_571#0, %scan3A_571#1 : vector<16xf32>
      %add3A_602 = arith.addf %scan3A_571#2, %scan3A_571#3 : vector<16xf32>
      %add3A_603 = arith.addf %add3A_601, %add3A_602 : vector<16xf32>
      %add3A_604 = arith.addf %get3A_600, %add3A_603 : vector<16xf32>
      %swap3A_605 = arith.index_cast %select_n3A_596 : i32 to index
      %swap3A_606 = arith.constant 0 : index
      %swap3A_607 = tpu.vector_load %arg10[%swap3A_605, %swap3A_606] {strides = array<i32>} : memref<12x16xf32, #tpu.memory_space<vmem>>, vector<1x16xf32>,
      %swap3A_608 = vector.shape_cast %swap3A_607 : vector<1x16xf32> to vector<16xf32>
      %swap3A_609 = vector.shape_cast %add3A_604 : vector<16xf32> to vector<1x16xf32>
      tpu.vector_store %arg10[%swap3A_605, %swap3A_606], %swap3A_609 {strides = array<i32>} : memref<12x16xf32, #tpu.memory_space<vmem>>, vector<1x16xf32>,
      %add3A_610 = arith.constant 3 : i32
      %add3A_611 = arith.addi %add3A_563, %add3A_610 : i32
      %jit3A_612 = arith.constant 2 : i32
      %div3A_613 = arith.divsi %add3A_611, %jit3A_612 : i32
      %sign3A_614 = arith.constant 0 : i32
      %sign3A_615 = arith.cmpi sgt, %add3A_611, %sign3A_614 : i32
      %sign3A_616 = arith.extui %sign3A_615 : i1 to i32
      %sign3A_617 = arith.constant 0 : i32
      %sign3A_618 = arith.cmpi slt, %add3A_611, %sign3A_617 : i32
      %sign3A_619 = arith.extui %sign3A_618 : i1 to i32
      %sign3A_620 = arith.subi %sign3A_616, %sign3A_619 : i32
      %sign3A_621 = arith.constant 0 : i32
      %sign3A_622 = arith.cmpi sgt, %jit3A_612, %sign3A_621 : i32
      %sign3A_623 = arith.extui %sign3A_622 : i1 to i32
      %sign3A_624 = arith.constant 0 : i32
      %sign3A_625 = arith.cmpi slt, %jit3A_612, %sign3A_624 : i32
      %sign3A_626 = arith.extui %sign3A_625 : i1 to i32
      %sign3A_627 = arith.subi %sign3A_623, %sign3A_626 : i32
      %ne3A_628 = arith.cmpi ne, %sign3A_620, %sign3A_627 : i32
      %rem3A_629 = arith.remsi %add3A_611, %jit3A_612 : i32
      %ne3A_630 = arith.constant 0 : i32
      %ne3A_631 = arith.cmpi ne, %rem3A_629, %ne3A_630 : i32
      %and3A_632 = arith.andi %ne3A_628, %ne3A_631 : i1
      %sub3A_633 = arith.constant 1 : i32
      %sub3A_634 = arith.subi %div3A_613, %sub3A_633 : i32
      %select_n3A_635 = arith.select %and3A_632, %sub3A_634, %div3A_613 : i32
      %add3A_636 = arith.addi %mul3A_2, %select_n3A_635 : i32
      %mul3A_637 = arith.constant 384 : i32
      %mul3A_638 = arith.muli %add3A_636, %mul3A_637 : i32
      %jit3A_639 = arith.constant 2 : i32
      %eq3A_640 = arith.constant 0 : i32
      %eq3A_641 = arith.cmpi eq, %jit3A_639, %eq3A_640 : i32
      %jit3A_642 = arith.constant 1 : i32
      %select_n3A_643 = arith.select %eq3A_641, %jit3A_642, %jit3A_639 : i32
      %rem3A_644 = arith.remsi %add3A_611, %select_n3A_643 : i32
      %ne3A_645 = arith.constant 0 : i32
      %ne3A_646 = arith.cmpi ne, %rem3A_644, %ne3A_645 : i32
      %lt3A_647 = arith.constant 0 : i32
      %lt3A_648 = arith.cmpi slt, %rem3A_644, %lt3A_647 : i32
      %lt3A_649 = arith.constant 0 : i32
      %lt3A_650 = arith.cmpi slt, %select_n3A_643, %lt3A_649 : i32
      %ne3A_651 = arith.xori %lt3A_648, %lt3A_650 : i1
      %and3A_652 = arith.andi %ne3A_651, %ne3A_646 : i1
      %add3A_653 = arith.addi %rem3A_644, %select_n3A_643 : i32
      %select_n3A_654 = arith.select %and3A_652, %add3A_653, %rem3A_644 : i32
      %mul3A_655 = arith.constant 192 : i32
      %mul3A_656 = arith.muli %select_n3A_654, %mul3A_655 : i32
      %add3A_657 = arith.addi %mul3A_638, %mul3A_656 : i32
      %add3A_658 = arith.constant 0 : i32
      %add3A_659 = arith.addi %add3A_657, %add3A_658 : i32
      %mul3A_660 = arith.constant 2 : i32
      %mul3A_661 = vector.broadcast %mul3A_660 : i32 to vector<16xi32>
      %mul3A_662 = arith.muli %mul3A_661, %iota3A : vector<16xi32>
      %add3A_663 = vector.broadcast %add3A_659 : i32 to vector<16xi32>
      %add3A_664 = arith.addi %add3A_663, %mul3A_662 : vector<16xi32>
      %swap3A_665 = arith.constant 0 : index
      %swap3A_666 = tpu.vector_load %arg4[%swap3A_665] {strides = array<i32>} : memref<96xi32, #tpu.memory_space<vmem>>, vector<16xi32>,
      %swap3A_667 = vector.shape_cast %swap3A_666 : vector<16xi32> to vector<16xi32>
      %swap3A_668 = vector.shape_cast %add3A_664 : vector<16xi32> to vector<16xi32>
      tpu.vector_store %arg4[%swap3A_665], %swap3A_668 {strides = array<i32>} : memref<96xi32, #tpu.memory_space<vmem>>, vector<16xi32>,
      %add3A_669 = arith.constant 32 : i32
      %add3A_670 = arith.addi %add3A_657, %add3A_669 : i32
      %mul3A_671 = arith.constant 2 : i32
      %mul3A_672 = vector.broadcast %mul3A_671 : i32 to vector<16xi32>
      %mul3A_673 = arith.muli %mul3A_672, %iota3A : vector<16xi32>
      %add3A_674 = vector.broadcast %add3A_670 : i32 to vector<16xi32>
      %add3A_675 = arith.addi %add3A_674, %mul3A_673 : vector<16xi32>
      %swap3A_676 = arith.constant 16 : index
      %swap3A_677 = tpu.vector_load %arg4[%swap3A_676] {strides = array<i32>} : memref<96xi32, #tpu.memory_space<vmem>>, vector<16xi32>,
      %swap3A_678 = vector.shape_cast %swap3A_677 : vector<16xi32> to vector<16xi32>
      %swap3A_679 = vector.shape_cast %add3A_675 : vector<16xi32> to vector<16xi32>
      tpu.vector_store %arg4[%swap3A_676], %swap3A_679 {strides = array<i32>} : memref<96xi32, #tpu.memory_space<vmem>>, vector<16xi32>,
      %add3A_680 = arith.constant 64 : i32
      %add3A_681 = arith.addi %add3A_657, %add3A_680 : i32
      %mul3A_682 = arith.constant 2 : i32
      %mul3A_683 = vector.broadcast %mul3A_682 : i32 to vector<16xi32>
      %mul3A_684 = arith.muli %mul3A_683, %iota3A : vector<16xi32>
      %add3A_685 = vector.broadcast %add3A_681 : i32 to vector<16xi32>
      %add3A_686 = arith.addi %add3A_685, %mul3A_684 : vector<16xi32>
      %swap3A_687 = arith.constant 32 : index
      %swap3A_688 = tpu.vector_load %arg4[%swap3A_687] {strides = array<i32>} : memref<96xi32, #tpu.memory_space<vmem>>, vector<16xi32>,
      %swap3A_689 = vector.shape_cast %swap3A_688 : vector<16xi32> to vector<16xi32>
      %swap3A_690 = vector.shape_cast %add3A_686 : vector<16xi32> to vector<16xi32>
      tpu.vector_store %arg4[%swap3A_687], %swap3A_690 {strides = array<i32>} : memref<96xi32, #tpu.memory_space<vmem>>, vector<16xi32>,
      %add3A_691 = arith.constant 96 : i32
      %add3A_692 = arith.addi %add3A_657, %add3A_691 : i32
      %mul3A_693 = arith.constant 2 : i32
      %mul3A_694 = vector.broadcast %mul3A_693 : i32 to vector<16xi32>
      %mul3A_695 = arith.muli %mul3A_694, %iota3A : vector<16xi32>
      %add3A_696 = vector.broadcast %add3A_692 : i32 to vector<16xi32>
      %add3A_697 = arith.addi %add3A_696, %mul3A_695 : vector<16xi32>
      %swap3A_698 = arith.constant 48 : index
      %swap3A_699 = tpu.vector_load %arg4[%swap3A_698] {strides = array<i32>} : memref<96xi32, #tpu.memory_space<vmem>>, vector<16xi32>,
      %swap3A_700 = vector.shape_cast %swap3A_699 : vector<16xi32> to vector<16xi32>
      %swap3A_701 = vector.shape_cast %add3A_697 : vector<16xi32> to vector<16xi32>
      tpu.vector_store %arg4[%swap3A_698], %swap3A_701 {strides = array<i32>} : memref<96xi32, #tpu.memory_space<vmem>>, vector<16xi32>,
      %add3A_702 = arith.constant 128 : i32
      %add3A_703 = arith.addi %add3A_657, %add3A_702 : i32
      %mul3A_704 = arith.constant 2 : i32
      %mul3A_705 = vector.broadcast %mul3A_704 : i32 to vector<16xi32>
      %mul3A_706 = arith.muli %mul3A_705, %iota3A : vector<16xi32>
      %add3A_707 = vector.broadcast %add3A_703 : i32 to vector<16xi32>
      %add3A_708 = arith.addi %add3A_707, %mul3A_706 : vector<16xi32>
      %swap3A_709 = arith.constant 64 : index
      %swap3A_710 = tpu.vector_load %arg4[%swap3A_709] {strides = array<i32>} : memref<96xi32, #tpu.memory_space<vmem>>, vector<16xi32>,
      %swap3A_711 = vector.shape_cast %swap3A_710 : vector<16xi32> to vector<16xi32>
      %swap3A_712 = vector.shape_cast %add3A_708 : vector<16xi32> to vector<16xi32>
      tpu.vector_store %arg4[%swap3A_709], %swap3A_712 {strides = array<i32>} : memref<96xi32, #tpu.memory_space<vmem>>, vector<16xi32>,
      %add3A_713 = arith.constant 160 : i32
      %add3A_714 = arith.addi %add3A_657, %add3A_713 : i32
      %mul3A_715 = arith.constant 2 : i32
      %mul3A_716 = vector.broadcast %mul3A_715 : i32 to vector<16xi32>
      %mul3A_717 = arith.muli %mul3A_716, %iota3A : vector<16xi32>
      %add3A_718 = vector.broadcast %add3A_714 : i32 to vector<16xi32>
      %add3A_719 = arith.addi %add3A_718, %mul3A_717 : vector<16xi32>
      %swap3A_720 = arith.constant 80 : index
      %swap3A_721 = tpu.vector_load %arg4[%swap3A_720] {strides = array<i32>} : memref<96xi32, #tpu.memory_space<vmem>>, vector<16xi32>,
      %swap3A_722 = vector.shape_cast %swap3A_721 : vector<16xi32> to vector<16xi32>
      %swap3A_723 = vector.shape_cast %add3A_719 : vector<16xi32> to vector<16xi32>
      tpu.vector_store %arg4[%swap3A_720], %swap3A_723 {strides = array<i32>} : memref<96xi32, #tpu.memory_space<vmem>>, vector<16xi32>,
      %dma_start3A_724 = arith.constant 0 : i32
      %dma_start3A_725 = arith.constant 0 : i32
      %dma_start3A_726 = tpu.memref_slice %arg2[%dma_start3A_724, %dma_start3A_725] : memref<147456x384xf32, #tpu.memory_space<hbm>> -> memref<147456x384xf32, #tpu.memory_space<hbm>>
      tpu.enqueue_indirect_dma source(%dma_start3A_726 : memref<147456x384xf32, #tpu.memory_space<hbm>>) target(%arg7 : memref<96x384xf32, #tpu.memory_space<vmem>>) offsets(%arg4 : memref<96xi32, #tpu.memory_space<vmem>>) semaphore(%arg11 : memref<!tpu.dma_semaphore, #tpu.memory_space<semaphore_mem>>)
      %mul3A_727 = arith.constant 3 : i32
      %mul3A_728 = arith.muli %scan3A_559, %mul3A_727 : i32
      %add3A_729 = arith.constant 1 : i32
      %add3A_730 = arith.addi %mul3A_728, %add3A_729 : i32
      %dma_wait3A_731 = arith.constant 0 : i32
      %dma_wait3A_732 = arith.constant 0 : i32
      %dma_wait3A_733 = tpu.memref_slice %arg2[%dma_wait3A_731, %dma_wait3A_732] : memref<147456x384xf32, #tpu.memory_space<hbm>> -> memref<147456x384xf32, #tpu.memory_space<hbm>>
      tpu.wait_indirect_dma semaphore(%arg12 : memref<!tpu.dma_semaphore, #tpu.memory_space<semaphore_mem>>) src(%dma_wait3A_733 : memref<147456x384xf32, #tpu.memory_space<hbm>>) dst(%arg8 : memref<96x384xf32, #tpu.memory_space<vmem>>)
      %scan3A_734 = arith.constant 0 : i32
      %scan3A_735 = arith.constant 96 : i32
      %scan3A_736 = arith.addi %scan3A_734, %scan3A_735 : i32
      %scan3A_737 = arith.constant 1 : i32
      %scan3A_738:4 = scf.for %scan3A_1061 = %scan3A_734 to %scan3A_736 step %scan3A_737 iter_args(%scan3A_1062 = %broadcast_in_dim3A_3, %scan3A_1063 = %broadcast_in_dim3A_3, %scan3A_1064 = %broadcast_in_dim3A_3, %scan3A_1065 = %broadcast_in_dim3A_3) -> (vector<16xf32>, vector<16xf32>, vector<16xf32>, vector<16xf32>)  : i32 {
        %get3A_1066 = arith.index_cast %scan3A_1061 : i32 to index
        %get3A_1067 = arith.constant 0 : index
        %get3A_1068 = tpu.vector_load %arg8[%get3A_1066, %get3A_1067] {strides = array<i32>} : memref<96x384xf32, #tpu.memory_space<vmem>>, vector<1x16xf32>,
        %get3A_1069 = vector.shape_cast %get3A_1068 : vector<1x16xf32> to vector<16xf32>
        %add3A_1070 = arith.addf %scan3A_1062, %get3A_1069 : vector<16xf32>
        %get3A_1071 = arith.index_cast %scan3A_1061 : i32 to index
        %get3A_1072 = arith.constant 16 : index
        %get3A_1073 = tpu.vector_load %arg8[%get3A_1071, %get3A_1072] {strides = array<i32>} : memref<96x384xf32, #tpu.memory_space<vmem>>, vector<1x16xf32>,
        %get3A_1074 = vector.shape_cast %get3A_1073 : vector<1x16xf32> to vector<16xf32>
        %add3A_1075 = arith.addf %scan3A_1063, %get3A_1074 : vector<16xf32>
        %get3A_1076 = arith.index_cast %scan3A_1061 : i32 to index
        %get3A_1077 = arith.constant 32 : index
        %get3A_1078 = tpu.vector_load %arg8[%get3A_1076, %get3A_1077] {strides = array<i32>} : memref<96x384xf32, #tpu.memory_space<vmem>>, vector<1x16xf32>,
        %get3A_1079 = vector.shape_cast %get3A_1078 : vector<1x16xf32> to vector<16xf32>
        %add3A_1080 = arith.addf %scan3A_1064, %get3A_1079 : vector<16xf32>
        %get3A_1081 = arith.index_cast %scan3A_1061 : i32 to index
        %get3A_1082 = arith.constant 48 : index
        %get3A_1083 = tpu.vector_load %arg8[%get3A_1081, %get3A_1082] {strides = array<i32>} : memref<96x384xf32, #tpu.memory_space<vmem>>, vector<1x16xf32>,
        %get3A_1084 = vector.shape_cast %get3A_1083 : vector<1x16xf32> to vector<16xf32>
        %add3A_1085 = arith.addf %scan3A_1065, %get3A_1084 : vector<16xf32>
        %get3A_1086 = arith.index_cast %scan3A_1061 : i32 to index
        %get3A_1087 = arith.constant 64 : index
        %get3A_1088 = tpu.vector_load %arg8[%get3A_1086, %get3A_1087] {strides = array<i32>} : memref<96x384xf32, #tpu.memory_space<vmem>>, vector<1x16xf32>,
        %get3A_1089 = vector.shape_cast %get3A_1088 : vector<1x16xf32> to vector<16xf32>
        %add3A_1090 = arith.addf %add3A_1070, %get3A_1089 : vector<16xf32>
        %get3A_1091 = arith.index_cast %scan3A_1061 : i32 to index
        %get3A_1092 = arith.constant 80 : index
        %get3A_1093 = tpu.vector_load %arg8[%get3A_1091, %get3A_1092] {strides = array<i32>} : memref<96x384xf32, #tpu.memory_space<vmem>>, vector<1x16xf32>,
        %get3A_1094 = vector.shape_cast %get3A_1093 : vector<1x16xf32> to vector<16xf32>
        %add3A_1095 = arith.addf %add3A_1075, %get3A_1094 : vector<16xf32>
        %get3A_1096 = arith.index_cast %scan3A_1061 : i32 to index
        %get3A_1097 = arith.constant 96 : index
        %get3A_1098 = tpu.vector_load %arg8[%get3A_1096, %get3A_1097] {strides = array<i32>} : memref<96x384xf32, #tpu.memory_space<vmem>>, vector<1x16xf32>,
        %get3A_1099 = vector.shape_cast %get3A_1098 : vector<1x16xf32> to vector<16xf32>
        %add3A_1100 = arith.addf %add3A_1080, %get3A_1099 : vector<16xf32>
        %get3A_1101 = arith.index_cast %scan3A_1061 : i32 to index
        %get3A_1102 = arith.constant 112 : index
        %get3A_1103 = tpu.vector_load %arg8[%get3A_1101, %get3A_1102] {strides = array<i32>} : memref<96x384xf32, #tpu.memory_space<vmem>>, vector<1x16xf32>,
        %get3A_1104 = vector.shape_cast %get3A_1103 : vector<1x16xf32> to vector<16xf32>
        %add3A_1105 = arith.addf %add3A_1085, %get3A_1104 : vector<16xf32>
        %get3A_1106 = arith.index_cast %scan3A_1061 : i32 to index
        %get3A_1107 = arith.constant 128 : index
        %get3A_1108 = tpu.vector_load %arg8[%get3A_1106, %get3A_1107] {strides = array<i32>} : memref<96x384xf32, #tpu.memory_space<vmem>>, vector<1x16xf32>,
        %get3A_1109 = vector.shape_cast %get3A_1108 : vector<1x16xf32> to vector<16xf32>
        %add3A_1110 = arith.addf %add3A_1090, %get3A_1109 : vector<16xf32>
        %get3A_1111 = arith.index_cast %scan3A_1061 : i32 to index
        %get3A_1112 = arith.constant 144 : index
        %get3A_1113 = tpu.vector_load %arg8[%get3A_1111, %get3A_1112] {strides = array<i32>} : memref<96x384xf32, #tpu.memory_space<vmem>>, vector<1x16xf32>,
        %get3A_1114 = vector.shape_cast %get3A_1113 : vector<1x16xf32> to vector<16xf32>
        %add3A_1115 = arith.addf %add3A_1095, %get3A_1114 : vector<16xf32>
        %get3A_1116 = arith.index_cast %scan3A_1061 : i32 to index
        %get3A_1117 = arith.constant 160 : index
        %get3A_1118 = tpu.vector_load %arg8[%get3A_1116, %get3A_1117] {strides = array<i32>} : memref<96x384xf32, #tpu.memory_space<vmem>>, vector<1x16xf32>,
        %get3A_1119 = vector.shape_cast %get3A_1118 : vector<1x16xf32> to vector<16xf32>
        %add3A_1120 = arith.addf %add3A_1100, %get3A_1119 : vector<16xf32>
        %get3A_1121 = arith.index_cast %scan3A_1061 : i32 to index
        %get3A_1122 = arith.constant 176 : index
        %get3A_1123 = tpu.vector_load %arg8[%get3A_1121, %get3A_1122] {strides = array<i32>} : memref<96x384xf32, #tpu.memory_space<vmem>>, vector<1x16xf32>,
        %get3A_1124 = vector.shape_cast %get3A_1123 : vector<1x16xf32> to vector<16xf32>
        %add3A_1125 = arith.addf %add3A_1105, %get3A_1124 : vector<16xf32>
        %get3A_1126 = arith.index_cast %scan3A_1061 : i32 to index
        %get3A_1127 = arith.constant 192 : index
        %get3A_1128 = tpu.vector_load %arg8[%get3A_1126, %get3A_1127] {strides = array<i32>} : memref<96x384xf32, #tpu.memory_space<vmem>>, vector<1x16xf32>,
        %get3A_1129 = vector.shape_cast %get3A_1128 : vector<1x16xf32> to vector<16xf32>
        %add3A_1130 = arith.addf %add3A_1110, %get3A_1129 : vector<16xf32>
        %get3A_1131 = arith.index_cast %scan3A_1061 : i32 to index
        %get3A_1132 = arith.constant 208 : index
        %get3A_1133 = tpu.vector_load %arg8[%get3A_1131, %get3A_1132] {strides = array<i32>} : memref<96x384xf32, #tpu.memory_space<vmem>>, vector<1x16xf32>,
        %get3A_1134 = vector.shape_cast %get3A_1133 : vector<1x16xf32> to vector<16xf32>
        %add3A_1135 = arith.addf %add3A_1115, %get3A_1134 : vector<16xf32>
        %get3A_1136 = arith.index_cast %scan3A_1061 : i32 to index
        %get3A_1137 = arith.constant 224 : index
        %get3A_1138 = tpu.vector_load %arg8[%get3A_1136, %get3A_1137] {strides = array<i32>} : memref<96x384xf32, #tpu.memory_space<vmem>>, vector<1x16xf32>,
        %get3A_1139 = vector.shape_cast %get3A_1138 : vector<1x16xf32> to vector<16xf32>
        %add3A_1140 = arith.addf %add3A_1120, %get3A_1139 : vector<16xf32>
        %get3A_1141 = arith.index_cast %scan3A_1061 : i32 to index
        %get3A_1142 = arith.constant 240 : index
        %get3A_1143 = tpu.vector_load %arg8[%get3A_1141, %get3A_1142] {strides = array<i32>} : memref<96x384xf32, #tpu.memory_space<vmem>>, vector<1x16xf32>,
        %get3A_1144 = vector.shape_cast %get3A_1143 : vector<1x16xf32> to vector<16xf32>
        %add3A_1145 = arith.addf %add3A_1125, %get3A_1144 : vector<16xf32>
        %get3A_1146 = arith.index_cast %scan3A_1061 : i32 to index
        %get3A_1147 = arith.constant 256 : index
        %get3A_1148 = tpu.vector_load %arg8[%get3A_1146, %get3A_1147] {strides = array<i32>} : memref<96x384xf32, #tpu.memory_space<vmem>>, vector<1x16xf32>,
        %get3A_1149 = vector.shape_cast %get3A_1148 : vector<1x16xf32> to vector<16xf32>
        %add3A_1150 = arith.addf %add3A_1130, %get3A_1149 : vector<16xf32>
        %get3A_1151 = arith.index_cast %scan3A_1061 : i32 to index
        %get3A_1152 = arith.constant 272 : index
        %get3A_1153 = tpu.vector_load %arg8[%get3A_1151, %get3A_1152] {strides = array<i32>} : memref<96x384xf32, #tpu.memory_space<vmem>>, vector<1x16xf32>,
        %get3A_1154 = vector.shape_cast %get3A_1153 : vector<1x16xf32> to vector<16xf32>
        %add3A_1155 = arith.addf %add3A_1135, %get3A_1154 : vector<16xf32>
        %get3A_1156 = arith.index_cast %scan3A_1061 : i32 to index
        %get3A_1157 = arith.constant 288 : index
        %get3A_1158 = tpu.vector_load %arg8[%get3A_1156, %get3A_1157] {strides = array<i32>} : memref<96x384xf32, #tpu.memory_space<vmem>>, vector<1x16xf32>,
        %get3A_1159 = vector.shape_cast %get3A_1158 : vector<1x16xf32> to vector<16xf32>
        %add3A_1160 = arith.addf %add3A_1140, %get3A_1159 : vector<16xf32>
        %get3A_1161 = arith.index_cast %scan3A_1061 : i32 to index
        %get3A_1162 = arith.constant 304 : index
        %get3A_1163 = tpu.vector_load %arg8[%get3A_1161, %get3A_1162] {strides = array<i32>} : memref<96x384xf32, #tpu.memory_space<vmem>>, vector<1x16xf32>,
        %get3A_1164 = vector.shape_cast %get3A_1163 : vector<1x16xf32> to vector<16xf32>
        %add3A_1165 = arith.addf %add3A_1145, %get3A_1164 : vector<16xf32>
        %get3A_1166 = arith.index_cast %scan3A_1061 : i32 to index
        %get3A_1167 = arith.constant 320 : index
        %get3A_1168 = tpu.vector_load %arg8[%get3A_1166, %get3A_1167] {strides = array<i32>} : memref<96x384xf32, #tpu.memory_space<vmem>>, vector<1x16xf32>,
        %get3A_1169 = vector.shape_cast %get3A_1168 : vector<1x16xf32> to vector<16xf32>
        %add3A_1170 = arith.addf %add3A_1150, %get3A_1169 : vector<16xf32>
        %get3A_1171 = arith.index_cast %scan3A_1061 : i32 to index
        %get3A_1172 = arith.constant 336 : index
        %get3A_1173 = tpu.vector_load %arg8[%get3A_1171, %get3A_1172] {strides = array<i32>} : memref<96x384xf32, #tpu.memory_space<vmem>>, vector<1x16xf32>,
        %get3A_1174 = vector.shape_cast %get3A_1173 : vector<1x16xf32> to vector<16xf32>
        %add3A_1175 = arith.addf %add3A_1155, %get3A_1174 : vector<16xf32>
        %get3A_1176 = arith.index_cast %scan3A_1061 : i32 to index
        %get3A_1177 = arith.constant 352 : index
        %get3A_1178 = tpu.vector_load %arg8[%get3A_1176, %get3A_1177] {strides = array<i32>} : memref<96x384xf32, #tpu.memory_space<vmem>>, vector<1x16xf32>,
        %get3A_1179 = vector.shape_cast %get3A_1178 : vector<1x16xf32> to vector<16xf32>
        %add3A_1180 = arith.addf %add3A_1160, %get3A_1179 : vector<16xf32>
        %get3A_1181 = arith.index_cast %scan3A_1061 : i32 to index
        %get3A_1182 = arith.constant 368 : index
        %get3A_1183 = tpu.vector_load %arg8[%get3A_1181, %get3A_1182] {strides = array<i32>} : memref<96x384xf32, #tpu.memory_space<vmem>>, vector<1x16xf32>,
        %get3A_1184 = vector.shape_cast %get3A_1183 : vector<1x16xf32> to vector<16xf32>
        %add3A_1185 = arith.addf %add3A_1165, %get3A_1184 : vector<16xf32>
        scf.yield %add3A_1170, %add3A_1175, %add3A_1180, %add3A_1185 : vector<16xf32>, vector<16xf32>, vector<16xf32>, vector<16xf32>
      }
      %scan3A_739 = arith.constant 96 : i32
      %jit3A_740 = arith.constant 2 : i32
      %div3A_741 = arith.divsi %add3A_730, %jit3A_740 : i32
      %sign3A_742 = arith.constant 0 : i32
      %sign3A_743 = arith.cmpi sgt, %add3A_730, %sign3A_742 : i32
      %sign3A_744 = arith.extui %sign3A_743 : i1 to i32
      %sign3A_745 = arith.constant 0 : i32
      %sign3A_746 = arith.cmpi slt, %add3A_730, %sign3A_745 : i32
      %sign3A_747 = arith.extui %sign3A_746 : i1 to i32
      %sign3A_748 = arith.subi %sign3A_744, %sign3A_747 : i32
      %sign3A_749 = arith.constant 0 : i32
      %sign3A_750 = arith.cmpi sgt, %jit3A_740, %sign3A_749 : i32
      %sign3A_751 = arith.extui %sign3A_750 : i1 to i32
      %sign3A_752 = arith.constant 0 : i32
      %sign3A_753 = arith.cmpi slt, %jit3A_740, %sign3A_752 : i32
      %sign3A_754 = arith.extui %sign3A_753 : i1 to i32
      %sign3A_755 = arith.subi %sign3A_751, %sign3A_754 : i32
      %ne3A_756 = arith.cmpi ne, %sign3A_748, %sign3A_755 : i32
      %rem3A_757 = arith.remsi %add3A_730, %jit3A_740 : i32
      %ne3A_758 = arith.constant 0 : i32
      %ne3A_759 = arith.cmpi ne, %rem3A_757, %ne3A_758 : i32
      %and3A_760 = arith.andi %ne3A_756, %ne3A_759 : i1
      %sub3A_761 = arith.constant 1 : i32
      %sub3A_762 = arith.subi %div3A_741, %sub3A_761 : i32
      %select_n3A_763 = arith.select %and3A_760, %sub3A_762, %div3A_741 : i32
      %get3A_764 = arith.index_cast %select_n3A_763 : i32 to index
      %get3A_765 = arith.constant 0 : index
      %get3A_766 = tpu.vector_load %arg10[%get3A_764, %get3A_765] {strides = array<i32>} : memref<12x16xf32, #tpu.memory_space<vmem>>, vector<1x16xf32>,
      %get3A_767 = vector.shape_cast %get3A_766 : vector<1x16xf32> to vector<16xf32>
      %add3A_768 = arith.addf %scan3A_738#0, %scan3A_738#1 : vector<16xf32>
      %add3A_769 = arith.addf %scan3A_738#2, %scan3A_738#3 : vector<16xf32>
      %add3A_770 = arith.addf %add3A_768, %add3A_769 : vector<16xf32>
      %add3A_771 = arith.addf %get3A_767, %add3A_770 : vector<16xf32>
      %swap3A_772 = arith.index_cast %select_n3A_763 : i32 to index
      %swap3A_773 = arith.constant 0 : index
      %swap3A_774 = tpu.vector_load %arg10[%swap3A_772, %swap3A_773] {strides = array<i32>} : memref<12x16xf32, #tpu.memory_space<vmem>>, vector<1x16xf32>,
      %swap3A_775 = vector.shape_cast %swap3A_774 : vector<1x16xf32> to vector<16xf32>
      %swap3A_776 = vector.shape_cast %add3A_771 : vector<16xf32> to vector<1x16xf32>
      tpu.vector_store %arg10[%swap3A_772, %swap3A_773], %swap3A_776 {strides = array<i32>} : memref<12x16xf32, #tpu.memory_space<vmem>>, vector<1x16xf32>,
      %add3A_777 = arith.constant 3 : i32
      %add3A_778 = arith.addi %add3A_730, %add3A_777 : i32
      %jit3A_779 = arith.constant 2 : i32
      %div3A_780 = arith.divsi %add3A_778, %jit3A_779 : i32
      %sign3A_781 = arith.constant 0 : i32
      %sign3A_782 = arith.cmpi sgt, %add3A_778, %sign3A_781 : i32
      %sign3A_783 = arith.extui %sign3A_782 : i1 to i32
      %sign3A_784 = arith.constant 0 : i32
      %sign3A_785 = arith.cmpi slt, %add3A_778, %sign3A_784 : i32
      %sign3A_786 = arith.extui %sign3A_785 : i1 to i32
      %sign3A_787 = arith.subi %sign3A_783, %sign3A_786 : i32
      %sign3A_788 = arith.constant 0 : i32
      %sign3A_789 = arith.cmpi sgt, %jit3A_779, %sign3A_788 : i32
      %sign3A_790 = arith.extui %sign3A_789 : i1 to i32
      %sign3A_791 = arith.constant 0 : i32
      %sign3A_792 = arith.cmpi slt, %jit3A_779, %sign3A_791 : i32
      %sign3A_793 = arith.extui %sign3A_792 : i1 to i32
      %sign3A_794 = arith.subi %sign3A_790, %sign3A_793 : i32
      %ne3A_795 = arith.cmpi ne, %sign3A_787, %sign3A_794 : i32
      %rem3A_796 = arith.remsi %add3A_778, %jit3A_779 : i32
      %ne3A_797 = arith.constant 0 : i32
      %ne3A_798 = arith.cmpi ne, %rem3A_796, %ne3A_797 : i32
      %and3A_799 = arith.andi %ne3A_795, %ne3A_798 : i1
      %sub3A_800 = arith.constant 1 : i32
      %sub3A_801 = arith.subi %div3A_780, %sub3A_800 : i32
      %select_n3A_802 = arith.select %and3A_799, %sub3A_801, %div3A_780 : i32
      %add3A_803 = arith.addi %mul3A_2, %select_n3A_802 : i32
      %mul3A_804 = arith.constant 384 : i32
      %mul3A_805 = arith.muli %add3A_803, %mul3A_804 : i32
      %jit3A_806 = arith.constant 2 : i32
      %eq3A_807 = arith.constant 0 : i32
      %eq3A_808 = arith.cmpi eq, %jit3A_806, %eq3A_807 : i32
      %jit3A_809 = arith.constant 1 : i32
      %select_n3A_810 = arith.select %eq3A_808, %jit3A_809, %jit3A_806 : i32
      %rem3A_811 = arith.remsi %add3A_778, %select_n3A_810 : i32
      %ne3A_812 = arith.constant 0 : i32
      %ne3A_813 = arith.cmpi ne, %rem3A_811, %ne3A_812 : i32
      %lt3A_814 = arith.constant 0 : i32
      %lt3A_815 = arith.cmpi slt, %rem3A_811, %lt3A_814 : i32
      %lt3A_816 = arith.constant 0 : i32
      %lt3A_817 = arith.cmpi slt, %select_n3A_810, %lt3A_816 : i32
      %ne3A_818 = arith.xori %lt3A_815, %lt3A_817 : i1
      %and3A_819 = arith.andi %ne3A_818, %ne3A_813 : i1
      %add3A_820 = arith.addi %rem3A_811, %select_n3A_810 : i32
      %select_n3A_821 = arith.select %and3A_819, %add3A_820, %rem3A_811 : i32
      %mul3A_822 = arith.constant 192 : i32
      %mul3A_823 = arith.muli %select_n3A_821, %mul3A_822 : i32
      %add3A_824 = arith.addi %mul3A_805, %mul3A_823 : i32
      %add3A_825 = arith.constant 0 : i32
      %add3A_826 = arith.addi %add3A_824, %add3A_825 : i32
      %mul3A_827 = arith.constant 2 : i32
      %mul3A_828 = vector.broadcast %mul3A_827 : i32 to vector<16xi32>
      %mul3A_829 = arith.muli %mul3A_828, %iota3A : vector<16xi32>
      %add3A_830 = vector.broadcast %add3A_826 : i32 to vector<16xi32>
      %add3A_831 = arith.addi %add3A_830, %mul3A_829 : vector<16xi32>
      %swap3A_832 = arith.constant 0 : index
      %swap3A_833 = tpu.vector_load %arg5[%swap3A_832] {strides = array<i32>} : memref<96xi32, #tpu.memory_space<vmem>>, vector<16xi32>,
      %swap3A_834 = vector.shape_cast %swap3A_833 : vector<16xi32> to vector<16xi32>
      %swap3A_835 = vector.shape_cast %add3A_831 : vector<16xi32> to vector<16xi32>
      tpu.vector_store %arg5[%swap3A_832], %swap3A_835 {strides = array<i32>} : memref<96xi32, #tpu.memory_space<vmem>>, vector<16xi32>,
      %add3A_836 = arith.constant 32 : i32
      %add3A_837 = arith.addi %add3A_824, %add3A_836 : i32
      %mul3A_838 = arith.constant 2 : i32
      %mul3A_839 = vector.broadcast %mul3A_838 : i32 to vector<16xi32>
      %mul3A_840 = arith.muli %mul3A_839, %iota3A : vector<16xi32>
      %add3A_841 = vector.broadcast %add3A_837 : i32 to vector<16xi32>
      %add3A_842 = arith.addi %add3A_841, %mul3A_840 : vector<16xi32>
      %swap3A_843 = arith.constant 16 : index
      %swap3A_844 = tpu.vector_load %arg5[%swap3A_843] {strides = array<i32>} : memref<96xi32, #tpu.memory_space<vmem>>, vector<16xi32>,
      %swap3A_845 = vector.shape_cast %swap3A_844 : vector<16xi32> to vector<16xi32>
      %swap3A_846 = vector.shape_cast %add3A_842 : vector<16xi32> to vector<16xi32>
      tpu.vector_store %arg5[%swap3A_843], %swap3A_846 {strides = array<i32>} : memref<96xi32, #tpu.memory_space<vmem>>, vector<16xi32>,
      %add3A_847 = arith.constant 64 : i32
      %add3A_848 = arith.addi %add3A_824, %add3A_847 : i32
      %mul3A_849 = arith.constant 2 : i32
      %mul3A_850 = vector.broadcast %mul3A_849 : i32 to vector<16xi32>
      %mul3A_851 = arith.muli %mul3A_850, %iota3A : vector<16xi32>
      %add3A_852 = vector.broadcast %add3A_848 : i32 to vector<16xi32>
      %add3A_853 = arith.addi %add3A_852, %mul3A_851 : vector<16xi32>
      %swap3A_854 = arith.constant 32 : index
      %swap3A_855 = tpu.vector_load %arg5[%swap3A_854] {strides = array<i32>} : memref<96xi32, #tpu.memory_space<vmem>>, vector<16xi32>,
      %swap3A_856 = vector.shape_cast %swap3A_855 : vector<16xi32> to vector<16xi32>
      %swap3A_857 = vector.shape_cast %add3A_853 : vector<16xi32> to vector<16xi32>
      tpu.vector_store %arg5[%swap3A_854], %swap3A_857 {strides = array<i32>} : memref<96xi32, #tpu.memory_space<vmem>>, vector<16xi32>,
      %add3A_858 = arith.constant 96 : i32
      %add3A_859 = arith.addi %add3A_824, %add3A_858 : i32
      %mul3A_860 = arith.constant 2 : i32
      %mul3A_861 = vector.broadcast %mul3A_860 : i32 to vector<16xi32>
      %mul3A_862 = arith.muli %mul3A_861, %iota3A : vector<16xi32>
      %add3A_863 = vector.broadcast %add3A_859 : i32 to vector<16xi32>
      %add3A_864 = arith.addi %add3A_863, %mul3A_862 : vector<16xi32>
      %swap3A_865 = arith.constant 48 : index
      %swap3A_866 = tpu.vector_load %arg5[%swap3A_865] {strides = array<i32>} : memref<96xi32, #tpu.memory_space<vmem>>, vector<16xi32>,
      %swap3A_867 = vector.shape_cast %swap3A_866 : vector<16xi32> to vector<16xi32>
      %swap3A_868 = vector.shape_cast %add3A_864 : vector<16xi32> to vector<16xi32>
      tpu.vector_store %arg5[%swap3A_865], %swap3A_868 {strides = array<i32>} : memref<96xi32, #tpu.memory_space<vmem>>, vector<16xi32>,
      %add3A_869 = arith.constant 128 : i32
      %add3A_870 = arith.addi %add3A_824, %add3A_869 : i32
      %mul3A_871 = arith.constant 2 : i32
      %mul3A_872 = vector.broadcast %mul3A_871 : i32 to vector<16xi32>
      %mul3A_873 = arith.muli %mul3A_872, %iota3A : vector<16xi32>
      %add3A_874 = vector.broadcast %add3A_870 : i32 to vector<16xi32>
      %add3A_875 = arith.addi %add3A_874, %mul3A_873 : vector<16xi32>
      %swap3A_876 = arith.constant 64 : index
      %swap3A_877 = tpu.vector_load %arg5[%swap3A_876] {strides = array<i32>} : memref<96xi32, #tpu.memory_space<vmem>>, vector<16xi32>,
      %swap3A_878 = vector.shape_cast %swap3A_877 : vector<16xi32> to vector<16xi32>
      %swap3A_879 = vector.shape_cast %add3A_875 : vector<16xi32> to vector<16xi32>
      tpu.vector_store %arg5[%swap3A_876], %swap3A_879 {strides = array<i32>} : memref<96xi32, #tpu.memory_space<vmem>>, vector<16xi32>,
      %add3A_880 = arith.constant 160 : i32
      %add3A_881 = arith.addi %add3A_824, %add3A_880 : i32
      %mul3A_882 = arith.constant 2 : i32
      %mul3A_883 = vector.broadcast %mul3A_882 : i32 to vector<16xi32>
      %mul3A_884 = arith.muli %mul3A_883, %iota3A : vector<16xi32>
      %add3A_885 = vector.broadcast %add3A_881 : i32 to vector<16xi32>
      %add3A_886 = arith.addi %add3A_885, %mul3A_884 : vector<16xi32>
      %swap3A_887 = arith.constant 80 : index
      %swap3A_888 = tpu.vector_load %arg5[%swap3A_887] {strides = array<i32>} : memref<96xi32, #tpu.memory_space<vmem>>, vector<16xi32>,
      %swap3A_889 = vector.shape_cast %swap3A_888 : vector<16xi32> to vector<16xi32>
      %swap3A_890 = vector.shape_cast %add3A_886 : vector<16xi32> to vector<16xi32>
      tpu.vector_store %arg5[%swap3A_887], %swap3A_890 {strides = array<i32>} : memref<96xi32, #tpu.memory_space<vmem>>, vector<16xi32>,
      %dma_start3A_891 = arith.constant 0 : i32
      %dma_start3A_892 = arith.constant 0 : i32
      %dma_start3A_893 = tpu.memref_slice %arg2[%dma_start3A_891, %dma_start3A_892] : memref<147456x384xf32, #tpu.memory_space<hbm>> -> memref<147456x384xf32, #tpu.memory_space<hbm>>
      tpu.enqueue_indirect_dma source(%dma_start3A_893 : memref<147456x384xf32, #tpu.memory_space<hbm>>) target(%arg8 : memref<96x384xf32, #tpu.memory_space<vmem>>) offsets(%arg5 : memref<96xi32, #tpu.memory_space<vmem>>) semaphore(%arg12 : memref<!tpu.dma_semaphore, #tpu.memory_space<semaphore_mem>>)
      %mul3A_894 = arith.constant 3 : i32
      %mul3A_895 = arith.muli %scan3A_559, %mul3A_894 : i32
      %add3A_896 = arith.constant 2 : i32
      %add3A_897 = arith.addi %mul3A_895, %add3A_896 : i32
      %dma_wait3A_898 = arith.constant 0 : i32
      %dma_wait3A_899 = arith.constant 0 : i32
      %dma_wait3A_900 = tpu.memref_slice %arg2[%dma_wait3A_898, %dma_wait3A_899] : memref<147456x384xf32, #tpu.memory_space<hbm>> -> memref<147456x384xf32, #tpu.memory_space<hbm>>
      tpu.wait_indirect_dma semaphore(%arg13 : memref<!tpu.dma_semaphore, #tpu.memory_space<semaphore_mem>>) src(%dma_wait3A_900 : memref<147456x384xf32, #tpu.memory_space<hbm>>) dst(%arg9 : memref<96x384xf32, #tpu.memory_space<vmem>>)
      %scan3A_901 = arith.constant 0 : i32
      %scan3A_902 = arith.constant 96 : i32
      %scan3A_903 = arith.addi %scan3A_901, %scan3A_902 : i32
      %scan3A_904 = arith.constant 1 : i32
      %scan3A_905:4 = scf.for %scan3A_1061 = %scan3A_901 to %scan3A_903 step %scan3A_904 iter_args(%scan3A_1062 = %broadcast_in_dim3A_3, %scan3A_1063 = %broadcast_in_dim3A_3, %scan3A_1064 = %broadcast_in_dim3A_3, %scan3A_1065 = %broadcast_in_dim3A_3) -> (vector<16xf32>, vector<16xf32>, vector<16xf32>, vector<16xf32>)  : i32 {
        %get3A_1066 = arith.index_cast %scan3A_1061 : i32 to index
        %get3A_1067 = arith.constant 0 : index
        %get3A_1068 = tpu.vector_load %arg9[%get3A_1066, %get3A_1067] {strides = array<i32>} : memref<96x384xf32, #tpu.memory_space<vmem>>, vector<1x16xf32>,
        %get3A_1069 = vector.shape_cast %get3A_1068 : vector<1x16xf32> to vector<16xf32>
        %add3A_1070 = arith.addf %scan3A_1062, %get3A_1069 : vector<16xf32>
        %get3A_1071 = arith.index_cast %scan3A_1061 : i32 to index
        %get3A_1072 = arith.constant 16 : index
        %get3A_1073 = tpu.vector_load %arg9[%get3A_1071, %get3A_1072] {strides = array<i32>} : memref<96x384xf32, #tpu.memory_space<vmem>>, vector<1x16xf32>,
        %get3A_1074 = vector.shape_cast %get3A_1073 : vector<1x16xf32> to vector<16xf32>
        %add3A_1075 = arith.addf %scan3A_1063, %get3A_1074 : vector<16xf32>
        %get3A_1076 = arith.index_cast %scan3A_1061 : i32 to index
        %get3A_1077 = arith.constant 32 : index
        %get3A_1078 = tpu.vector_load %arg9[%get3A_1076, %get3A_1077] {strides = array<i32>} : memref<96x384xf32, #tpu.memory_space<vmem>>, vector<1x16xf32>,
        %get3A_1079 = vector.shape_cast %get3A_1078 : vector<1x16xf32> to vector<16xf32>
        %add3A_1080 = arith.addf %scan3A_1064, %get3A_1079 : vector<16xf32>
        %get3A_1081 = arith.index_cast %scan3A_1061 : i32 to index
        %get3A_1082 = arith.constant 48 : index
        %get3A_1083 = tpu.vector_load %arg9[%get3A_1081, %get3A_1082] {strides = array<i32>} : memref<96x384xf32, #tpu.memory_space<vmem>>, vector<1x16xf32>,
        %get3A_1084 = vector.shape_cast %get3A_1083 : vector<1x16xf32> to vector<16xf32>
        %add3A_1085 = arith.addf %scan3A_1065, %get3A_1084 : vector<16xf32>
        %get3A_1086 = arith.index_cast %scan3A_1061 : i32 to index
        %get3A_1087 = arith.constant 64 : index
        %get3A_1088 = tpu.vector_load %arg9[%get3A_1086, %get3A_1087] {strides = array<i32>} : memref<96x384xf32, #tpu.memory_space<vmem>>, vector<1x16xf32>,
        %get3A_1089 = vector.shape_cast %get3A_1088 : vector<1x16xf32> to vector<16xf32>
        %add3A_1090 = arith.addf %add3A_1070, %get3A_1089 : vector<16xf32>
        %get3A_1091 = arith.index_cast %scan3A_1061 : i32 to index
        %get3A_1092 = arith.constant 80 : index
        %get3A_1093 = tpu.vector_load %arg9[%get3A_1091, %get3A_1092] {strides = array<i32>} : memref<96x384xf32, #tpu.memory_space<vmem>>, vector<1x16xf32>,
        %get3A_1094 = vector.shape_cast %get3A_1093 : vector<1x16xf32> to vector<16xf32>
        %add3A_1095 = arith.addf %add3A_1075, %get3A_1094 : vector<16xf32>
        %get3A_1096 = arith.index_cast %scan3A_1061 : i32 to index
        %get3A_1097 = arith.constant 96 : index
        %get3A_1098 = tpu.vector_load %arg9[%get3A_1096, %get3A_1097] {strides = array<i32>} : memref<96x384xf32, #tpu.memory_space<vmem>>, vector<1x16xf32>,
        %get3A_1099 = vector.shape_cast %get3A_1098 : vector<1x16xf32> to vector<16xf32>
        %add3A_1100 = arith.addf %add3A_1080, %get3A_1099 : vector<16xf32>
        %get3A_1101 = arith.index_cast %scan3A_1061 : i32 to index
        %get3A_1102 = arith.constant 112 : index
        %get3A_1103 = tpu.vector_load %arg9[%get3A_1101, %get3A_1102] {strides = array<i32>} : memref<96x384xf32, #tpu.memory_space<vmem>>, vector<1x16xf32>,
        %get3A_1104 = vector.shape_cast %get3A_1103 : vector<1x16xf32> to vector<16xf32>
        %add3A_1105 = arith.addf %add3A_1085, %get3A_1104 : vector<16xf32>
        %get3A_1106 = arith.index_cast %scan3A_1061 : i32 to index
        %get3A_1107 = arith.constant 128 : index
        %get3A_1108 = tpu.vector_load %arg9[%get3A_1106, %get3A_1107] {strides = array<i32>} : memref<96x384xf32, #tpu.memory_space<vmem>>, vector<1x16xf32>,
        %get3A_1109 = vector.shape_cast %get3A_1108 : vector<1x16xf32> to vector<16xf32>
        %add3A_1110 = arith.addf %add3A_1090, %get3A_1109 : vector<16xf32>
        %get3A_1111 = arith.index_cast %scan3A_1061 : i32 to index
        %get3A_1112 = arith.constant 144 : index
        %get3A_1113 = tpu.vector_load %arg9[%get3A_1111, %get3A_1112] {strides = array<i32>} : memref<96x384xf32, #tpu.memory_space<vmem>>, vector<1x16xf32>,
        %get3A_1114 = vector.shape_cast %get3A_1113 : vector<1x16xf32> to vector<16xf32>
        %add3A_1115 = arith.addf %add3A_1095, %get3A_1114 : vector<16xf32>
        %get3A_1116 = arith.index_cast %scan3A_1061 : i32 to index
        %get3A_1117 = arith.constant 160 : index
        %get3A_1118 = tpu.vector_load %arg9[%get3A_1116, %get3A_1117] {strides = array<i32>} : memref<96x384xf32, #tpu.memory_space<vmem>>, vector<1x16xf32>,
        %get3A_1119 = vector.shape_cast %get3A_1118 : vector<1x16xf32> to vector<16xf32>
        %add3A_1120 = arith.addf %add3A_1100, %get3A_1119 : vector<16xf32>
        %get3A_1121 = arith.index_cast %scan3A_1061 : i32 to index
        %get3A_1122 = arith.constant 176 : index
        %get3A_1123 = tpu.vector_load %arg9[%get3A_1121, %get3A_1122] {strides = array<i32>} : memref<96x384xf32, #tpu.memory_space<vmem>>, vector<1x16xf32>,
        %get3A_1124 = vector.shape_cast %get3A_1123 : vector<1x16xf32> to vector<16xf32>
        %add3A_1125 = arith.addf %add3A_1105, %get3A_1124 : vector<16xf32>
        %get3A_1126 = arith.index_cast %scan3A_1061 : i32 to index
        %get3A_1127 = arith.constant 192 : index
        %get3A_1128 = tpu.vector_load %arg9[%get3A_1126, %get3A_1127] {strides = array<i32>} : memref<96x384xf32, #tpu.memory_space<vmem>>, vector<1x16xf32>,
        %get3A_1129 = vector.shape_cast %get3A_1128 : vector<1x16xf32> to vector<16xf32>
        %add3A_1130 = arith.addf %add3A_1110, %get3A_1129 : vector<16xf32>
        %get3A_1131 = arith.index_cast %scan3A_1061 : i32 to index
        %get3A_1132 = arith.constant 208 : index
        %get3A_1133 = tpu.vector_load %arg9[%get3A_1131, %get3A_1132] {strides = array<i32>} : memref<96x384xf32, #tpu.memory_space<vmem>>, vector<1x16xf32>,
        %get3A_1134 = vector.shape_cast %get3A_1133 : vector<1x16xf32> to vector<16xf32>
        %add3A_1135 = arith.addf %add3A_1115, %get3A_1134 : vector<16xf32>
        %get3A_1136 = arith.index_cast %scan3A_1061 : i32 to index
        %get3A_1137 = arith.constant 224 : index
        %get3A_1138 = tpu.vector_load %arg9[%get3A_1136, %get3A_1137] {strides = array<i32>} : memref<96x384xf32, #tpu.memory_space<vmem>>, vector<1x16xf32>,
        %get3A_1139 = vector.shape_cast %get3A_1138 : vector<1x16xf32> to vector<16xf32>
        %add3A_1140 = arith.addf %add3A_1120, %get3A_1139 : vector<16xf32>
        %get3A_1141 = arith.index_cast %scan3A_1061 : i32 to index
        %get3A_1142 = arith.constant 240 : index
        %get3A_1143 = tpu.vector_load %arg9[%get3A_1141, %get3A_1142] {strides = array<i32>} : memref<96x384xf32, #tpu.memory_space<vmem>>, vector<1x16xf32>,
        %get3A_1144 = vector.shape_cast %get3A_1143 : vector<1x16xf32> to vector<16xf32>
        %add3A_1145 = arith.addf %add3A_1125, %get3A_1144 : vector<16xf32>
        %get3A_1146 = arith.index_cast %scan3A_1061 : i32 to index
        %get3A_1147 = arith.constant 256 : index
        %get3A_1148 = tpu.vector_load %arg9[%get3A_1146, %get3A_1147] {strides = array<i32>} : memref<96x384xf32, #tpu.memory_space<vmem>>, vector<1x16xf32>,
        %get3A_1149 = vector.shape_cast %get3A_1148 : vector<1x16xf32> to vector<16xf32>
        %add3A_1150 = arith.addf %add3A_1130, %get3A_1149 : vector<16xf32>
        %get3A_1151 = arith.index_cast %scan3A_1061 : i32 to index
        %get3A_1152 = arith.constant 272 : index
        %get3A_1153 = tpu.vector_load %arg9[%get3A_1151, %get3A_1152] {strides = array<i32>} : memref<96x384xf32, #tpu.memory_space<vmem>>, vector<1x16xf32>,
        %get3A_1154 = vector.shape_cast %get3A_1153 : vector<1x16xf32> to vector<16xf32>
        %add3A_1155 = arith.addf %add3A_1135, %get3A_1154 : vector<16xf32>
        %get3A_1156 = arith.index_cast %scan3A_1061 : i32 to index
        %get3A_1157 = arith.constant 288 : index
        %get3A_1158 = tpu.vector_load %arg9[%get3A_1156, %get3A_1157] {strides = array<i32>} : memref<96x384xf32, #tpu.memory_space<vmem>>, vector<1x16xf32>,
        %get3A_1159 = vector.shape_cast %get3A_1158 : vector<1x16xf32> to vector<16xf32>
        %add3A_1160 = arith.addf %add3A_1140, %get3A_1159 : vector<16xf32>
        %get3A_1161 = arith.index_cast %scan3A_1061 : i32 to index
        %get3A_1162 = arith.constant 304 : index
        %get3A_1163 = tpu.vector_load %arg9[%get3A_1161, %get3A_1162] {strides = array<i32>} : memref<96x384xf32, #tpu.memory_space<vmem>>, vector<1x16xf32>,
        %get3A_1164 = vector.shape_cast %get3A_1163 : vector<1x16xf32> to vector<16xf32>
        %add3A_1165 = arith.addf %add3A_1145, %get3A_1164 : vector<16xf32>
        %get3A_1166 = arith.index_cast %scan3A_1061 : i32 to index
        %get3A_1167 = arith.constant 320 : index
        %get3A_1168 = tpu.vector_load %arg9[%get3A_1166, %get3A_1167] {strides = array<i32>} : memref<96x384xf32, #tpu.memory_space<vmem>>, vector<1x16xf32>,
        %get3A_1169 = vector.shape_cast %get3A_1168 : vector<1x16xf32> to vector<16xf32>
        %add3A_1170 = arith.addf %add3A_1150, %get3A_1169 : vector<16xf32>
        %get3A_1171 = arith.index_cast %scan3A_1061 : i32 to index
        %get3A_1172 = arith.constant 336 : index
        %get3A_1173 = tpu.vector_load %arg9[%get3A_1171, %get3A_1172] {strides = array<i32>} : memref<96x384xf32, #tpu.memory_space<vmem>>, vector<1x16xf32>,
        %get3A_1174 = vector.shape_cast %get3A_1173 : vector<1x16xf32> to vector<16xf32>
        %add3A_1175 = arith.addf %add3A_1155, %get3A_1174 : vector<16xf32>
        %get3A_1176 = arith.index_cast %scan3A_1061 : i32 to index
        %get3A_1177 = arith.constant 352 : index
        %get3A_1178 = tpu.vector_load %arg9[%get3A_1176, %get3A_1177] {strides = array<i32>} : memref<96x384xf32, #tpu.memory_space<vmem>>, vector<1x16xf32>,
        %get3A_1179 = vector.shape_cast %get3A_1178 : vector<1x16xf32> to vector<16xf32>
        %add3A_1180 = arith.addf %add3A_1160, %get3A_1179 : vector<16xf32>
        %get3A_1181 = arith.index_cast %scan3A_1061 : i32 to index
        %get3A_1182 = arith.constant 368 : index
        %get3A_1183 = tpu.vector_load %arg9[%get3A_1181, %get3A_1182] {strides = array<i32>} : memref<96x384xf32, #tpu.memory_space<vmem>>, vector<1x16xf32>,
        %get3A_1184 = vector.shape_cast %get3A_1183 : vector<1x16xf32> to vector<16xf32>
        %add3A_1185 = arith.addf %add3A_1165, %get3A_1184 : vector<16xf32>
        scf.yield %add3A_1170, %add3A_1175, %add3A_1180, %add3A_1185 : vector<16xf32>, vector<16xf32>, vector<16xf32>, vector<16xf32>
      }
      %scan3A_906 = arith.constant 96 : i32
      %jit3A_907 = arith.constant 2 : i32
      %div3A_908 = arith.divsi %add3A_897, %jit3A_907 : i32
      %sign3A_909 = arith.constant 0 : i32
      %sign3A_910 = arith.cmpi sgt, %add3A_897, %sign3A_909 : i32
      %sign3A_911 = arith.extui %sign3A_910 : i1 to i32
      %sign3A_912 = arith.constant 0 : i32
      %sign3A_913 = arith.cmpi slt, %add3A_897, %sign3A_912 : i32
      %sign3A_914 = arith.extui %sign3A_913 : i1 to i32
      %sign3A_915 = arith.subi %sign3A_911, %sign3A_914 : i32
      %sign3A_916 = arith.constant 0 : i32
      %sign3A_917 = arith.cmpi sgt, %jit3A_907, %sign3A_916 : i32
      %sign3A_918 = arith.extui %sign3A_917 : i1 to i32
      %sign3A_919 = arith.constant 0 : i32
      %sign3A_920 = arith.cmpi slt, %jit3A_907, %sign3A_919 : i32
      %sign3A_921 = arith.extui %sign3A_920 : i1 to i32
      %sign3A_922 = arith.subi %sign3A_918, %sign3A_921 : i32
      %ne3A_923 = arith.cmpi ne, %sign3A_915, %sign3A_922 : i32
      %rem3A_924 = arith.remsi %add3A_897, %jit3A_907 : i32
      %ne3A_925 = arith.constant 0 : i32
      %ne3A_926 = arith.cmpi ne, %rem3A_924, %ne3A_925 : i32
      %and3A_927 = arith.andi %ne3A_923, %ne3A_926 : i1
      %sub3A_928 = arith.constant 1 : i32
      %sub3A_929 = arith.subi %div3A_908, %sub3A_928 : i32
      %select_n3A_930 = arith.select %and3A_927, %sub3A_929, %div3A_908 : i32
      %get3A_931 = arith.index_cast %select_n3A_930 : i32 to index
      %get3A_932 = arith.constant 0 : index
      %get3A_933 = tpu.vector_load %arg10[%get3A_931, %get3A_932] {strides = array<i32>} : memref<12x16xf32, #tpu.memory_space<vmem>>, vector<1x16xf32>,
      %get3A_934 = vector.shape_cast %get3A_933 : vector<1x16xf32> to vector<16xf32>
      %add3A_935 = arith.addf %scan3A_905#0, %scan3A_905#1 : vector<16xf32>
      %add3A_936 = arith.addf %scan3A_905#2, %scan3A_905#3 : vector<16xf32>
      %add3A_937 = arith.addf %add3A_935, %add3A_936 : vector<16xf32>
      %add3A_938 = arith.addf %get3A_934, %add3A_937 : vector<16xf32>
      %swap3A_939 = arith.index_cast %select_n3A_930 : i32 to index
      %swap3A_940 = arith.constant 0 : index
      %swap3A_941 = tpu.vector_load %arg10[%swap3A_939, %swap3A_940] {strides = array<i32>} : memref<12x16xf32, #tpu.memory_space<vmem>>, vector<1x16xf32>,
      %swap3A_942 = vector.shape_cast %swap3A_941 : vector<1x16xf32> to vector<16xf32>
      %swap3A_943 = vector.shape_cast %add3A_938 : vector<16xf32> to vector<1x16xf32>
      tpu.vector_store %arg10[%swap3A_939, %swap3A_940], %swap3A_943 {strides = array<i32>} : memref<12x16xf32, #tpu.memory_space<vmem>>, vector<1x16xf32>,
      %add3A_944 = arith.constant 3 : i32
      %add3A_945 = arith.addi %add3A_897, %add3A_944 : i32
      %jit3A_946 = arith.constant 2 : i32
      %div3A_947 = arith.divsi %add3A_945, %jit3A_946 : i32
      %sign3A_948 = arith.constant 0 : i32
      %sign3A_949 = arith.cmpi sgt, %add3A_945, %sign3A_948 : i32
      %sign3A_950 = arith.extui %sign3A_949 : i1 to i32
      %sign3A_951 = arith.constant 0 : i32
      %sign3A_952 = arith.cmpi slt, %add3A_945, %sign3A_951 : i32
      %sign3A_953 = arith.extui %sign3A_952 : i1 to i32
      %sign3A_954 = arith.subi %sign3A_950, %sign3A_953 : i32
      %sign3A_955 = arith.constant 0 : i32
      %sign3A_956 = arith.cmpi sgt, %jit3A_946, %sign3A_955 : i32
      %sign3A_957 = arith.extui %sign3A_956 : i1 to i32
      %sign3A_958 = arith.constant 0 : i32
      %sign3A_959 = arith.cmpi slt, %jit3A_946, %sign3A_958 : i32
      %sign3A_960 = arith.extui %sign3A_959 : i1 to i32
      %sign3A_961 = arith.subi %sign3A_957, %sign3A_960 : i32
      %ne3A_962 = arith.cmpi ne, %sign3A_954, %sign3A_961 : i32
      %rem3A_963 = arith.remsi %add3A_945, %jit3A_946 : i32
      %ne3A_964 = arith.constant 0 : i32
      %ne3A_965 = arith.cmpi ne, %rem3A_963, %ne3A_964 : i32
      %and3A_966 = arith.andi %ne3A_962, %ne3A_965 : i1
      %sub3A_967 = arith.constant 1 : i32
      %sub3A_968 = arith.subi %div3A_947, %sub3A_967 : i32
      %select_n3A_969 = arith.select %and3A_966, %sub3A_968, %div3A_947 : i32
      %add3A_970 = arith.addi %mul3A_2, %select_n3A_969 : i32
      %mul3A_971 = arith.constant 384 : i32
      %mul3A_972 = arith.muli %add3A_970, %mul3A_971 : i32
      %jit3A_973 = arith.constant 2 : i32
      %eq3A_974 = arith.constant 0 : i32
      %eq3A_975 = arith.cmpi eq, %jit3A_973, %eq3A_974 : i32
      %jit3A_976 = arith.constant 1 : i32
      %select_n3A_977 = arith.select %eq3A_975, %jit3A_976, %jit3A_973 : i32
      %rem3A_978 = arith.remsi %add3A_945, %select_n3A_977 : i32
      %ne3A_979 = arith.constant 0 : i32
      %ne3A_980 = arith.cmpi ne, %rem3A_978, %ne3A_979 : i32
      %lt3A_981 = arith.constant 0 : i32
      %lt3A_982 = arith.cmpi slt, %rem3A_978, %lt3A_981 : i32
      %lt3A_983 = arith.constant 0 : i32
      %lt3A_984 = arith.cmpi slt, %select_n3A_977, %lt3A_983 : i32
      %ne3A_985 = arith.xori %lt3A_982, %lt3A_984 : i1
      %and3A_986 = arith.andi %ne3A_985, %ne3A_980 : i1
      %add3A_987 = arith.addi %rem3A_978, %select_n3A_977 : i32
      %select_n3A_988 = arith.select %and3A_986, %add3A_987, %rem3A_978 : i32
      %mul3A_989 = arith.constant 192 : i32
      %mul3A_990 = arith.muli %select_n3A_988, %mul3A_989 : i32
      %add3A_991 = arith.addi %mul3A_972, %mul3A_990 : i32
      %add3A_992 = arith.constant 0 : i32
      %add3A_993 = arith.addi %add3A_991, %add3A_992 : i32
      %mul3A_994 = arith.constant 2 : i32
      %mul3A_995 = vector.broadcast %mul3A_994 : i32 to vector<16xi32>
      %mul3A_996 = arith.muli %mul3A_995, %iota3A : vector<16xi32>
      %add3A_997 = vector.broadcast %add3A_993 : i32 to vector<16xi32>
      %add3A_998 = arith.addi %add3A_997, %mul3A_996 : vector<16xi32>
      %swap3A_999 = arith.constant 0 : index
      %swap3A_1000 = tpu.vector_load %arg6[%swap3A_999] {strides = array<i32>} : memref<96xi32, #tpu.memory_space<vmem>>, vector<16xi32>,
      %swap3A_1001 = vector.shape_cast %swap3A_1000 : vector<16xi32> to vector<16xi32>
      %swap3A_1002 = vector.shape_cast %add3A_998 : vector<16xi32> to vector<16xi32>
      tpu.vector_store %arg6[%swap3A_999], %swap3A_1002 {strides = array<i32>} : memref<96xi32, #tpu.memory_space<vmem>>, vector<16xi32>,
      %add3A_1003 = arith.constant 32 : i32
      %add3A_1004 = arith.addi %add3A_991, %add3A_1003 : i32
      %mul3A_1005 = arith.constant 2 : i32
      %mul3A_1006 = vector.broadcast %mul3A_1005 : i32 to vector<16xi32>
      %mul3A_1007 = arith.muli %mul3A_1006, %iota3A : vector<16xi32>
      %add3A_1008 = vector.broadcast %add3A_1004 : i32 to vector<16xi32>
      %add3A_1009 = arith.addi %add3A_1008, %mul3A_1007 : vector<16xi32>
      %swap3A_1010 = arith.constant 16 : index
      %swap3A_1011 = tpu.vector_load %arg6[%swap3A_1010] {strides = array<i32>} : memref<96xi32, #tpu.memory_space<vmem>>, vector<16xi32>,
      %swap3A_1012 = vector.shape_cast %swap3A_1011 : vector<16xi32> to vector<16xi32>
      %swap3A_1013 = vector.shape_cast %add3A_1009 : vector<16xi32> to vector<16xi32>
      tpu.vector_store %arg6[%swap3A_1010], %swap3A_1013 {strides = array<i32>} : memref<96xi32, #tpu.memory_space<vmem>>, vector<16xi32>,
      %add3A_1014 = arith.constant 64 : i32
      %add3A_1015 = arith.addi %add3A_991, %add3A_1014 : i32
      %mul3A_1016 = arith.constant 2 : i32
      %mul3A_1017 = vector.broadcast %mul3A_1016 : i32 to vector<16xi32>
      %mul3A_1018 = arith.muli %mul3A_1017, %iota3A : vector<16xi32>
      %add3A_1019 = vector.broadcast %add3A_1015 : i32 to vector<16xi32>
      %add3A_1020 = arith.addi %add3A_1019, %mul3A_1018 : vector<16xi32>
      %swap3A_1021 = arith.constant 32 : index
      %swap3A_1022 = tpu.vector_load %arg6[%swap3A_1021] {strides = array<i32>} : memref<96xi32, #tpu.memory_space<vmem>>, vector<16xi32>,
      %swap3A_1023 = vector.shape_cast %swap3A_1022 : vector<16xi32> to vector<16xi32>
      %swap3A_1024 = vector.shape_cast %add3A_1020 : vector<16xi32> to vector<16xi32>
      tpu.vector_store %arg6[%swap3A_1021], %swap3A_1024 {strides = array<i32>} : memref<96xi32, #tpu.memory_space<vmem>>, vector<16xi32>,
      %add3A_1025 = arith.constant 96 : i32
      %add3A_1026 = arith.addi %add3A_991, %add3A_1025 : i32
      %mul3A_1027 = arith.constant 2 : i32
      %mul3A_1028 = vector.broadcast %mul3A_1027 : i32 to vector<16xi32>
      %mul3A_1029 = arith.muli %mul3A_1028, %iota3A : vector<16xi32>
      %add3A_1030 = vector.broadcast %add3A_1026 : i32 to vector<16xi32>
      %add3A_1031 = arith.addi %add3A_1030, %mul3A_1029 : vector<16xi32>
      %swap3A_1032 = arith.constant 48 : index
      %swap3A_1033 = tpu.vector_load %arg6[%swap3A_1032] {strides = array<i32>} : memref<96xi32, #tpu.memory_space<vmem>>, vector<16xi32>,
      %swap3A_1034 = vector.shape_cast %swap3A_1033 : vector<16xi32> to vector<16xi32>
      %swap3A_1035 = vector.shape_cast %add3A_1031 : vector<16xi32> to vector<16xi32>
      tpu.vector_store %arg6[%swap3A_1032], %swap3A_1035 {strides = array<i32>} : memref<96xi32, #tpu.memory_space<vmem>>, vector<16xi32>,
      %add3A_1036 = arith.constant 128 : i32
      %add3A_1037 = arith.addi %add3A_991, %add3A_1036 : i32
      %mul3A_1038 = arith.constant 2 : i32
      %mul3A_1039 = vector.broadcast %mul3A_1038 : i32 to vector<16xi32>
      %mul3A_1040 = arith.muli %mul3A_1039, %iota3A : vector<16xi32>
      %add3A_1041 = vector.broadcast %add3A_1037 : i32 to vector<16xi32>
      %add3A_1042 = arith.addi %add3A_1041, %mul3A_1040 : vector<16xi32>
      %swap3A_1043 = arith.constant 64 : index
      %swap3A_1044 = tpu.vector_load %arg6[%swap3A_1043] {strides = array<i32>} : memref<96xi32, #tpu.memory_space<vmem>>, vector<16xi32>,
      %swap3A_1045 = vector.shape_cast %swap3A_1044 : vector<16xi32> to vector<16xi32>
      %swap3A_1046 = vector.shape_cast %add3A_1042 : vector<16xi32> to vector<16xi32>
      tpu.vector_store %arg6[%swap3A_1043], %swap3A_1046 {strides = array<i32>} : memref<96xi32, #tpu.memory_space<vmem>>, vector<16xi32>,
      %add3A_1047 = arith.constant 160 : i32
      %add3A_1048 = arith.addi %add3A_991, %add3A_1047 : i32
      %mul3A_1049 = arith.constant 2 : i32
      %mul3A_1050 = vector.broadcast %mul3A_1049 : i32 to vector<16xi32>
      %mul3A_1051 = arith.muli %mul3A_1050, %iota3A : vector<16xi32>
      %add3A_1052 = vector.broadcast %add3A_1048 : i32 to vector<16xi32>
      %add3A_1053 = arith.addi %add3A_1052, %mul3A_1051 : vector<16xi32>
      %swap3A_1054 = arith.constant 80 : index
      %swap3A_1055 = tpu.vector_load %arg6[%swap3A_1054] {strides = array<i32>} : memref<96xi32, #tpu.memory_space<vmem>>, vector<16xi32>,
      %swap3A_1056 = vector.shape_cast %swap3A_1055 : vector<16xi32> to vector<16xi32>
      %swap3A_1057 = vector.shape_cast %add3A_1053 : vector<16xi32> to vector<16xi32>
      tpu.vector_store %arg6[%swap3A_1054], %swap3A_1057 {strides = array<i32>} : memref<96xi32, #tpu.memory_space<vmem>>, vector<16xi32>,
      %dma_start3A_1058 = arith.constant 0 : i32
      %dma_start3A_1059 = arith.constant 0 : i32
      %dma_start3A_1060 = tpu.memref_slice %arg2[%dma_start3A_1058, %dma_start3A_1059] : memref<147456x384xf32, #tpu.memory_space<hbm>> -> memref<147456x384xf32, #tpu.memory_space<hbm>>
      tpu.enqueue_indirect_dma source(%dma_start3A_1060 : memref<147456x384xf32, #tpu.memory_space<hbm>>) target(%arg9 : memref<96x384xf32, #tpu.memory_space<vmem>>) offsets(%arg6 : memref<96xi32, #tpu.memory_space<vmem>>) semaphore(%arg13 : memref<!tpu.dma_semaphore, #tpu.memory_space<semaphore_mem>>)
    }
    %scan3A_419 = arith.constant 7 : i32
    %dma_wait3A = arith.constant 0 : i32
    %dma_wait3A_420 = arith.constant 0 : i32
    %dma_wait3A_421 = tpu.memref_slice %arg2[%dma_wait3A, %dma_wait3A_420] : memref<147456x384xf32, #tpu.memory_space<hbm>> -> memref<147456x384xf32, #tpu.memory_space<hbm>>
    tpu.wait_indirect_dma semaphore(%arg11 : memref<!tpu.dma_semaphore, #tpu.memory_space<semaphore_mem>>) src(%dma_wait3A_421 : memref<147456x384xf32, #tpu.memory_space<hbm>>) dst(%arg7 : memref<96x384xf32, #tpu.memory_space<vmem>>)
    %scan3A_422 = arith.constant 0 : i32
    %scan3A_423 = arith.constant 96 : i32
    %scan3A_424 = arith.addi %scan3A_422, %scan3A_423 : i32
    %scan3A_425 = arith.constant 1 : i32
    %scan3A_426:4 = scf.for %scan3A_559 = %scan3A_422 to %scan3A_424 step %scan3A_425 iter_args(%scan3A_560 = %broadcast_in_dim3A_3, %scan3A_561 = %broadcast_in_dim3A_3, %scan3A_562 = %broadcast_in_dim3A_3, %scan3A_563 = %broadcast_in_dim3A_3) -> (vector<16xf32>, vector<16xf32>, vector<16xf32>, vector<16xf32>)  : i32 {
      %get3A_564 = arith.index_cast %scan3A_559 : i32 to index
      %get3A_565 = arith.constant 0 : index
      %get3A_566 = tpu.vector_load %arg7[%get3A_564, %get3A_565] {strides = array<i32>} : memref<96x384xf32, #tpu.memory_space<vmem>>, vector<1x16xf32>,
      %get3A_567 = vector.shape_cast %get3A_566 : vector<1x16xf32> to vector<16xf32>
      %add3A_568 = arith.addf %scan3A_560, %get3A_567 : vector<16xf32>
      %get3A_569 = arith.index_cast %scan3A_559 : i32 to index
      %get3A_570 = arith.constant 16 : index
      %get3A_571 = tpu.vector_load %arg7[%get3A_569, %get3A_570] {strides = array<i32>} : memref<96x384xf32, #tpu.memory_space<vmem>>, vector<1x16xf32>,
      %get3A_572 = vector.shape_cast %get3A_571 : vector<1x16xf32> to vector<16xf32>
      %add3A_573 = arith.addf %scan3A_561, %get3A_572 : vector<16xf32>
      %get3A_574 = arith.index_cast %scan3A_559 : i32 to index
      %get3A_575 = arith.constant 32 : index
      %get3A_576 = tpu.vector_load %arg7[%get3A_574, %get3A_575] {strides = array<i32>} : memref<96x384xf32, #tpu.memory_space<vmem>>, vector<1x16xf32>,
      %get3A_577 = vector.shape_cast %get3A_576 : vector<1x16xf32> to vector<16xf32>
      %add3A_578 = arith.addf %scan3A_562, %get3A_577 : vector<16xf32>
      %get3A_579 = arith.index_cast %scan3A_559 : i32 to index
      %get3A_580 = arith.constant 48 : index
      %get3A_581 = tpu.vector_load %arg7[%get3A_579, %get3A_580] {strides = array<i32>} : memref<96x384xf32, #tpu.memory_space<vmem>>, vector<1x16xf32>,
      %get3A_582 = vector.shape_cast %get3A_581 : vector<1x16xf32> to vector<16xf32>
      %add3A_583 = arith.addf %scan3A_563, %get3A_582 : vector<16xf32>
      %get3A_584 = arith.index_cast %scan3A_559 : i32 to index
      %get3A_585 = arith.constant 64 : index
      %get3A_586 = tpu.vector_load %arg7[%get3A_584, %get3A_585] {strides = array<i32>} : memref<96x384xf32, #tpu.memory_space<vmem>>, vector<1x16xf32>,
      %get3A_587 = vector.shape_cast %get3A_586 : vector<1x16xf32> to vector<16xf32>
      %add3A_588 = arith.addf %add3A_568, %get3A_587 : vector<16xf32>
      %get3A_589 = arith.index_cast %scan3A_559 : i32 to index
      %get3A_590 = arith.constant 80 : index
      %get3A_591 = tpu.vector_load %arg7[%get3A_589, %get3A_590] {strides = array<i32>} : memref<96x384xf32, #tpu.memory_space<vmem>>, vector<1x16xf32>,
      %get3A_592 = vector.shape_cast %get3A_591 : vector<1x16xf32> to vector<16xf32>
      %add3A_593 = arith.addf %add3A_573, %get3A_592 : vector<16xf32>
      %get3A_594 = arith.index_cast %scan3A_559 : i32 to index
      %get3A_595 = arith.constant 96 : index
      %get3A_596 = tpu.vector_load %arg7[%get3A_594, %get3A_595] {strides = array<i32>} : memref<96x384xf32, #tpu.memory_space<vmem>>, vector<1x16xf32>,
      %get3A_597 = vector.shape_cast %get3A_596 : vector<1x16xf32> to vector<16xf32>
      %add3A_598 = arith.addf %add3A_578, %get3A_597 : vector<16xf32>
      %get3A_599 = arith.index_cast %scan3A_559 : i32 to index
      %get3A_600 = arith.constant 112 : index
      %get3A_601 = tpu.vector_load %arg7[%get3A_599, %get3A_600] {strides = array<i32>} : memref<96x384xf32, #tpu.memory_space<vmem>>, vector<1x16xf32>,
      %get3A_602 = vector.shape_cast %get3A_601 : vector<1x16xf32> to vector<16xf32>
      %add3A_603 = arith.addf %add3A_583, %get3A_602 : vector<16xf32>
      %get3A_604 = arith.index_cast %scan3A_559 : i32 to index
      %get3A_605 = arith.constant 128 : index
      %get3A_606 = tpu.vector_load %arg7[%get3A_604, %get3A_605] {strides = array<i32>} : memref<96x384xf32, #tpu.memory_space<vmem>>, vector<1x16xf32>,
      %get3A_607 = vector.shape_cast %get3A_606 : vector<1x16xf32> to vector<16xf32>
      %add3A_608 = arith.addf %add3A_588, %get3A_607 : vector<16xf32>
      %get3A_609 = arith.index_cast %scan3A_559 : i32 to index
      %get3A_610 = arith.constant 144 : index
      %get3A_611 = tpu.vector_load %arg7[%get3A_609, %get3A_610] {strides = array<i32>} : memref<96x384xf32, #tpu.memory_space<vmem>>, vector<1x16xf32>,
      %get3A_612 = vector.shape_cast %get3A_611 : vector<1x16xf32> to vector<16xf32>
      %add3A_613 = arith.addf %add3A_593, %get3A_612 : vector<16xf32>
      %get3A_614 = arith.index_cast %scan3A_559 : i32 to index
      %get3A_615 = arith.constant 160 : index
      %get3A_616 = tpu.vector_load %arg7[%get3A_614, %get3A_615] {strides = array<i32>} : memref<96x384xf32, #tpu.memory_space<vmem>>, vector<1x16xf32>,
      %get3A_617 = vector.shape_cast %get3A_616 : vector<1x16xf32> to vector<16xf32>
      %add3A_618 = arith.addf %add3A_598, %get3A_617 : vector<16xf32>
      %get3A_619 = arith.index_cast %scan3A_559 : i32 to index
      %get3A_620 = arith.constant 176 : index
      %get3A_621 = tpu.vector_load %arg7[%get3A_619, %get3A_620] {strides = array<i32>} : memref<96x384xf32, #tpu.memory_space<vmem>>, vector<1x16xf32>,
      %get3A_622 = vector.shape_cast %get3A_621 : vector<1x16xf32> to vector<16xf32>
      %add3A_623 = arith.addf %add3A_603, %get3A_622 : vector<16xf32>
      %get3A_624 = arith.index_cast %scan3A_559 : i32 to index
      %get3A_625 = arith.constant 192 : index
      %get3A_626 = tpu.vector_load %arg7[%get3A_624, %get3A_625] {strides = array<i32>} : memref<96x384xf32, #tpu.memory_space<vmem>>, vector<1x16xf32>,
      %get3A_627 = vector.shape_cast %get3A_626 : vector<1x16xf32> to vector<16xf32>
      %add3A_628 = arith.addf %add3A_608, %get3A_627 : vector<16xf32>
      %get3A_629 = arith.index_cast %scan3A_559 : i32 to index
      %get3A_630 = arith.constant 208 : index
      %get3A_631 = tpu.vector_load %arg7[%get3A_629, %get3A_630] {strides = array<i32>} : memref<96x384xf32, #tpu.memory_space<vmem>>, vector<1x16xf32>,
      %get3A_632 = vector.shape_cast %get3A_631 : vector<1x16xf32> to vector<16xf32>
      %add3A_633 = arith.addf %add3A_613, %get3A_632 : vector<16xf32>
      %get3A_634 = arith.index_cast %scan3A_559 : i32 to index
      %get3A_635 = arith.constant 224 : index
      %get3A_636 = tpu.vector_load %arg7[%get3A_634, %get3A_635] {strides = array<i32>} : memref<96x384xf32, #tpu.memory_space<vmem>>, vector<1x16xf32>,
      %get3A_637 = vector.shape_cast %get3A_636 : vector<1x16xf32> to vector<16xf32>
      %add3A_638 = arith.addf %add3A_618, %get3A_637 : vector<16xf32>
      %get3A_639 = arith.index_cast %scan3A_559 : i32 to index
      %get3A_640 = arith.constant 240 : index
      %get3A_641 = tpu.vector_load %arg7[%get3A_639, %get3A_640] {strides = array<i32>} : memref<96x384xf32, #tpu.memory_space<vmem>>, vector<1x16xf32>,
      %get3A_642 = vector.shape_cast %get3A_641 : vector<1x16xf32> to vector<16xf32>
      %add3A_643 = arith.addf %add3A_623, %get3A_642 : vector<16xf32>
      %get3A_644 = arith.index_cast %scan3A_559 : i32 to index
      %get3A_645 = arith.constant 256 : index
      %get3A_646 = tpu.vector_load %arg7[%get3A_644, %get3A_645] {strides = array<i32>} : memref<96x384xf32, #tpu.memory_space<vmem>>, vector<1x16xf32>,
      %get3A_647 = vector.shape_cast %get3A_646 : vector<1x16xf32> to vector<16xf32>
      %add3A_648 = arith.addf %add3A_628, %get3A_647 : vector<16xf32>
      %get3A_649 = arith.index_cast %scan3A_559 : i32 to index
      %get3A_650 = arith.constant 272 : index
      %get3A_651 = tpu.vector_load %arg7[%get3A_649, %get3A_650] {strides = array<i32>} : memref<96x384xf32, #tpu.memory_space<vmem>>, vector<1x16xf32>,
      %get3A_652 = vector.shape_cast %get3A_651 : vector<1x16xf32> to vector<16xf32>
      %add3A_653 = arith.addf %add3A_633, %get3A_652 : vector<16xf32>
      %get3A_654 = arith.index_cast %scan3A_559 : i32 to index
      %get3A_655 = arith.constant 288 : index
      %get3A_656 = tpu.vector_load %arg7[%get3A_654, %get3A_655] {strides = array<i32>} : memref<96x384xf32, #tpu.memory_space<vmem>>, vector<1x16xf32>,
      %get3A_657 = vector.shape_cast %get3A_656 : vector<1x16xf32> to vector<16xf32>
      %add3A_658 = arith.addf %add3A_638, %get3A_657 : vector<16xf32>
      %get3A_659 = arith.index_cast %scan3A_559 : i32 to index
      %get3A_660 = arith.constant 304 : index
      %get3A_661 = tpu.vector_load %arg7[%get3A_659, %get3A_660] {strides = array<i32>} : memref<96x384xf32, #tpu.memory_space<vmem>>, vector<1x16xf32>,
      %get3A_662 = vector.shape_cast %get3A_661 : vector<1x16xf32> to vector<16xf32>
      %add3A_663 = arith.addf %add3A_643, %get3A_662 : vector<16xf32>
      %get3A_664 = arith.index_cast %scan3A_559 : i32 to index
      %get3A_665 = arith.constant 320 : index
      %get3A_666 = tpu.vector_load %arg7[%get3A_664, %get3A_665] {strides = array<i32>} : memref<96x384xf32, #tpu.memory_space<vmem>>, vector<1x16xf32>,
      %get3A_667 = vector.shape_cast %get3A_666 : vector<1x16xf32> to vector<16xf32>
      %add3A_668 = arith.addf %add3A_648, %get3A_667 : vector<16xf32>
      %get3A_669 = arith.index_cast %scan3A_559 : i32 to index
      %get3A_670 = arith.constant 336 : index
      %get3A_671 = tpu.vector_load %arg7[%get3A_669, %get3A_670] {strides = array<i32>} : memref<96x384xf32, #tpu.memory_space<vmem>>, vector<1x16xf32>,
      %get3A_672 = vector.shape_cast %get3A_671 : vector<1x16xf32> to vector<16xf32>
      %add3A_673 = arith.addf %add3A_653, %get3A_672 : vector<16xf32>
      %get3A_674 = arith.index_cast %scan3A_559 : i32 to index
      %get3A_675 = arith.constant 352 : index
      %get3A_676 = tpu.vector_load %arg7[%get3A_674, %get3A_675] {strides = array<i32>} : memref<96x384xf32, #tpu.memory_space<vmem>>, vector<1x16xf32>,
      %get3A_677 = vector.shape_cast %get3A_676 : vector<1x16xf32> to vector<16xf32>
      %add3A_678 = arith.addf %add3A_658, %get3A_677 : vector<16xf32>
      %get3A_679 = arith.index_cast %scan3A_559 : i32 to index
      %get3A_680 = arith.constant 368 : index
      %get3A_681 = tpu.vector_load %arg7[%get3A_679, %get3A_680] {strides = array<i32>} : memref<96x384xf32, #tpu.memory_space<vmem>>, vector<1x16xf32>,
      %get3A_682 = vector.shape_cast %get3A_681 : vector<1x16xf32> to vector<16xf32>
      %add3A_683 = arith.addf %add3A_663, %get3A_682 : vector<16xf32>
      scf.yield %add3A_668, %add3A_673, %add3A_678, %add3A_683 : vector<16xf32>, vector<16xf32>, vector<16xf32>, vector<16xf32>
    }
    %scan3A_427 = arith.constant 96 : i32
    %jit3A_428 = arith.constant 21 : i32
    %jit3A_429 = arith.constant 2 : i32
    %div3A_430 = arith.divsi %jit3A_428, %jit3A_429 : i32
    %sign3A_431 = arith.constant 0 : i32
    %sign3A_432 = arith.cmpi sgt, %jit3A_428, %sign3A_431 : i32
    %sign3A_433 = arith.extui %sign3A_432 : i1 to i32
    %sign3A_434 = arith.constant 0 : i32
    %sign3A_435 = arith.cmpi slt, %jit3A_428, %sign3A_434 : i32
    %sign3A_436 = arith.extui %sign3A_435 : i1 to i32
    %sign3A_437 = arith.subi %sign3A_433, %sign3A_436 : i32
    %sign3A_438 = arith.constant 0 : i32
    %sign3A_439 = arith.cmpi sgt, %jit3A_429, %sign3A_438 : i32
    %sign3A_440 = arith.extui %sign3A_439 : i1 to i32
    %sign3A_441 = arith.constant 0 : i32
    %sign3A_442 = arith.cmpi slt, %jit3A_429, %sign3A_441 : i32
    %sign3A_443 = arith.extui %sign3A_442 : i1 to i32
    %sign3A_444 = arith.subi %sign3A_440, %sign3A_443 : i32
    %ne3A_445 = arith.cmpi ne, %sign3A_437, %sign3A_444 : i32
    %rem3A_446 = arith.remsi %jit3A_428, %jit3A_429 : i32
    %ne3A_447 = arith.constant 0 : i32
    %ne3A_448 = arith.cmpi ne, %rem3A_446, %ne3A_447 : i32
    %and3A_449 = arith.andi %ne3A_445, %ne3A_448 : i1
    %sub3A_450 = arith.constant 1 : i32
    %sub3A_451 = arith.subi %div3A_430, %sub3A_450 : i32
    %select_n3A_452 = arith.select %and3A_449, %sub3A_451, %div3A_430 : i32
    %get3A = arith.index_cast %select_n3A_452 : i32 to index
    %get3A_453 = arith.constant 0 : index
    %get3A_454 = tpu.vector_load %arg10[%get3A, %get3A_453] {strides = array<i32>} : memref<12x16xf32, #tpu.memory_space<vmem>>, vector<1x16xf32>,
    %get3A_455 = vector.shape_cast %get3A_454 : vector<1x16xf32> to vector<16xf32>
    %add3A_456 = arith.addf %scan3A_426#0, %scan3A_426#1 : vector<16xf32>
    %add3A_457 = arith.addf %scan3A_426#2, %scan3A_426#3 : vector<16xf32>
    %add3A_458 = arith.addf %add3A_456, %add3A_457 : vector<16xf32>
    %add3A_459 = arith.addf %get3A_455, %add3A_458 : vector<16xf32>
    %swap3A_460 = arith.index_cast %select_n3A_452 : i32 to index
    %swap3A_461 = arith.constant 0 : index
    %swap3A_462 = tpu.vector_load %arg10[%swap3A_460, %swap3A_461] {strides = array<i32>} : memref<12x16xf32, #tpu.memory_space<vmem>>, vector<1x16xf32>,
    %swap3A_463 = vector.shape_cast %swap3A_462 : vector<1x16xf32> to vector<16xf32>
    %swap3A_464 = vector.shape_cast %add3A_459 : vector<16xf32> to vector<1x16xf32>
    tpu.vector_store %arg10[%swap3A_460, %swap3A_461], %swap3A_464 {strides = array<i32>} : memref<12x16xf32, #tpu.memory_space<vmem>>, vector<1x16xf32>,
    %dma_wait3A_465 = arith.constant 0 : i32
    %dma_wait3A_466 = arith.constant 0 : i32
    %dma_wait3A_467 = tpu.memref_slice %arg2[%dma_wait3A_465, %dma_wait3A_466] : memref<147456x384xf32, #tpu.memory_space<hbm>> -> memref<147456x384xf32, #tpu.memory_space<hbm>>
    tpu.wait_indirect_dma semaphore(%arg12 : memref<!tpu.dma_semaphore, #tpu.memory_space<semaphore_mem>>) src(%dma_wait3A_467 : memref<147456x384xf32, #tpu.memory_space<hbm>>) dst(%arg8 : memref<96x384xf32, #tpu.memory_space<vmem>>)
    %scan3A_468 = arith.constant 0 : i32
    %scan3A_469 = arith.constant 96 : i32
    %scan3A_470 = arith.addi %scan3A_468, %scan3A_469 : i32
    %scan3A_471 = arith.constant 1 : i32
    %scan3A_472:4 = scf.for %scan3A_559 = %scan3A_468 to %scan3A_470 step %scan3A_471 iter_args(%scan3A_560 = %broadcast_in_dim3A_3, %scan3A_561 = %broadcast_in_dim3A_3, %scan3A_562 = %broadcast_in_dim3A_3, %scan3A_563 = %broadcast_in_dim3A_3) -> (vector<16xf32>, vector<16xf32>, vector<16xf32>, vector<16xf32>)  : i32 {
      %get3A_564 = arith.index_cast %scan3A_559 : i32 to index
      %get3A_565 = arith.constant 0 : index
      %get3A_566 = tpu.vector_load %arg8[%get3A_564, %get3A_565] {strides = array<i32>} : memref<96x384xf32, #tpu.memory_space<vmem>>, vector<1x16xf32>,
      %get3A_567 = vector.shape_cast %get3A_566 : vector<1x16xf32> to vector<16xf32>
      %add3A_568 = arith.addf %scan3A_560, %get3A_567 : vector<16xf32>
      %get3A_569 = arith.index_cast %scan3A_559 : i32 to index
      %get3A_570 = arith.constant 16 : index
      %get3A_571 = tpu.vector_load %arg8[%get3A_569, %get3A_570] {strides = array<i32>} : memref<96x384xf32, #tpu.memory_space<vmem>>, vector<1x16xf32>,
      %get3A_572 = vector.shape_cast %get3A_571 : vector<1x16xf32> to vector<16xf32>
      %add3A_573 = arith.addf %scan3A_561, %get3A_572 : vector<16xf32>
      %get3A_574 = arith.index_cast %scan3A_559 : i32 to index
      %get3A_575 = arith.constant 32 : index
      %get3A_576 = tpu.vector_load %arg8[%get3A_574, %get3A_575] {strides = array<i32>} : memref<96x384xf32, #tpu.memory_space<vmem>>, vector<1x16xf32>,
      %get3A_577 = vector.shape_cast %get3A_576 : vector<1x16xf32> to vector<16xf32>
      %add3A_578 = arith.addf %scan3A_562, %get3A_577 : vector<16xf32>
      %get3A_579 = arith.index_cast %scan3A_559 : i32 to index
      %get3A_580 = arith.constant 48 : index
      %get3A_581 = tpu.vector_load %arg8[%get3A_579, %get3A_580] {strides = array<i32>} : memref<96x384xf32, #tpu.memory_space<vmem>>, vector<1x16xf32>,
      %get3A_582 = vector.shape_cast %get3A_581 : vector<1x16xf32> to vector<16xf32>
      %add3A_583 = arith.addf %scan3A_563, %get3A_582 : vector<16xf32>
      %get3A_584 = arith.index_cast %scan3A_559 : i32 to index
      %get3A_585 = arith.constant 64 : index
      %get3A_586 = tpu.vector_load %arg8[%get3A_584, %get3A_585] {strides = array<i32>} : memref<96x384xf32, #tpu.memory_space<vmem>>, vector<1x16xf32>,
      %get3A_587 = vector.shape_cast %get3A_586 : vector<1x16xf32> to vector<16xf32>
      %add3A_588 = arith.addf %add3A_568, %get3A_587 : vector<16xf32>
      %get3A_589 = arith.index_cast %scan3A_559 : i32 to index
      %get3A_590 = arith.constant 80 : index
      %get3A_591 = tpu.vector_load %arg8[%get3A_589, %get3A_590] {strides = array<i32>} : memref<96x384xf32, #tpu.memory_space<vmem>>, vector<1x16xf32>,
      %get3A_592 = vector.shape_cast %get3A_591 : vector<1x16xf32> to vector<16xf32>
      %add3A_593 = arith.addf %add3A_573, %get3A_592 : vector<16xf32>
      %get3A_594 = arith.index_cast %scan3A_559 : i32 to index
      %get3A_595 = arith.constant 96 : index
      %get3A_596 = tpu.vector_load %arg8[%get3A_594, %get3A_595] {strides = array<i32>} : memref<96x384xf32, #tpu.memory_space<vmem>>, vector<1x16xf32>,
      %get3A_597 = vector.shape_cast %get3A_596 : vector<1x16xf32> to vector<16xf32>
      %add3A_598 = arith.addf %add3A_578, %get3A_597 : vector<16xf32>
      %get3A_599 = arith.index_cast %scan3A_559 : i32 to index
      %get3A_600 = arith.constant 112 : index
      %get3A_601 = tpu.vector_load %arg8[%get3A_599, %get3A_600] {strides = array<i32>} : memref<96x384xf32, #tpu.memory_space<vmem>>, vector<1x16xf32>,
      %get3A_602 = vector.shape_cast %get3A_601 : vector<1x16xf32> to vector<16xf32>
      %add3A_603 = arith.addf %add3A_583, %get3A_602 : vector<16xf32>
      %get3A_604 = arith.index_cast %scan3A_559 : i32 to index
      %get3A_605 = arith.constant 128 : index
      %get3A_606 = tpu.vector_load %arg8[%get3A_604, %get3A_605] {strides = array<i32>} : memref<96x384xf32, #tpu.memory_space<vmem>>, vector<1x16xf32>,
      %get3A_607 = vector.shape_cast %get3A_606 : vector<1x16xf32> to vector<16xf32>
      %add3A_608 = arith.addf %add3A_588, %get3A_607 : vector<16xf32>
      %get3A_609 = arith.index_cast %scan3A_559 : i32 to index
      %get3A_610 = arith.constant 144 : index
      %get3A_611 = tpu.vector_load %arg8[%get3A_609, %get3A_610] {strides = array<i32>} : memref<96x384xf32, #tpu.memory_space<vmem>>, vector<1x16xf32>,
      %get3A_612 = vector.shape_cast %get3A_611 : vector<1x16xf32> to vector<16xf32>
      %add3A_613 = arith.addf %add3A_593, %get3A_612 : vector<16xf32>
      %get3A_614 = arith.index_cast %scan3A_559 : i32 to index
      %get3A_615 = arith.constant 160 : index
      %get3A_616 = tpu.vector_load %arg8[%get3A_614, %get3A_615] {strides = array<i32>} : memref<96x384xf32, #tpu.memory_space<vmem>>, vector<1x16xf32>,
      %get3A_617 = vector.shape_cast %get3A_616 : vector<1x16xf32> to vector<16xf32>
      %add3A_618 = arith.addf %add3A_598, %get3A_617 : vector<16xf32>
      %get3A_619 = arith.index_cast %scan3A_559 : i32 to index
      %get3A_620 = arith.constant 176 : index
      %get3A_621 = tpu.vector_load %arg8[%get3A_619, %get3A_620] {strides = array<i32>} : memref<96x384xf32, #tpu.memory_space<vmem>>, vector<1x16xf32>,
      %get3A_622 = vector.shape_cast %get3A_621 : vector<1x16xf32> to vector<16xf32>
      %add3A_623 = arith.addf %add3A_603, %get3A_622 : vector<16xf32>
      %get3A_624 = arith.index_cast %scan3A_559 : i32 to index
      %get3A_625 = arith.constant 192 : index
      %get3A_626 = tpu.vector_load %arg8[%get3A_624, %get3A_625] {strides = array<i32>} : memref<96x384xf32, #tpu.memory_space<vmem>>, vector<1x16xf32>,
      %get3A_627 = vector.shape_cast %get3A_626 : vector<1x16xf32> to vector<16xf32>
      %add3A_628 = arith.addf %add3A_608, %get3A_627 : vector<16xf32>
      %get3A_629 = arith.index_cast %scan3A_559 : i32 to index
      %get3A_630 = arith.constant 208 : index
      %get3A_631 = tpu.vector_load %arg8[%get3A_629, %get3A_630] {strides = array<i32>} : memref<96x384xf32, #tpu.memory_space<vmem>>, vector<1x16xf32>,
      %get3A_632 = vector.shape_cast %get3A_631 : vector<1x16xf32> to vector<16xf32>
      %add3A_633 = arith.addf %add3A_613, %get3A_632 : vector<16xf32>
      %get3A_634 = arith.index_cast %scan3A_559 : i32 to index
      %get3A_635 = arith.constant 224 : index
      %get3A_636 = tpu.vector_load %arg8[%get3A_634, %get3A_635] {strides = array<i32>} : memref<96x384xf32, #tpu.memory_space<vmem>>, vector<1x16xf32>,
      %get3A_637 = vector.shape_cast %get3A_636 : vector<1x16xf32> to vector<16xf32>
      %add3A_638 = arith.addf %add3A_618, %get3A_637 : vector<16xf32>
      %get3A_639 = arith.index_cast %scan3A_559 : i32 to index
      %get3A_640 = arith.constant 240 : index
      %get3A_641 = tpu.vector_load %arg8[%get3A_639, %get3A_640] {strides = array<i32>} : memref<96x384xf32, #tpu.memory_space<vmem>>, vector<1x16xf32>,
      %get3A_642 = vector.shape_cast %get3A_641 : vector<1x16xf32> to vector<16xf32>
      %add3A_643 = arith.addf %add3A_623, %get3A_642 : vector<16xf32>
      %get3A_644 = arith.index_cast %scan3A_559 : i32 to index
      %get3A_645 = arith.constant 256 : index
      %get3A_646 = tpu.vector_load %arg8[%get3A_644, %get3A_645] {strides = array<i32>} : memref<96x384xf32, #tpu.memory_space<vmem>>, vector<1x16xf32>,
      %get3A_647 = vector.shape_cast %get3A_646 : vector<1x16xf32> to vector<16xf32>
      %add3A_648 = arith.addf %add3A_628, %get3A_647 : vector<16xf32>
      %get3A_649 = arith.index_cast %scan3A_559 : i32 to index
      %get3A_650 = arith.constant 272 : index
      %get3A_651 = tpu.vector_load %arg8[%get3A_649, %get3A_650] {strides = array<i32>} : memref<96x384xf32, #tpu.memory_space<vmem>>, vector<1x16xf32>,
      %get3A_652 = vector.shape_cast %get3A_651 : vector<1x16xf32> to vector<16xf32>
      %add3A_653 = arith.addf %add3A_633, %get3A_652 : vector<16xf32>
      %get3A_654 = arith.index_cast %scan3A_559 : i32 to index
      %get3A_655 = arith.constant 288 : index
      %get3A_656 = tpu.vector_load %arg8[%get3A_654, %get3A_655] {strides = array<i32>} : memref<96x384xf32, #tpu.memory_space<vmem>>, vector<1x16xf32>,
      %get3A_657 = vector.shape_cast %get3A_656 : vector<1x16xf32> to vector<16xf32>
      %add3A_658 = arith.addf %add3A_638, %get3A_657 : vector<16xf32>
      %get3A_659 = arith.index_cast %scan3A_559 : i32 to index
      %get3A_660 = arith.constant 304 : index
      %get3A_661 = tpu.vector_load %arg8[%get3A_659, %get3A_660] {strides = array<i32>} : memref<96x384xf32, #tpu.memory_space<vmem>>, vector<1x16xf32>,
      %get3A_662 = vector.shape_cast %get3A_661 : vector<1x16xf32> to vector<16xf32>
      %add3A_663 = arith.addf %add3A_643, %get3A_662 : vector<16xf32>
      %get3A_664 = arith.index_cast %scan3A_559 : i32 to index
      %get3A_665 = arith.constant 320 : index
      %get3A_666 = tpu.vector_load %arg8[%get3A_664, %get3A_665] {strides = array<i32>} : memref<96x384xf32, #tpu.memory_space<vmem>>, vector<1x16xf32>,
      %get3A_667 = vector.shape_cast %get3A_666 : vector<1x16xf32> to vector<16xf32>
      %add3A_668 = arith.addf %add3A_648, %get3A_667 : vector<16xf32>
      %get3A_669 = arith.index_cast %scan3A_559 : i32 to index
      %get3A_670 = arith.constant 336 : index
      %get3A_671 = tpu.vector_load %arg8[%get3A_669, %get3A_670] {strides = array<i32>} : memref<96x384xf32, #tpu.memory_space<vmem>>, vector<1x16xf32>,
      %get3A_672 = vector.shape_cast %get3A_671 : vector<1x16xf32> to vector<16xf32>
      %add3A_673 = arith.addf %add3A_653, %get3A_672 : vector<16xf32>
      %get3A_674 = arith.index_cast %scan3A_559 : i32 to index
      %get3A_675 = arith.constant 352 : index
      %get3A_676 = tpu.vector_load %arg8[%get3A_674, %get3A_675] {strides = array<i32>} : memref<96x384xf32, #tpu.memory_space<vmem>>, vector<1x16xf32>,
      %get3A_677 = vector.shape_cast %get3A_676 : vector<1x16xf32> to vector<16xf32>
      %add3A_678 = arith.addf %add3A_658, %get3A_677 : vector<16xf32>
      %get3A_679 = arith.index_cast %scan3A_559 : i32 to index
      %get3A_680 = arith.constant 368 : index
      %get3A_681 = tpu.vector_load %arg8[%get3A_679, %get3A_680] {strides = array<i32>} : memref<96x384xf32, #tpu.memory_space<vmem>>, vector<1x16xf32>,
      %get3A_682 = vector.shape_cast %get3A_681 : vector<1x16xf32> to vector<16xf32>
      %add3A_683 = arith.addf %add3A_663, %get3A_682 : vector<16xf32>
      scf.yield %add3A_668, %add3A_673, %add3A_678, %add3A_683 : vector<16xf32>, vector<16xf32>, vector<16xf32>, vector<16xf32>
    }
    %scan3A_473 = arith.constant 96 : i32
    %jit3A_474 = arith.constant 22 : i32
    %jit3A_475 = arith.constant 2 : i32
    %div3A_476 = arith.divsi %jit3A_474, %jit3A_475 : i32
    %sign3A_477 = arith.constant 0 : i32
    %sign3A_478 = arith.cmpi sgt, %jit3A_474, %sign3A_477 : i32
    %sign3A_479 = arith.extui %sign3A_478 : i1 to i32
    %sign3A_480 = arith.constant 0 : i32
    %sign3A_481 = arith.cmpi slt, %jit3A_474, %sign3A_480 : i32
    %sign3A_482 = arith.extui %sign3A_481 : i1 to i32
    %sign3A_483 = arith.subi %sign3A_479, %sign3A_482 : i32
    %sign3A_484 = arith.constant 0 : i32
    %sign3A_485 = arith.cmpi sgt, %jit3A_475, %sign3A_484 : i32
    %sign3A_486 = arith.extui %sign3A_485 : i1 to i32
    %sign3A_487 = arith.constant 0 : i32
    %sign3A_488 = arith.cmpi slt, %jit3A_475, %sign3A_487 : i32
    %sign3A_489 = arith.extui %sign3A_488 : i1 to i32
    %sign3A_490 = arith.subi %sign3A_486, %sign3A_489 : i32
    %ne3A_491 = arith.cmpi ne, %sign3A_483, %sign3A_490 : i32
    %rem3A_492 = arith.remsi %jit3A_474, %jit3A_475 : i32
    %ne3A_493 = arith.constant 0 : i32
    %ne3A_494 = arith.cmpi ne, %rem3A_492, %ne3A_493 : i32
    %and3A_495 = arith.andi %ne3A_491, %ne3A_494 : i1
    %sub3A_496 = arith.constant 1 : i32
    %sub3A_497 = arith.subi %div3A_476, %sub3A_496 : i32
    %select_n3A_498 = arith.select %and3A_495, %sub3A_497, %div3A_476 : i32
    %get3A_499 = arith.index_cast %select_n3A_498 : i32 to index
    %get3A_500 = arith.constant 0 : index
    %get3A_501 = tpu.vector_load %arg10[%get3A_499, %get3A_500] {strides = array<i32>} : memref<12x16xf32, #tpu.memory_space<vmem>>, vector<1x16xf32>,
    %get3A_502 = vector.shape_cast %get3A_501 : vector<1x16xf32> to vector<16xf32>
    %add3A_503 = arith.addf %scan3A_472#0, %scan3A_472#1 : vector<16xf32>
    %add3A_504 = arith.addf %scan3A_472#2, %scan3A_472#3 : vector<16xf32>
    %add3A_505 = arith.addf %add3A_503, %add3A_504 : vector<16xf32>
    %add3A_506 = arith.addf %get3A_502, %add3A_505 : vector<16xf32>
    %swap3A_507 = arith.index_cast %select_n3A_498 : i32 to index
    %swap3A_508 = arith.constant 0 : index
    %swap3A_509 = tpu.vector_load %arg10[%swap3A_507, %swap3A_508] {strides = array<i32>} : memref<12x16xf32, #tpu.memory_space<vmem>>, vector<1x16xf32>,
    %swap3A_510 = vector.shape_cast %swap3A_509 : vector<1x16xf32> to vector<16xf32>
    %swap3A_511 = vector.shape_cast %add3A_506 : vector<16xf32> to vector<1x16xf32>
    tpu.vector_store %arg10[%swap3A_507, %swap3A_508], %swap3A_511 {strides = array<i32>} : memref<12x16xf32, #tpu.memory_space<vmem>>, vector<1x16xf32>,
    %dma_wait3A_512 = arith.constant 0 : i32
    %dma_wait3A_513 = arith.constant 0 : i32
    %dma_wait3A_514 = tpu.memref_slice %arg2[%dma_wait3A_512, %dma_wait3A_513] : memref<147456x384xf32, #tpu.memory_space<hbm>> -> memref<147456x384xf32, #tpu.memory_space<hbm>>
    tpu.wait_indirect_dma semaphore(%arg13 : memref<!tpu.dma_semaphore, #tpu.memory_space<semaphore_mem>>) src(%dma_wait3A_514 : memref<147456x384xf32, #tpu.memory_space<hbm>>) dst(%arg9 : memref<96x384xf32, #tpu.memory_space<vmem>>)
    %scan3A_515 = arith.constant 0 : i32
    %scan3A_516 = arith.constant 96 : i32
    %scan3A_517 = arith.addi %scan3A_515, %scan3A_516 : i32
    %scan3A_518 = arith.constant 1 : i32
    %scan3A_519:4 = scf.for %scan3A_559 = %scan3A_515 to %scan3A_517 step %scan3A_518 iter_args(%scan3A_560 = %broadcast_in_dim3A_3, %scan3A_561 = %broadcast_in_dim3A_3, %scan3A_562 = %broadcast_in_dim3A_3, %scan3A_563 = %broadcast_in_dim3A_3) -> (vector<16xf32>, vector<16xf32>, vector<16xf32>, vector<16xf32>)  : i32 {
      %get3A_564 = arith.index_cast %scan3A_559 : i32 to index
      %get3A_565 = arith.constant 0 : index
      %get3A_566 = tpu.vector_load %arg9[%get3A_564, %get3A_565] {strides = array<i32>} : memref<96x384xf32, #tpu.memory_space<vmem>>, vector<1x16xf32>,
      %get3A_567 = vector.shape_cast %get3A_566 : vector<1x16xf32> to vector<16xf32>
      %add3A_568 = arith.addf %scan3A_560, %get3A_567 : vector<16xf32>
      %get3A_569 = arith.index_cast %scan3A_559 : i32 to index
      %get3A_570 = arith.constant 16 : index
      %get3A_571 = tpu.vector_load %arg9[%get3A_569, %get3A_570] {strides = array<i32>} : memref<96x384xf32, #tpu.memory_space<vmem>>, vector<1x16xf32>,
      %get3A_572 = vector.shape_cast %get3A_571 : vector<1x16xf32> to vector<16xf32>
      %add3A_573 = arith.addf %scan3A_561, %get3A_572 : vector<16xf32>
      %get3A_574 = arith.index_cast %scan3A_559 : i32 to index
      %get3A_575 = arith.constant 32 : index
      %get3A_576 = tpu.vector_load %arg9[%get3A_574, %get3A_575] {strides = array<i32>} : memref<96x384xf32, #tpu.memory_space<vmem>>, vector<1x16xf32>,
      %get3A_577 = vector.shape_cast %get3A_576 : vector<1x16xf32> to vector<16xf32>
      %add3A_578 = arith.addf %scan3A_562, %get3A_577 : vector<16xf32>
      %get3A_579 = arith.index_cast %scan3A_559 : i32 to index
      %get3A_580 = arith.constant 48 : index
      %get3A_581 = tpu.vector_load %arg9[%get3A_579, %get3A_580] {strides = array<i32>} : memref<96x384xf32, #tpu.memory_space<vmem>>, vector<1x16xf32>,
      %get3A_582 = vector.shape_cast %get3A_581 : vector<1x16xf32> to vector<16xf32>
      %add3A_583 = arith.addf %scan3A_563, %get3A_582 : vector<16xf32>
      %get3A_584 = arith.index_cast %scan3A_559 : i32 to index
      %get3A_585 = arith.constant 64 : index
      %get3A_586 = tpu.vector_load %arg9[%get3A_584, %get3A_585] {strides = array<i32>} : memref<96x384xf32, #tpu.memory_space<vmem>>, vector<1x16xf32>,
      %get3A_587 = vector.shape_cast %get3A_586 : vector<1x16xf32> to vector<16xf32>
      %add3A_588 = arith.addf %add3A_568, %get3A_587 : vector<16xf32>
      %get3A_589 = arith.index_cast %scan3A_559 : i32 to index
      %get3A_590 = arith.constant 80 : index
      %get3A_591 = tpu.vector_load %arg9[%get3A_589, %get3A_590] {strides = array<i32>} : memref<96x384xf32, #tpu.memory_space<vmem>>, vector<1x16xf32>,
      %get3A_592 = vector.shape_cast %get3A_591 : vector<1x16xf32> to vector<16xf32>
      %add3A_593 = arith.addf %add3A_573, %get3A_592 : vector<16xf32>
      %get3A_594 = arith.index_cast %scan3A_559 : i32 to index
      %get3A_595 = arith.constant 96 : index
      %get3A_596 = tpu.vector_load %arg9[%get3A_594, %get3A_595] {strides = array<i32>} : memref<96x384xf32, #tpu.memory_space<vmem>>, vector<1x16xf32>,
      %get3A_597 = vector.shape_cast %get3A_596 : vector<1x16xf32> to vector<16xf32>
      %add3A_598 = arith.addf %add3A_578, %get3A_597 : vector<16xf32>
      %get3A_599 = arith.index_cast %scan3A_559 : i32 to index
      %get3A_600 = arith.constant 112 : index
      %get3A_601 = tpu.vector_load %arg9[%get3A_599, %get3A_600] {strides = array<i32>} : memref<96x384xf32, #tpu.memory_space<vmem>>, vector<1x16xf32>,
      %get3A_602 = vector.shape_cast %get3A_601 : vector<1x16xf32> to vector<16xf32>
      %add3A_603 = arith.addf %add3A_583, %get3A_602 : vector<16xf32>
      %get3A_604 = arith.index_cast %scan3A_559 : i32 to index
      %get3A_605 = arith.constant 128 : index
      %get3A_606 = tpu.vector_load %arg9[%get3A_604, %get3A_605] {strides = array<i32>} : memref<96x384xf32, #tpu.memory_space<vmem>>, vector<1x16xf32>,
      %get3A_607 = vector.shape_cast %get3A_606 : vector<1x16xf32> to vector<16xf32>
      %add3A_608 = arith.addf %add3A_588, %get3A_607 : vector<16xf32>
      %get3A_609 = arith.index_cast %scan3A_559 : i32 to index
      %get3A_610 = arith.constant 144 : index
      %get3A_611 = tpu.vector_load %arg9[%get3A_609, %get3A_610] {strides = array<i32>} : memref<96x384xf32, #tpu.memory_space<vmem>>, vector<1x16xf32>,
      %get3A_612 = vector.shape_cast %get3A_611 : vector<1x16xf32> to vector<16xf32>
      %add3A_613 = arith.addf %add3A_593, %get3A_612 : vector<16xf32>
      %get3A_614 = arith.index_cast %scan3A_559 : i32 to index
      %get3A_615 = arith.constant 160 : index
      %get3A_616 = tpu.vector_load %arg9[%get3A_614, %get3A_615] {strides = array<i32>} : memref<96x384xf32, #tpu.memory_space<vmem>>, vector<1x16xf32>,
      %get3A_617 = vector.shape_cast %get3A_616 : vector<1x16xf32> to vector<16xf32>
      %add3A_618 = arith.addf %add3A_598, %get3A_617 : vector<16xf32>
      %get3A_619 = arith.index_cast %scan3A_559 : i32 to index
      %get3A_620 = arith.constant 176 : index
      %get3A_621 = tpu.vector_load %arg9[%get3A_619, %get3A_620] {strides = array<i32>} : memref<96x384xf32, #tpu.memory_space<vmem>>, vector<1x16xf32>,
      %get3A_622 = vector.shape_cast %get3A_621 : vector<1x16xf32> to vector<16xf32>
      %add3A_623 = arith.addf %add3A_603, %get3A_622 : vector<16xf32>
      %get3A_624 = arith.index_cast %scan3A_559 : i32 to index
      %get3A_625 = arith.constant 192 : index
      %get3A_626 = tpu.vector_load %arg9[%get3A_624, %get3A_625] {strides = array<i32>} : memref<96x384xf32, #tpu.memory_space<vmem>>, vector<1x16xf32>,
      %get3A_627 = vector.shape_cast %get3A_626 : vector<1x16xf32> to vector<16xf32>
      %add3A_628 = arith.addf %add3A_608, %get3A_627 : vector<16xf32>
      %get3A_629 = arith.index_cast %scan3A_559 : i32 to index
      %get3A_630 = arith.constant 208 : index
      %get3A_631 = tpu.vector_load %arg9[%get3A_629, %get3A_630] {strides = array<i32>} : memref<96x384xf32, #tpu.memory_space<vmem>>, vector<1x16xf32>,
      %get3A_632 = vector.shape_cast %get3A_631 : vector<1x16xf32> to vector<16xf32>
      %add3A_633 = arith.addf %add3A_613, %get3A_632 : vector<16xf32>
      %get3A_634 = arith.index_cast %scan3A_559 : i32 to index
      %get3A_635 = arith.constant 224 : index
      %get3A_636 = tpu.vector_load %arg9[%get3A_634, %get3A_635] {strides = array<i32>} : memref<96x384xf32, #tpu.memory_space<vmem>>, vector<1x16xf32>,
      %get3A_637 = vector.shape_cast %get3A_636 : vector<1x16xf32> to vector<16xf32>
      %add3A_638 = arith.addf %add3A_618, %get3A_637 : vector<16xf32>
      %get3A_639 = arith.index_cast %scan3A_559 : i32 to index
      %get3A_640 = arith.constant 240 : index
      %get3A_641 = tpu.vector_load %arg9[%get3A_639, %get3A_640] {strides = array<i32>} : memref<96x384xf32, #tpu.memory_space<vmem>>, vector<1x16xf32>,
      %get3A_642 = vector.shape_cast %get3A_641 : vector<1x16xf32> to vector<16xf32>
      %add3A_643 = arith.addf %add3A_623, %get3A_642 : vector<16xf32>
      %get3A_644 = arith.index_cast %scan3A_559 : i32 to index
      %get3A_645 = arith.constant 256 : index
      %get3A_646 = tpu.vector_load %arg9[%get3A_644, %get3A_645] {strides = array<i32>} : memref<96x384xf32, #tpu.memory_space<vmem>>, vector<1x16xf32>,
      %get3A_647 = vector.shape_cast %get3A_646 : vector<1x16xf32> to vector<16xf32>
      %add3A_648 = arith.addf %add3A_628, %get3A_647 : vector<16xf32>
      %get3A_649 = arith.index_cast %scan3A_559 : i32 to index
      %get3A_650 = arith.constant 272 : index
      %get3A_651 = tpu.vector_load %arg9[%get3A_649, %get3A_650] {strides = array<i32>} : memref<96x384xf32, #tpu.memory_space<vmem>>, vector<1x16xf32>,
      %get3A_652 = vector.shape_cast %get3A_651 : vector<1x16xf32> to vector<16xf32>
      %add3A_653 = arith.addf %add3A_633, %get3A_652 : vector<16xf32>
      %get3A_654 = arith.index_cast %scan3A_559 : i32 to index
      %get3A_655 = arith.constant 288 : index
      %get3A_656 = tpu.vector_load %arg9[%get3A_654, %get3A_655] {strides = array<i32>} : memref<96x384xf32, #tpu.memory_space<vmem>>, vector<1x16xf32>,
      %get3A_657 = vector.shape_cast %get3A_656 : vector<1x16xf32> to vector<16xf32>
      %add3A_658 = arith.addf %add3A_638, %get3A_657 : vector<16xf32>
      %get3A_659 = arith.index_cast %scan3A_559 : i32 to index
      %get3A_660 = arith.constant 304 : index
      %get3A_661 = tpu.vector_load %arg9[%get3A_659, %get3A_660] {strides = array<i32>} : memref<96x384xf32, #tpu.memory_space<vmem>>, vector<1x16xf32>,
      %get3A_662 = vector.shape_cast %get3A_661 : vector<1x16xf32> to vector<16xf32>
      %add3A_663 = arith.addf %add3A_643, %get3A_662 : vector<16xf32>
      %get3A_664 = arith.index_cast %scan3A_559 : i32 to index
      %get3A_665 = arith.constant 320 : index
      %get3A_666 = tpu.vector_load %arg9[%get3A_664, %get3A_665] {strides = array<i32>} : memref<96x384xf32, #tpu.memory_space<vmem>>, vector<1x16xf32>,
      %get3A_667 = vector.shape_cast %get3A_666 : vector<1x16xf32> to vector<16xf32>
      %add3A_668 = arith.addf %add3A_648, %get3A_667 : vector<16xf32>
      %get3A_669 = arith.index_cast %scan3A_559 : i32 to index
      %get3A_670 = arith.constant 336 : index
      %get3A_671 = tpu.vector_load %arg9[%get3A_669, %get3A_670] {strides = array<i32>} : memref<96x384xf32, #tpu.memory_space<vmem>>, vector<1x16xf32>,
      %get3A_672 = vector.shape_cast %get3A_671 : vector<1x16xf32> to vector<16xf32>
      %add3A_673 = arith.addf %add3A_653, %get3A_672 : vector<16xf32>
      %get3A_674 = arith.index_cast %scan3A_559 : i32 to index
      %get3A_675 = arith.constant 352 : index
      %get3A_676 = tpu.vector_load %arg9[%get3A_674, %get3A_675] {strides = array<i32>} : memref<96x384xf32, #tpu.memory_space<vmem>>, vector<1x16xf32>,
      %get3A_677 = vector.shape_cast %get3A_676 : vector<1x16xf32> to vector<16xf32>
      %add3A_678 = arith.addf %add3A_658, %get3A_677 : vector<16xf32>
      %get3A_679 = arith.index_cast %scan3A_559 : i32 to index
      %get3A_680 = arith.constant 368 : index
      %get3A_681 = tpu.vector_load %arg9[%get3A_679, %get3A_680] {strides = array<i32>} : memref<96x384xf32, #tpu.memory_space<vmem>>, vector<1x16xf32>,
      %get3A_682 = vector.shape_cast %get3A_681 : vector<1x16xf32> to vector<16xf32>
      %add3A_683 = arith.addf %add3A_663, %get3A_682 : vector<16xf32>
      scf.yield %add3A_668, %add3A_673, %add3A_678, %add3A_683 : vector<16xf32>, vector<16xf32>, vector<16xf32>, vector<16xf32>
    }
    %scan3A_520 = arith.constant 96 : i32
    %jit3A_521 = arith.constant 23 : i32
    %jit3A_522 = arith.constant 2 : i32
    %div3A_523 = arith.divsi %jit3A_521, %jit3A_522 : i32
    %sign3A_524 = arith.constant 0 : i32
    %sign3A_525 = arith.cmpi sgt, %jit3A_521, %sign3A_524 : i32
    %sign3A_526 = arith.extui %sign3A_525 : i1 to i32
    %sign3A_527 = arith.constant 0 : i32
    %sign3A_528 = arith.cmpi slt, %jit3A_521, %sign3A_527 : i32
    %sign3A_529 = arith.extui %sign3A_528 : i1 to i32
    %sign3A_530 = arith.subi %sign3A_526, %sign3A_529 : i32
    %sign3A_531 = arith.constant 0 : i32
    %sign3A_532 = arith.cmpi sgt, %jit3A_522, %sign3A_531 : i32
    %sign3A_533 = arith.extui %sign3A_532 : i1 to i32
    %sign3A_534 = arith.constant 0 : i32
    %sign3A_535 = arith.cmpi slt, %jit3A_522, %sign3A_534 : i32
    %sign3A_536 = arith.extui %sign3A_535 : i1 to i32
    %sign3A_537 = arith.subi %sign3A_533, %sign3A_536 : i32
    %ne3A_538 = arith.cmpi ne, %sign3A_530, %sign3A_537 : i32
    %rem3A_539 = arith.remsi %jit3A_521, %jit3A_522 : i32
    %ne3A_540 = arith.constant 0 : i32
    %ne3A_541 = arith.cmpi ne, %rem3A_539, %ne3A_540 : i32
    %and3A_542 = arith.andi %ne3A_538, %ne3A_541 : i1
    %sub3A_543 = arith.constant 1 : i32
    %sub3A_544 = arith.subi %div3A_523, %sub3A_543 : i32
    %select_n3A_545 = arith.select %and3A_542, %sub3A_544, %div3A_523 : i32
    %get3A_546 = arith.index_cast %select_n3A_545 : i32 to index
    %get3A_547 = arith.constant 0 : index
    %get3A_548 = tpu.vector_load %arg10[%get3A_546, %get3A_547] {strides = array<i32>} : memref<12x16xf32, #tpu.memory_space<vmem>>, vector<1x16xf32>,
    %get3A_549 = vector.shape_cast %get3A_548 : vector<1x16xf32> to vector<16xf32>
    %add3A_550 = arith.addf %scan3A_519#0, %scan3A_519#1 : vector<16xf32>
    %add3A_551 = arith.addf %scan3A_519#2, %scan3A_519#3 : vector<16xf32>
    %add3A_552 = arith.addf %add3A_550, %add3A_551 : vector<16xf32>
    %add3A_553 = arith.addf %get3A_549, %add3A_552 : vector<16xf32>
    %swap3A_554 = arith.index_cast %select_n3A_545 : i32 to index
    %swap3A_555 = arith.constant 0 : index
    %swap3A_556 = tpu.vector_load %arg10[%swap3A_554, %swap3A_555] {strides = array<i32>} : memref<12x16xf32, #tpu.memory_space<vmem>>, vector<1x16xf32>,
    %swap3A_557 = vector.shape_cast %swap3A_556 : vector<1x16xf32> to vector<16xf32>
    %swap3A_558 = vector.shape_cast %add3A_553 : vector<16xf32> to vector<1x16xf32>
    tpu.vector_store %arg10[%swap3A_554, %swap3A_555], %swap3A_558 {strides = array<i32>} : memref<12x16xf32, #tpu.memory_space<vmem>>, vector<1x16xf32>,
    "tpu.region"() ({
      %run_scoped3A = tpu.sem_alloc : memref<!tpu.dma_semaphore, #tpu.memory_space<semaphore_mem>>
      %dma_start3A_559 = arith.constant 0 : i32
      %dma_start3A_560 = arith.constant 0 : i32
      %dma_start3A_561 = tpu.memref_slice %arg3[%add3A, %dma_start3A_559, %dma_start3A_560] : memref<32x12x16xf32, #tpu.memory_space<hbm>> -> memref<1x12x16xf32, #tpu.memory_space<hbm>>
      %dma_start3A_562 = tpu.memref_squeeze %dma_start3A_561 : memref<1x12x16xf32, #tpu.memory_space<hbm>> -> memref<12x16xf32, #tpu.memory_space<hbm>>
      %dma_start3A_563 = arith.constant 0 : i32
      %dma_start3A_564 = arith.constant 0 : i32
      %dma_start3A_565 = tpu.memref_slice %arg3[%add3A, %dma_start3A_563, %dma_start3A_564] : memref<32x12x16xf32, #tpu.memory_space<hbm>> -> memref<1x12x16xf32, #tpu.memory_space<hbm>>
      %dma_start3A_566 = tpu.memref_squeeze %dma_start3A_565 : memref<1x12x16xf32, #tpu.memory_space<hbm>> -> memref<12x16xf32, #tpu.memory_space<hbm>>
      tpu.enqueue_dma source(%arg10 : memref<12x16xf32, #tpu.memory_space<vmem>>) target(%dma_start3A_566 : memref<12x16xf32, #tpu.memory_space<hbm>>) target_semaphore(%run_scoped3A : memref<!tpu.dma_semaphore, #tpu.memory_space<semaphore_mem>>)
      %dma_wait3A_567 = arith.constant 0 : i32
      %dma_wait3A_568 = arith.constant 0 : i32
      %dma_wait3A_569 = tpu.memref_slice %arg3[%add3A, %dma_wait3A_567, %dma_wait3A_568] : memref<32x12x16xf32, #tpu.memory_space<hbm>> -> memref<1x12x16xf32, #tpu.memory_space<hbm>>
      %dma_wait3A_570 = tpu.memref_squeeze %dma_wait3A_569 : memref<1x12x16xf32, #tpu.memory_space<hbm>> -> memref<12x16xf32, #tpu.memory_space<hbm>>
      %dma_wait3A_571 = arith.constant 0 : i32
      %dma_wait3A_572 = arith.constant 0 : i32
      %dma_wait3A_573 = tpu.memref_slice %arg3[%add3A, %dma_wait3A_571, %dma_wait3A_572] : memref<32x12x16xf32, #tpu.memory_space<hbm>> -> memref<1x12x16xf32, #tpu.memory_space<hbm>>
      %dma_wait3A_574 = tpu.memref_squeeze %dma_wait3A_573 : memref<1x12x16xf32, #tpu.memory_space<hbm>> -> memref<12x16xf32, #tpu.memory_space<hbm>>
      tpu.wait_dma2 semaphore(%run_scoped3A : memref<!tpu.dma_semaphore, #tpu.memory_space<semaphore_mem>>) src(%arg10 : memref<12x16xf32, #tpu.memory_space<vmem>>) dst(%dma_wait3A_574 : memref<12x16xf32, #tpu.memory_space<hbm>>)
      tpu.yield
    }) : () -> ()
    return
  }
}

module attributes {stable_mosaic.version = 14 : i64} {
  func.func @_mlp_body(%arg0: memref<4x96x16xf32, #tpu.memory_space<vmem>>, %arg1: memref<24x96xf32, #tpu.memory_space<vmem>>, %arg2: memref<96x24xf32, #tpu.memory_space<vmem>>, %arg3: memref<4x96xf32, #tpu.memory_space<vmem>>) attributes {dimension_semantics = [], scalar_prefetch = 0 : i64, scratch_operands = 0 : i64, tpu.core_type = #tpu.core_type<tc>} {
    %get3A = arith.constant 0 : index
    %get3A_0 = arith.constant 0 : index
    %get3A_1 = arith.constant 0 : index
    %get3A_2 = vector.load %arg0[%get3A, %get3A_0, %get3A_1] : memref<4x96x16xf32, #tpu.memory_space<vmem>>, vector<4x96x16xf32>
    %iota3A = tpu.iota {dimensions = array<i32: 2>} : vector<4x96x16xi32>
    %jit3A = arith.constant 2 : i32
    %eq3A = arith.constant 0 : i32
    %eq3A_3 = arith.cmpi eq, %jit3A, %eq3A : i32
    %jit3A_4 = arith.constant 1 : i32
    %select_n3A = arith.select %eq3A_3, %jit3A_4, %jit3A : i32
    %rem3A = vector.broadcast %select_n3A : i32 to vector<4x96x16xi32>
    %rem3A_5 = arith.remsi %iota3A, %rem3A : vector<4x96x16xi32>
    %ne3A = arith.constant 0 : i32
    %ne3A_6 = vector.broadcast %ne3A : i32 to vector<4x96x16xi32>
    %ne3A_7 = arith.cmpi ne, %rem3A_5, %ne3A_6 : vector<4x96x16xi32>
    %lt3A = arith.constant 0 : i32
    %lt3A_8 = vector.broadcast %lt3A : i32 to vector<4x96x16xi32>
    %lt3A_9 = arith.cmpi slt, %rem3A_5, %lt3A_8 : vector<4x96x16xi32>
    %lt3A_10 = arith.constant 0 : i32
    %lt3A_11 = arith.cmpi slt, %select_n3A, %lt3A_10 : i32
    %ne3A_12 = vector.broadcast %lt3A_11 : i1 to vector<4x96x16xi1>
    %ne3A_13 = vector.broadcast %ne3A_12 : vector<4x96x16xi1> to vector<4x96x16xi1>
    %ne3A_14 = arith.xori %lt3A_9, %ne3A_13 : vector<4x96x16xi1>
    %and3A = arith.andi %ne3A_14, %ne3A_7 : vector<4x96x16xi1>
    %add3A = vector.broadcast %select_n3A : i32 to vector<4x96x16xi32>
    %add3A_15 = arith.addi %rem3A_5, %add3A : vector<4x96x16xi32>
    %select_n3A_16 = arith.select %and3A, %add3A_15, %rem3A_5 : vector<4x96x16xi1>, vector<4x96x16xi32>
    %eq3A_17 = arith.constant 0 : i32
    %eq3A_18 = vector.broadcast %eq3A_17 : i32 to vector<4x96x16xi32>
    %eq3A_19 = arith.cmpi eq, %select_n3A_16, %eq3A_18 : vector<4x96x16xi32>
    %jit3A_20 = arith.constant 0.000000e+00 : f32
    %broadcast_in_dim3A = vector.broadcast %jit3A_20 : f32 to vector<4x96x16xf32>
    %select_n3A_21 = arith.select %eq3A_19, %get3A_2, %broadcast_in_dim3A : vector<4x96x16xi1>, vector<4x96x16xf32>
    %reduce_sum3A = arith.constant dense<0.000000e+00> : vector<4x96xf32>
    %reduce_sum3A_22 = vector.multi_reduction <add>, %select_n3A_21, %reduce_sum3A [2] : vector<4x96x16xf32> to vector<4x96xf32>
    %mul3A = arith.constant 6.78168407E-6 : f32
    %mul3A_23 = vector.broadcast %mul3A : f32 to vector<4x96xf32>
    %mul3A_24 = arith.mulf %reduce_sum3A_22, %mul3A_23 : vector<4x96xf32>
    %get3A_25 = arith.constant 0 : index
    %get3A_26 = arith.constant 0 : index
    %get3A_27 = vector.load %arg1[%get3A_25, %get3A_26] : memref<24x96xf32, #tpu.memory_space<vmem>>, vector<24x96xf32>
    %dot_general3A = arith.constant dense<0.000000e+00> : vector<4x24xf32>
    %dot_general3A_28 = tpu.matmul %mul3A_24, %get3A_27, %dot_general3A {dimension_numbers = #tpu.dot_dimension_numbers<[1], [1], [0], [0], [0, 0, 1, 0], [], []>, transpose_lhs_hint = false} : vector<4x96xf32>, vector<24x96xf32>, vector<4x24xf32> -> vector<4x24xf32>
    %max3A = arith.constant 0.000000e+00 : f32
    %max3A_29 = vector.broadcast %max3A : f32 to vector<4x24xf32>
    %max3A_30 = arith.maximumf %dot_general3A_28, %max3A_29 : vector<4x24xf32>
    %get3A_31 = arith.constant 0 : index
    %get3A_32 = arith.constant 0 : index
    %get3A_33 = vector.load %arg2[%get3A_31, %get3A_32] : memref<96x24xf32, #tpu.memory_space<vmem>>, vector<96x24xf32>
    %dot_general3A_34 = arith.constant dense<0.000000e+00> : vector<4x96xf32>
    %dot_general3A_35 = tpu.matmul %max3A_30, %get3A_33, %dot_general3A_34 {dimension_numbers = #tpu.dot_dimension_numbers<[1], [1], [0], [0], [0, 0, 1, 0], [], []>, transpose_lhs_hint = false} : vector<4x24xf32>, vector<96x24xf32>, vector<4x96xf32> -> vector<4x96xf32>
    %swap3A = arith.constant 0 : index
    %swap3A_36 = arith.constant 0 : index
    %swap3A_37 = vector.load %arg3[%swap3A, %swap3A_36] : memref<4x96xf32, #tpu.memory_space<vmem>>, vector<4x96xf32>
    tpu.vector_store %arg3[%swap3A, %swap3A_36], %dot_general3A_35 {strides = array<i32>} : memref<4x96xf32, #tpu.memory_space<vmem>>, vector<4x96xf32>,
    return
  }
}

</mosaic_0001>

<sc_bundles>
// kernel: kernel.4.cloned.1.call-start
scs
__scs_entry_jumppad:
0x0: {  	(pc) =	sbr.rel $0x88, $3  }
0x1: {  	(tag) =	ssettag $0x0;
	lr =	simm.s32 $0x1  }
0x2: {  	[smem:$0x3F9E] =	sst lr;
	_ =	strace $0xD0000000  }
0x3: {  	_ = 	snop  }
0x4: {  	_ = 	snop  }
0x5: {  	_ = 	snop  }
0x6: {  	_ = 	snop  }
0x7: {  	_ = 	snop  }
__scs_overlays_trampoline_lowered:
0x8: {  	[smem:$0x3FAD] =	sst s0  }
0x9: {  	[smem:$0x3FAE] =	sst s1  }
0xa: {  	[smem:$0x3FAF] =	sst s2  }
0xb: {  	[smem:$0x3FB0] =	sst s3  }
0xc: {  	[smem:$0x3FB1] =	sst s4  }
0xd: {  	[smem:$0x3FB2] =	sst s5  }
0xe: {  	[smem:$0x3FB3] =	sst s6  }
0xf: {  	[smem:$0x3FB4] =	sst s7  }
0x10: {  	[smem:$0x3FB5] =	sst s8  }
0x11: {  	[smem:$0x3FB6] =	sst s9;
	s0 =	simm.s32 @!p0 $0x0  }
0x12: {  	s1 =	sld [smem:$0x3F9C];
	s0 =	simm.s32 @p0 $0x1  }
0x13: {  	[smem:$0x3FB7] =	sst s0;
	s0 =	simm.s32 @!p1 $0x0  }
0x14: {  	s2 =	sld [smem:$0x3F9B];
	s0 =	simm.s32 @p1 $0x1  }
0x15: {  	[smem:$0x3FB8] =	sst s0;
	s0 =	simm.s32 @!p2 $0x0  }
0x16: {  	s3 =	sld [smem:$0x3FDB];
	s0 =	simm.s32 @p2 $0x1  }
0x17: {  	s4 =	simm.s32 $0x1BF5;
	[smem:$0x3FBA] =	sst s0  }
0x18: {  	s0 =	sld [smem:$0x3F9D];
	_ =	swait.ge [sflag:s4], $0x0  }
0x19: {  	s7 =	sld [smem:$0x3F9E]  }
0x1a: {  	s8 =	sadd.s32 $0xFFFFE003, lr  }
0x1b: {  	s9 =	sadd.s32 $0xFFFFFEF7, lr;
	s5 =	simm.s32 $0xFFFFFFFF;
	p2 =	slt.u32 s8, $0xFFFFF086  }
0x1c: {  	p1 =	slt.u32 s9, $0xF7A;
	s5 =	simm.s32 @!p2 $0x0  }
0x1d: {  	s5 =	simm.s32 @p1 $0x1;
	p0 =	seq.s32 s7, s2  }
0x1e: {  	s7 =	smul.u32 @!p0 $0xF7A, s2;
	p2 =	seq.s32 @!p0 s5, $0x0  }
0x1f: {  	s9 =	smul.u32 $0xF7A, s1;
	s8 =	simm.s32 @!p0 $0x1BF5;
	p2 =	por !p2, p0  }
0x20: {  	[sflag:s8] =	ssyncset.s32 @!p0 $0xFFFFF086;
	s6 =	sadd.s32 @!p0 s3, s7;
	s7 =	simm.s32 @!p0 $0x108  }
0x21: {  	s3 =	sadd.s32 s3, s9;
	s6 =	sadd.s32 @!p0 $0x88, s6;
	s7 =	simm.s32 @p2 $0x1082  }
0x22: {  	[simem:s7], [sflag:s8] =	dma.local @!p0 [hbm:s6], $0xF7A  }
0x23: {  	s9 =	sor.u32 $0xD0000000, s2;
	s6 =	simm.s32 $0x108;
	_ =	swait.ge @!p0 [sflag:s8], $0x0  }
0x24: {  	s3 =	sadd.s32 $0x88, s3;
	s6 =	simm.s32 @!p1 $0x1082;
	[sflag:s4] =	ssyncset.s32 $0xFFFFF086  }
0x25: {  	[simem:s6], [sflag:s4] =	dma.local [hbm:s3], $0xF7A  }
0x26: {  	[smem:$0x3F9E] =	sst s1;
	(tag) =	ssettag s2;
	_ =	strace s9  }
0x27: {  	s1 =	sld [smem:$0x3FAE]  }
0x28: {  	s2 =	sld [smem:$0x3FAF]  }
0x29: {  	s4 =	sld [smem:$0x3FB1]  }
0x2a: {  	p0 =	seq.s32 s5, $0x0;
	s5 =	sld [smem:$0x3FB2]  }
0x2b: {  	s6 =	sld [smem:$0x3FB3]  }
0x2c: {  	s7 =	sld [smem:$0x3FB4]  }
0x2d: {  	s3 =	simm.s32 $0x108;
	s8 =	sld [smem:$0x3FB5]  }
0x2e: {  	s3 =	simm.s32 @!p0 $0x1082;
	s9 =	sld [smem:$0x3FB6]  }
0x2f: {  	lr =	sadd.s32 s0, s3;
	s0 =	sld [smem:$0x3FAD]  }
0x30: {  	s3 =	sld [smem:$0x3FB0]  }
0x31: {  	[smem:$0x3FB9] =	sst s10  }
0x32: {  	s10 =	sld [smem:$0x3FB7];
	_ =	sdelay $0x3  }
0x33: {  	p0 =	seq.s32 s10, $0x1;
	s10 =	sld [smem:$0x3FB9];
	_ =	sdelay $0x3  }
0x34: {  	[smem:$0x3FB9] =	sst s10  }
0x35: {  	s10 =	sld [smem:$0x3FB8];
	_ =	sdelay $0x3  }
0x36: {  	p1 =	seq.s32 s10, $0x1;
	s10 =	sld [smem:$0x3FB9];
	_ =	sdelay $0x3  }
0x37: {  	[smem:$0x3FB9] =	sst s10  }
0x38: {  	s10 =	sld [smem:$0x3FBA]  }
0x39: {  	_ = 	snop;
	(pc) =	sbr.ind lr, $3  }
0x3a: {  	_ = 	snop  }
0x3b: {  	_ = 	snop  }
0x3c: {  	p2 =	seq.s32 s10, $0x1;
	s10 =	sld [smem:$0x3FB9]  }
0x3d: {  	_ =	shalt  }
0x3e: {  	_ =	shalt  }
0x3f: {  	_ =	shalt  }
0x40: {  	_ =	shalt  }
0x41: {  	_ =	shalt  }
0x42: {  	_ =	shalt  }
0x43: {  	_ =	shalt  }
0x44: {  	_ =	shalt  }
0x45: {  	_ =	shalt  }
0x46: {  	_ =	shalt  }
0x47: {  	_ =	shalt  }
0x48: {  	_ =	shalt  }
0x49: {  	_ =	shalt  }
0x4a: {  	_ =	shalt  }
0x4b: {  	_ =	shalt  }
0x4c: {  	_ =	shalt  }
0x4d: {  	_ =	shalt  }
0x4e: {  	_ =	shalt  }
0x4f: {  	_ =	shalt  }
0x50: {  	_ =	shalt  }
0x51: {  	_ =	shalt  }
0x52: {  	_ =	shalt  }
0x53: {  	_ =	shalt  }
0x54: {  	_ =	shalt  }
0x55: {  	_ =	shalt  }
0x56: {  	_ =	shalt  }
0x57: {  	_ =	shalt  }
0x58: {  	_ =	shalt  }
0x59: {  	_ =	shalt  }
0x5a: {  	_ =	shalt  }
0x5b: {  	_ =	shalt  }
0x5c: {  	_ =	shalt  }
0x5d: {  	_ =	shalt  }
0x5e: {  	_ =	shalt  }
0x5f: {  	_ =	shalt  }
0x60: {  	_ =	shalt  }
0x61: {  	_ =	shalt  }
0x62: {  	_ =	shalt  }
0x63: {  	_ =	shalt  }
0x64: {  	_ =	shalt  }
0x65: {  	_ =	shalt  }
0x66: {  	_ =	shalt  }
0x67: {  	_ =	shalt  }
0x68: {  	_ =	shalt  }
0x69: {  	_ =	shalt  }
0x6a: {  	_ =	shalt  }
0x6b: {  	_ =	shalt  }
0x6c: {  	_ =	shalt  }
0x6d: {  	_ =	shalt  }
0x6e: {  	_ =	shalt  }
0x6f: {  	_ =	shalt  }
0x70: {  	_ =	shalt  }
0x71: {  	_ =	shalt  }
0x72: {  	_ =	shalt  }
0x73: {  	_ =	shalt  }
0x74: {  	_ =	shalt  }
0x75: {  	_ =	shalt  }
0x76: {  	_ =	shalt  }
0x77: {  	_ =	shalt  }
0x78: {  	_ =	shalt  }
0x79: {  	_ =	shalt  }
0x7a: {  	_ =	shalt  }
0x7b: {  	_ =	shalt  }
0x7c: {  	_ =	shalt  }
0x7d: {  	_ =	shalt  }
0x7e: {  	_ =	shalt  }
0x7f: {  	_ =	shalt  }
0x80: {  	_ =	shalt  }
0x81: {  	_ =	shalt  }
0x82: {  	_ =	shalt  }
0x83: {  	_ =	shalt  }
0x84: {  	_ =	shalt  }
0x85: {  	_ =	shalt  }
0x86: {  	_ =	shalt  }
0x87: {  	_ =	shalt  }
.Lfunc_end0:
.L_simem_size_0:
called_computation_lowered:
.L_overlay_start_0:
0x88: {  	s2 =	sld [smem:$0x3FD9]  }
0x89: {  	s3 =	sld [smem:$0x3FFE];
	_ =	sdelay $0x1  }
0x8a: {  	s1 =	srdreg.scid  }
0x8b: {  	s0 =	sand.u32 $0x1, s1  }
0x8c: {  	s17 =	sshll.u32 s0, $0xA;
	s2 =	sadd.s32 s3, s2  }
0x8d: {  	s2 =	sadd.s32 s2, s17  }
0x8e: {  	[smem:$0x3FC5] =	sst s2  }
0x8f: {  	_ = 	snop  }
0x90: {  	s2 =	sld [smem:$0x3FC9];
	(tm) =	ssettm $0x1  }
0x91: {  	s18 =	sld [smem:$0x3FFB];
	_ =	sdelay $0x3  }
0x92: {  	_ =	strace s18  }
0x93: {  	s3 =	sld [smem:$0x3FFC];
	_ =	sdelay $0x3  }
0x94: {  	_ =	strace s3  }
0x95: {  	s3 =	sld [smem:$0x3FFD];
	_ =	sdelay $0x3  }
0x96: {  	_ =	strace s3  }
0x97: {  	_ =	strace $0x8FFFFFFF  }
0x98: {  	s19 =	sld [smem:$0x3FDB];
	_ =	sdelay $0x1  }
0x99: {  	s4 =	simm.s32 $_scs_section_size  }
0x9a: {  	s5 =	simm.s32 $_size__tile_overlayer_lowered;
	s6 =	simm.s32 $_tile_overlayer_lowered  }
0x9b: {  	s22 =	simm.s32 $0x1BFF;
	s21 =	sshll.u32 s6, $0x1;
	s3 =	sadd.s32 s4, s19  }
0x9c: {  	s7 =	simm.s32 $0x0;
	s20 =	sshll.u32 s5, $0x1;
	s5 =	sadd.s32 s21, s3  }
0x9d: {  	[timem:s7], [sflag:s22] =	dma.local [hbm:s5], s20  }
0x9e: {  	_ =	swait.ge [sflag:s22], s20  }
0x9f: {  	s4 =	ssub.s32 $0x0, s20;
	[sflag:s22] =	ssyncset.done $0x0  }
0xa0: {  	[sflag:s22] =	ssyncadd.s32 s4;
	_ =	sdelay $0x1  }
0xa1: {  	s23 =	simm.s32 $0x1B8B  }
0xa2: {  	_ =	swait.ge [sflag:s23], $0x1  }
0xa3: {  	[sflag:s23] =	ssyncset.done $0x0  }
0xa4: {  	s25 =	simm.s32 $0x1B8E;
	s24 =	sld [smem:$0x3FFE];
	[sflag:s23] =	ssyncadd.s32 $0xFFFFFFFF  }
0xa5: {  	s26 =	simm.s32 $execute0_lowered;
	[smem:$0x3FD2] =	sst s25  }
0xa6: {  	s5 =	sshll.u32 s26, $0x1;
	_ =	strace $0x80000046;
	[dreg:$0x1] =	wrdreg $0xFFFFFFFF  }
0xa7: {  	s28 =	simm.s32 $_size_execute0_lowered;
	s3 =	sadd.s32 s3, s5;
	[dreg:$0x0] =	wrdreg $0x0  }
0xa8: {  	s5 =	sshll.u32 s28, $0x1;
	[dreg:$0x2] =	wrdreg s3  }
0xa9: {  	[dreg:$0x3] =	wrdreg s5  }
0xaa: {  	[dreg:$0x4] =	wrdreg $0xC0  }
0xab: {  	_ =	task [dreg:s7], $0x5FFFF  }
0xac: {  	[dreg:$0x1] =	wrdreg $0xFFFFFFFF  }
0xad: {  	[dreg:$0x0] =	wrdreg $0x60  }
0xae: {  	[dreg:$0x2] =	wrdreg s2  }
0xaf: {  	[dreg:$0x3] =	wrdreg s24  }
0xb0: {  	[dreg:$0x4] =	wrdreg $0x9  }
0xb1: {  	_ =	task.clear_ibuf [dreg:s7], $0x5FFFF;
	_ =	strace $0x90000046  }
0xb2: {  	s29 =	simm.s32 $0x9;
	_ =	strace $0x80000048  }
0xb3: {  	_ =	swait.ge [sflag:s29], $0x1  }
0xb4: {  	[sflag:s29] =	ssyncadd.s32 $0xFFFFFFFF  }
0xb5: {  	_ =	strace $0x90000048  }
0xb6: {  	_ =	sfence  }
0xb7: {  	s30 =	sld [smem:$0x0];
	_ =	sdelay $0x2  }
0xb8: {  	s31 =	sshll.u32 s1, $0xD;
	s1 =	sshrl.u32 s1, $0x2  }
0xb9: {  	s3 =	sand.u32 $0x4000, s31;
	s1 =	sadd.s32 s1, s30  }
0xba: {  	s0 =	sor.u32 s3, s0;
	s1 =	sshll.u32 s1, $0x11  }
0xbb: {  	s0 =	sor.u32 s1, s0  }
0xbc: {  	s0 =	sadd.s32 $0x8F2B, s0  }
0xbd: {  	[sflag:s0] =	ssyncadd.remote.s32 $0x1  }
0xbe: {  	_ =	sfence.sel $0xFFFF  }
0xbf: {  	[dreg:$0x0] =	wrdreg $0xFFFFFFFF;
	(pc) =	sbr.abs _section_cstart, $3  }
0xc0: {  	[dreg:$0x1] =	wrdreg $0xFFFFFFFF  }
0xc1: {  	_ =	task.clear_ibuf [dreg:s7], $0x2FFFF;
	_ =	strace $0x9FFFFFFF  }
0xc2: {  	(tm) =	ssettm $0x7FFFFFFF  }
0xc3: {  	_ =	shalt  }
tec
execute0_lowered:
.L_overlay_start_1:
0x0: {  	(tag) =	ssettag $0x1  }
0x1: {  	s1 =	srdreg.scid;
	s4 =	stileid.u32  }
0x2: {  	s2 =	rddreg [dreg:$0x0];
	s1 =	sand.u32 $0x1, s1;
	s4 =	sshll.u32 s4, $0x1  }
0x3: {  	s0 =	rddreg [dreg:$0x1];
	s3 =	simm.s32 $0x0;
	v20 =	vlaneseq.u32;
	s4 =	sor.u32 s1, s4  }
0x4: {  	s24 =	simm.s32 $0x1A580;
	s28 =	simm.s32 $0x2;
	v0 =	vmul.u32 $0x2, v20;
	s12 =	smul.u32 $0x1200, s4  }
0x5: {  	vm0 =	vmmov $0xffff;
	vm1 =	vmmov $0xff;
	s29 =	simm.s32 $0x3;
	[smem:$0x7FF] =	sst s3;
	v19 =	vshrl.u32 v20, $0x3;
	s1 =	ssub.s32 $0x2, s1  }
0x6: {  	v13 =	vand.u32 $0x3, v20;
	v19 =	vmul.u32 $0x8, v19;
	s15 =	sor.u32 $0x20, s12;
	s16 =	sor.u32 $0x40, s12;
	s17 =	sor.u32 $0x60, s12;
	v1 =	vor.u32 s12, v0  }
0x7: {  	s18 =	sor.u32 $0x80, s12;
	s19 =	sor.u32 $0xA0, s12;
	s20 =	sor.u32 $0xC0, s12;
	v2 =	vor.u32 s15, v0;
	v3 =	vor.u32 s16, v0;
	v4 =	vor.u32 s17, v0  }
0x8: {  	s21 =	sor.u32 $0xE0, s12;
	s22 =	sor.u32 $0x100, s12;
	s23 =	sor.u32 $0x120, s12;
	v5 =	vor.u32 s18, v0;
	v6 =	vor.u32 s19, v0;
	v7 =	vor.u32 s20, v0  }
0x9: {  	_ =	strace $0x80000047;
	s11 =	sor.u32 $0x140, s12;
	s9 =	sor.u32 $0x180, s12;
	v8 =	vor.u32 s21, v0;
	v9 =	vor.u32 s22, v0;
	v10 =	vor.u32 s23, v0  }
0xa: {  	s10 =	sor.u32 $0x1A0, s12;
	s7 =	sor.u32 $0x1C0, s12;
	s25 =	sor.u32 $0x1E0, s12;
	v12 =	vshrl.u32 v1, $0x3;
	v11 =	vor.u32 s11, v0;
	v14 =	vor.u32 s9, v0  }
0xb: {  	s5 =	sshll.u32 s4, $0x8;
	s6 =	sshrl.u32 s1, $0x1;
	s4 =	smul.u32 $0xC, s4;
	v15 =	vor.u32 s10, v0;
	v16 =	vor.u32 s7, v0;
	v18 =	vor.u32 s25, v0  }
0xc: {  	s13 =	sadd.s32 s5, s0;
	s14 =	ssub.s32 s1, s6;
	s8 =	sor.u32 $0x160, s12;
	v17 =	vmul.u32 $0x18, v12;
	v12 =	vmul.u32 $0x2, v13;
	v22 =	vshrl.u32 v7, $0x3  }
0xd: {  	s5 =	sadd.s32 $0x100, s2;
	s6 =	simm.s32 $0x0;
	s30 =	sadd.s32 $0x220, s12;
	v13 =	vor.u32 s8, v0;
	v26 =	vshrl.u32 v14, $0x3;
	v25 =	vmul.u32 $0x18, v22  }
0xe: {  	s26 =	sadd.s32 $0x200, s12;
	s13 =	sadd.s32 $0x800, s13;
	s31 =	smax.u32 s14, $0x1;
	v22 =	vor.u32 s30, v0;
	v21 =	vor.u32 v12, v17;
	v17 =	vand.u32 $0x7, v20  }
0xf: {  	s12 =	simm.s32 $0x15D80;
	s14 =	simm.s32 $0x16980;
	[dreg:$0x3] =	wrdreg s13;
	v26 =	vmul.u32 $0x18, v26;
	v20 =	vor.u32 $0x8, v20;
	v23 =	vperm.xlane v21, v17  }
0x10: {  	[dreg:$0x4] =	wrdreg s31;
	s10 =	simm.s32 $0x15180;
	s11 =	simm.s32 $0x15980;
	v24 =	vperm.xlane v21, v20;
	v21 =	vor.u32 s26, v0;
	v25 =	vor.u32 v12, v25  }
0x11: {  	s13 =	simm.s32 $0x16580;
	s15 =	simm.s32 $0x17180;
	s16 =	simm.s32 $0x17580;
	v26 =	vor.u32 v12, v26;
	v27 =	vperm.xlane v25, v17;
	v28 =	vperm.xlane v25, v20  }
0x12: {  	s17 =	simm.s32 $0x17D80;
	s18 =	simm.s32 $0x18180;
	s19 =	simm.s32 $0x18980;
	v25 =	vimm.f32 $0.0e+00;
	v29 =	vperm.xlane v26, v17;
	v30 =	vperm.xlane v26, v20  }
0x13: {  	s20 =	simm.s32 $0x18D80;
	s21 =	simm.s32 $0x19580;
	s22 =	simm.s32 $0x19980;
	v23 =	vadd.s32 v19, v23;
	v24 =	vadd.s32 v19, v24;
	v26 =	vadd.s32 v19, v27  }
0x14: {  	s23 =	simm.s32 $0x1A180;
	s25 =	simm.s32 $0x1AD80;
	s26 =	simm.s32 $0x1;
	v27 =	vadd.s32 v19, v28;
	v28 =	vadd.s32 v19, v29;
	v29 =	vadd.s32 v19, v30  }
.LBB2_1:
0x15: {  	[tilespmem:$0x1B180] =	vst v25  }
0x16: {  	[tilespmem:$0x1B200] =	vst v25  }
0x17: {  	[tilespmem:$0x1B280] =	vst v25  }
0x18: {  	[tilespmem:$0x1B300] =	vst v25  }
0x19: {  	[tilespmem:$0x1B380] =	vst v25  }
0x1a: {  	[tilespmem:$0x1B400] =	vst v25  }
0x1b: {  	[tilespmem:$0x1B480] =	vst v25  }
0x1c: {  	[tilespmem:$0x1B500] =	vst v25  }
0x1d: {  	[tilespmem:$0x1B580] =	vst v25  }
0x1e: {  	[tilespmem:$0x1B600] =	vst v25  }
0x1f: {  	[tilespmem:$0x1B680] =	vst v25  }
0x20: {  	[tilespmem:$0x1B700] =	vst v25  }
0x21: {  	[tilespmem:$0x0] =	vst v1  }
0x22: {  	[tilespmem:$0x10] =	vst v2  }
0x23: {  	[tilespmem:$0x20] =	vst v3  }
0x24: {  	[tilespmem:$0x30] =	vst v4  }
0x25: {  	[tilespmem:$0x40] =	vst v5  }
0x26: {  	[tilespmem:$0x50] =	vst v6;
	s0 =	simm.s32 $0x180  }
0x27: {  	[tilespmem:s0], [sflag:$0x1] =	stream.indirect_vreg.gather [hbm4b:s2+s3], $0x80, v23, vm0, $0xb8;
	[tilespmem:$0x1B980] =	vst v63  }
0x28: {  	s31 =	simm.s32 $0x980  }
0x29: {  	[tilespmem:s31], [sflag:$0x1] =	stream.indirect_vreg.gather [hbm4b:s5+s3], $0x80, v23, vm1, $0xb8;
	[tilespmem:$0x1B980] =	vst v63  }
0x2a: {  	s1 =	simm.s32 $0xD80  }
0x2b: {  	[tilespmem:s1], [sflag:$0x1] =	stream.indirect_vreg.gather [hbm4b:s2+s3], $0x80, v24, vm0, $0xb8;
	[tilespmem:$0x1B980] =	vst v63  }
0x2c: {  	[dreg:$0x5] =	wrdreg s6;
	s6 =	simm.s32 $0x1580  }
0x2d: {  	[tilespmem:s6], [sflag:$0x1] =	stream.indirect_vreg.gather [hbm4b:s5+s3], $0x80, v24, vm1, $0xb8;
	[tilespmem:$0x1B980] =	vst v63  }
0x2e: {  	v30 =	vld [tilespmem:$0x10];
	_ =	sdelay $0x4  }
0x2f: {  	v31 =	vshrl.u32 v30, $0x3  }
0x30: {  	v31 =	vmul.u32 $0x18, v31  }
0x31: {  	v30 =	vand.u32 $0x7, v30  }
0x32: {  	v30 =	vor.u32 v30, v31  }
0x33: {  	v31 =	vperm.xlane v30, v17;
	_ =	sdelay $0x1  }
0x34: {  	v31 =	vadd.s32 v19, v31;
	_ =	sdelay $0x1  }
0x35: {  	v30 =	vperm.xlane v30, v20;
	_ =	sdelay $0x1  }
0x36: {  	s7 =	simm.s32 $0x1980;
	v30 =	vadd.s32 v19, v30  }
0x37: {  	[tilespmem:s7], [sflag:$0x1] =	stream.indirect_vreg.gather [hbm4b:s2+s3], $0x80, v31, vm0, $0xb8;
	[tilespmem:$0x1B980] =	vst v63  }
0x38: {  	s8 =	simm.s32 $0x2180  }
0x39: {  	[tilespmem:s8], [sflag:$0x1] =	stream.indirect_vreg.gather [hbm4b:s5+s3], $0x80, v31, vm1, $0xb8;
	[tilespmem:$0x1B980] =	vst v63  }
0x3a: {  	s9 =	simm.s32 $0x2580  }
0x3b: {  	[tilespmem:s9], [sflag:$0x1] =	stream.indirect_vreg.gather [hbm4b:s2+s3], $0x80, v30, vm0, $0xb8;
	[tilespmem:$0x1B980] =	vst v63  }
0x3c: {  	s31 =	simm.s32 $0x2D80  }
0x3d: {  	[tilespmem:s31], [sflag:$0x1] =	stream.indirect_vreg.gather [hbm4b:s5+s3], $0x80, v30, vm1, $0xb8;
	[tilespmem:$0x1B980] =	vst v63  }
0x3e: {  	v30 =	vld [tilespmem:$0x20];
	_ =	sdelay $0x4  }
0x3f: {  	v31 =	vshrl.u32 v30, $0x3  }
0x40: {  	v31 =	vmul.u32 $0x18, v31  }
0x41: {  	v30 =	vand.u32 $0x7, v30  }
0x42: {  	v30 =	vor.u32 v30, v31  }
0x43: {  	v31 =	vperm.xlane v30, v17;
	_ =	sdelay $0x1  }
0x44: {  	v31 =	vadd.s32 v19, v31;
	_ =	sdelay $0x1  }
0x45: {  	v30 =	vperm.xlane v30, v20;
	_ =	sdelay $0x1  }
0x46: {  	s1 =	simm.s32 $0x3180;
	v30 =	vadd.s32 v19, v30  }
0x47: {  	[tilespmem:s1], [sflag:$0x1] =	stream.indirect_vreg.gather [hbm4b:s2+s3], $0x80, v31, vm0, $0xb8;
	[tilespmem:$0x1B980] =	vst v63  }
0x48: {  	s6 =	simm.s32 $0x3980  }
0x49: {  	[tilespmem:s6], [sflag:$0x1] =	stream.indirect_vreg.gather [hbm4b:s5+s3], $0x80, v31, vm1, $0xb8;
	[tilespmem:$0x1B980] =	vst v63  }
0x4a: {  	s7 =	simm.s32 $0x3D80  }
0x4b: {  	[tilespmem:s7], [sflag:$0x1] =	stream.indirect_vreg.gather [hbm4b:s2+s3], $0x80, v30, vm0, $0xb8;
	[tilespmem:$0x1B980] =	vst v63  }
0x4c: {  	s8 =	simm.s32 $0x4580  }
0x4d: {  	[tilespmem:s8], [sflag:$0x1] =	stream.indirect_vreg.gather [hbm4b:s5+s3], $0x80, v30, vm1, $0xb8;
	[tilespmem:$0x1B980] =	vst v63  }
0x4e: {  	v30 =	vld [tilespmem:$0x30];
	_ =	sdelay $0x4  }
0x4f: {  	v31 =	vshrl.u32 v30, $0x3  }
0x50: {  	v31 =	vmul.u32 $0x18, v31  }
0x51: {  	v30 =	vand.u32 $0x7, v30  }
0x52: {  	v30 =	vor.u32 v30, v31  }
0x53: {  	v31 =	vperm.xlane v30, v17;
	_ =	sdelay $0x1  }
0x54: {  	v31 =	vadd.s32 v19, v31;
	_ =	sdelay $0x1  }
0x55: {  	v30 =	vperm.xlane v30, v20;
	_ =	sdelay $0x1  }
0x56: {  	s9 =	simm.s32 $0x4980;
	v30 =	vadd.s32 v19, v30  }
0x57: {  	[tilespmem:s9], [sflag:$0x1] =	stream.indirect_vreg.gather [hbm4b:s2+s3], $0x80, v31, vm0, $0xb8;
	[tilespmem:$0x1B980] =	vst v63  }
0x58: {  	s31 =	simm.s32 $0x5180  }
0x59: {  	[tilespmem:s31], [sflag:$0x1] =	stream.indirect_vreg.gather [hbm4b:s5+s3], $0x80, v31, vm1, $0xb8;
	[tilespmem:$0x1B980] =	vst v63  }
0x5a: {  	s1 =	simm.s32 $0x5580  }
0x5b: {  	[tilespmem:s1], [sflag:$0x1] =	stream.indirect_vreg.gather [hbm4b:s2+s3], $0x80, v30, vm0, $0xb8;
	[tilespmem:$0x1B980] =	vst v63  }
0x5c: {  	s6 =	simm.s32 $0x5D80  }
0x5d: {  	[tilespmem:s6], [sflag:$0x1] =	stream.indirect_vreg.gather [hbm4b:s5+s3], $0x80, v30, vm1, $0xb8;
	[tilespmem:$0x1B980] =	vst v63  }
0x5e: {  	v30 =	vld [tilespmem:$0x40];
	_ =	sdelay $0x4  }
0x5f: {  	v31 =	vshrl.u32 v30, $0x3  }
0x60: {  	v31 =	vmul.u32 $0x18, v31  }
0x61: {  	v30 =	vand.u32 $0x7, v30  }
0x62: {  	v30 =	vor.u32 v30, v31  }
0x63: {  	v31 =	vperm.xlane v30, v17;
	_ =	sdelay $0x1  }
0x64: {  	v31 =	vadd.s32 v19, v31;
	_ =	sdelay $0x1  }
0x65: {  	v30 =	vperm.xlane v30, v20;
	_ =	sdelay $0x1  }
0x66: {  	s7 =	simm.s32 $0x6180;
	v30 =	vadd.s32 v19, v30  }
0x67: {  	[tilespmem:s7], [sflag:$0x1] =	stream.indirect_vreg.gather [hbm4b:s2+s3], $0x80, v31, vm0, $0xb8;
	[tilespmem:$0x1B980] =	vst v63  }
0x68: {  	s8 =	simm.s32 $0x6980  }
0x69: {  	[tilespmem:s8], [sflag:$0x1] =	stream.indirect_vreg.gather [hbm4b:s5+s3], $0x80, v31, vm1, $0xb8;
	[tilespmem:$0x1B980] =	vst v63  }
0x6a: {  	s9 =	simm.s32 $0x6D80  }
0x6b: {  	[tilespmem:s9], [sflag:$0x1] =	stream.indirect_vreg.gather [hbm4b:s2+s3], $0x80, v30, vm0, $0xb8;
	[tilespmem:$0x1B980] =	vst v63  }
0x6c: {  	s31 =	simm.s32 $0x7580  }
0x6d: {  	[tilespmem:s31], [sflag:$0x1] =	stream.indirect_vreg.gather [hbm4b:s5+s3], $0x80, v30, vm1, $0xb8;
	[tilespmem:$0x1B980] =	vst v63  }
0x6e: {  	v30 =	vld [tilespmem:$0x50];
	_ =	sdelay $0x4  }
0x6f: {  	v31 =	vshrl.u32 v30, $0x3  }
0x70: {  	v31 =	vmul.u32 $0x18, v31  }
0x71: {  	v30 =	vand.u32 $0x7, v30  }
0x72: {  	v30 =	vor.u32 v30, v31  }
0x73: {  	v31 =	vperm.xlane v30, v17;
	_ =	sdelay $0x1  }
0x74: {  	v31 =	vadd.s32 v19, v31;
	_ =	sdelay $0x1  }
0x75: {  	v30 =	vperm.xlane v30, v20;
	_ =	sdelay $0x1  }
0x76: {  	s1 =	simm.s32 $0x7980;
	v30 =	vadd.s32 v19, v30  }
0x77: {  	[tilespmem:s1], [sflag:$0x1] =	stream.indirect_vreg.gather [hbm4b:s2+s3], $0x80, v31, vm0, $0xb8;
	[tilespmem:$0x1B980] =	vst v63  }
0x78: {  	s6 =	simm.s32 $0x8180  }
0x79: {  	[tilespmem:s6], [sflag:$0x1] =	stream.indirect_vreg.gather [hbm4b:s5+s3], $0x80, v31, vm1, $0xb8;
	[tilespmem:$0x1B980] =	vst v63  }
0x7a: {  	s7 =	simm.s32 $0x8580  }
0x7b: {  	[tilespmem:s7], [sflag:$0x1] =	stream.indirect_vreg.gather [hbm4b:s2+s3], $0x80, v30, vm0, $0xb8;
	[tilespmem:$0x1B980] =	vst v63  }
0x7c: {  	s8 =	simm.s32 $0x8D80  }
0x7d: {  	[tilespmem:s8], [sflag:$0x1] =	stream.indirect_vreg.gather [hbm4b:s5+s3], $0x80, v30, vm1, $0xb8;
	[tilespmem:$0x1B980] =	vst v63  }
0x7e: {  	[tilespmem:$0x80] =	vst v7  }
0x7f: {  	[tilespmem:$0x90] =	vst v8  }
0x80: {  	[tilespmem:$0xA0] =	vst v9  }
0x81: {  	[tilespmem:$0xB0] =	vst v10  }
0x82: {  	[tilespmem:$0xC0] =	vst v11  }
0x83: {  	s9 =	simm.s32 $0x9180;
	[tilespmem:$0xD0] =	vst v13  }
0x84: {  	[tilespmem:s9], [sflag:$0x2] =	stream.indirect_vreg.gather [hbm4b:s2+s3], $0x80, v26, vm0, $0xb8;
	[tilespmem:$0x1B980] =	vst v63  }
0x85: {  	s31 =	simm.s32 $0x9980  }
0x86: {  	[tilespmem:s31], [sflag:$0x2] =	stream.indirect_vreg.gather [hbm4b:s5+s3], $0x80, v26, vm1, $0xb8;
	[tilespmem:$0x1B980] =	vst v63  }
0x87: {  	s1 =	simm.s32 $0x9D80  }
0x88: {  	[tilespmem:s1], [sflag:$0x2] =	stream.indirect_vreg.gather [hbm4b:s2+s3], $0x80, v27, vm0, $0xb8;
	[tilespmem:$0x1B980] =	vst v63  }
0x89: {  	s6 =	simm.s32 $0xA580  }
0x8a: {  	[tilespmem:s6], [sflag:$0x2] =	stream.indirect_vreg.gather [hbm4b:s5+s3], $0x80, v27, vm1, $0xb8;
	[tilespmem:$0x1B980] =	vst v63  }
0x8b: {  	v30 =	vld [tilespmem:$0x90];
	_ =	sdelay $0x4  }
0x8c: {  	v31 =	vshrl.u32 v30, $0x3  }
0x8d: {  	v31 =	vmul.u32 $0x18, v31  }
0x8e: {  	v30 =	vand.u32 $0x7, v30  }
0x8f: {  	v30 =	vor.u32 v30, v31  }
0x90: {  	v31 =	vperm.xlane v30, v17;
	_ =	sdelay $0x1  }
0x91: {  	v31 =	vadd.s32 v19, v31;
	_ =	sdelay $0x1  }
0x92: {  	v30 =	vperm.xlane v30, v20;
	_ =	sdelay $0x1  }
0x93: {  	s7 =	simm.s32 $0xA980;
	v30 =	vadd.s32 v19, v30  }
0x94: {  	[tilespmem:s7], [sflag:$0x2] =	stream.indirect_vreg.gather [hbm4b:s2+s3], $0x80, v31, vm0, $0xb8;
	[tilespmem:$0x1B980] =	vst v63  }
0x95: {  	s8 =	simm.s32 $0xB180  }
0x96: {  	[tilespmem:s8], [sflag:$0x2] =	stream.indirect_vreg.gather [hbm4b:s5+s3], $0x80, v31, vm1, $0xb8;
	[tilespmem:$0x1B980] =	vst v63  }
0x97: {  	s9 =	simm.s32 $0xB580  }
0x98: {  	[tilespmem:s9], [sflag:$0x2] =	stream.indirect_vreg.gather [hbm4b:s2+s3], $0x80, v30, vm0, $0xb8;
	[tilespmem:$0x1B980] =	vst v63  }
0x99: {  	s31 =	simm.s32 $0xBD80  }
0x9a: {  	[tilespmem:s31], [sflag:$0x2] =	stream.indirect_vreg.gather [hbm4b:s5+s3], $0x80, v30, vm1, $0xb8;
	[tilespmem:$0x1B980] =	vst v63  }
0x9b: {  	v30 =	vld [tilespmem:$0xA0];
	_ =	sdelay $0x4  }
0x9c: {  	v31 =	vshrl.u32 v30, $0x3  }
0x9d: {  	v31 =	vmul.u32 $0x18, v31  }
0x9e: {  	v30 =	vand.u32 $0x7, v30  }
0x9f: {  	v30 =	vor.u32 v30, v31  }
0xa0: {  	v31 =	vperm.xlane v30, v17;
	_ =	sdelay $0x1  }
0xa1: {  	v31 =	vadd.s32 v19, v31;
	_ =	sdelay $0x1  }
0xa2: {  	v30 =	vperm.xlane v30, v20;
	_ =	sdelay $0x1  }
0xa3: {  	s1 =	simm.s32 $0xC180;
	v30 =	vadd.s32 v19, v30  }
0xa4: {  	[tilespmem:s1], [sflag:$0x2] =	stream.indirect_vreg.gather [hbm4b:s2+s3], $0x80, v31, vm0, $0xb8;
	[tilespmem:$0x1B980] =	vst v63  }
0xa5: {  	s6 =	simm.s32 $0xC980  }
0xa6: {  	[tilespmem:s6], [sflag:$0x2] =	stream.indirect_vreg.gather [hbm4b:s5+s3], $0x80, v31, vm1, $0xb8;
	[tilespmem:$0x1B980] =	vst v63  }
0xa7: {  	s7 =	simm.s32 $0xCD80  }
0xa8: {  	[tilespmem:s7], [sflag:$0x2] =	stream.indirect_vreg.gather [hbm4b:s2+s3], $0x80, v30, vm0, $0xb8;
	[tilespmem:$0x1B980] =	vst v63  }
0xa9: {  	s8 =	simm.s32 $0xD580  }
0xaa: {  	[tilespmem:s8], [sflag:$0x2] =	stream.indirect_vreg.gather [hbm4b:s5+s3], $0x80, v30, vm1, $0xb8;
	[tilespmem:$0x1B980] =	vst v63  }
0xab: {  	v30 =	vld [tilespmem:$0xB0];
	_ =	sdelay $0x4  }
0xac: {  	v31 =	vshrl.u32 v30, $0x3  }
0xad: {  	v31 =	vmul.u32 $0x18, v31  }
0xae: {  	v30 =	vand.u32 $0x7, v30  }
0xaf: {  	v30 =	vor.u32 v30, v31  }
0xb0: {  	v31 =	vperm.xlane v30, v17;
	_ =	sdelay $0x1  }
0xb1: {  	v31 =	vadd.s32 v19, v31;
	_ =	sdelay $0x1  }
0xb2: {  	v30 =	vperm.xlane v30, v20;
	_ =	sdelay $0x1  }
0xb3: {  	s9 =	simm.s32 $0xD980;
	v30 =	vadd.s32 v19, v30  }
0xb4: {  	[tilespmem:s9], [sflag:$0x2] =	stream.indirect_vreg.gather [hbm4b:s2+s3], $0x80, v31, vm0, $0xb8;
	[tilespmem:$0x1B980] =	vst v63  }
0xb5: {  	s31 =	simm.s32 $0xE180  }
0xb6: {  	[tilespmem:s31], [sflag:$0x2] =	stream.indirect_vreg.gather [hbm4b:s5+s3], $0x80, v31, vm1, $0xb8;
	[tilespmem:$0x1B980] =	vst v63  }
0xb7: {  	s1 =	simm.s32 $0xE580  }
0xb8: {  	[tilespmem:s1], [sflag:$0x2] =	stream.indirect_vreg.gather [hbm4b:s2+s3], $0x80, v30, vm0, $0xb8;
	[tilespmem:$0x1B980] =	vst v63  }
0xb9: {  	s6 =	simm.s32 $0xED80  }
0xba: {  	[tilespmem:s6], [sflag:$0x2] =	stream.indirect_vreg.gather [hbm4b:s5+s3], $0x80, v30, vm1, $0xb8;
	[tilespmem:$0x1B980] =	vst v63  }
0xbb: {  	v30 =	vld [tilespmem:$0xC0];
	_ =	sdelay $0x4  }
0xbc: {  	v31 =	vshrl.u32 v30, $0x3  }
0xbd: {  	v31 =	vmul.u32 $0x18, v31  }
0xbe: {  	v30 =	vand.u32 $0x7, v30  }
0xbf: {  	v30 =	vor.u32 v30, v31  }
0xc0: {  	v31 =	vperm.xlane v30, v17;
	_ =	sdelay $0x1  }
0xc1: {  	v31 =	vadd.s32 v19, v31;
	_ =	sdelay $0x1  }
0xc2: {  	v30 =	vperm.xlane v30, v20;
	_ =	sdelay $0x1  }
0xc3: {  	s7 =	simm.s32 $0xF180;
	v30 =	vadd.s32 v19, v30  }
0xc4: {  	[tilespmem:s7], [sflag:$0x2] =	stream.indirect_vreg.gather [hbm4b:s2+s3], $0x80, v31, vm0, $0xb8;
	[tilespmem:$0x1B980] =	vst v63  }
0xc5: {  	s8 =	simm.s32 $0xF980  }
0xc6: {  	[tilespmem:s8], [sflag:$0x2] =	stream.indirect_vreg.gather [hbm4b:s5+s3], $0x80, v31, vm1, $0xb8;
	[tilespmem:$0x1B980] =	vst v63  }
0xc7: {  	s9 =	simm.s32 $0xFD80  }
0xc8: {  	[tilespmem:s9], [sflag:$0x2] =	stream.indirect_vreg.gather [hbm4b:s2+s3], $0x80, v30, vm0, $0xb8;
	[tilespmem:$0x1B980] =	vst v63  }
0xc9: {  	s31 =	simm.s32 $0x10580  }
0xca: {  	[tilespmem:s31], [sflag:$0x2] =	stream.indirect_vreg.gather [hbm4b:s5+s3], $0x80, v30, vm1, $0xb8;
	[tilespmem:$0x1B980] =	vst v63  }
0xcb: {  	v30 =	vld [tilespmem:$0xD0];
	_ =	sdelay $0x4  }
0xcc: {  	v31 =	vshrl.u32 v30, $0x3  }
0xcd: {  	v31 =	vmul.u32 $0x18, v31  }
0xce: {  	v30 =	vand.u32 $0x7, v30  }
0xcf: {  	v30 =	vor.u32 v30, v31  }
0xd0: {  	v31 =	vperm.xlane v30, v17;
	_ =	sdelay $0x1  }
0xd1: {  	v31 =	vadd.s32 v19, v31;
	_ =	sdelay $0x1  }
0xd2: {  	v30 =	vperm.xlane v30, v20;
	_ =	sdelay $0x1  }
0xd3: {  	s1 =	simm.s32 $0x10980;
	v30 =	vadd.s32 v19, v30  }
0xd4: {  	[tilespmem:s1], [sflag:$0x2] =	stream.indirect_vreg.gather [hbm4b:s2+s3], $0x80, v31, vm0, $0xb8;
	[tilespmem:$0x1B980] =	vst v63  }
0xd5: {  	s6 =	simm.s32 $0x11180  }
0xd6: {  	[tilespmem:s6], [sflag:$0x2] =	stream.indirect_vreg.gather [hbm4b:s5+s3], $0x80, v31, vm1, $0xb8;
	[tilespmem:$0x1B980] =	vst v63  }
0xd7: {  	s7 =	simm.s32 $0x11580  }
0xd8: {  	[tilespmem:s7], [sflag:$0x2] =	stream.indirect_vreg.gather [hbm4b:s2+s3], $0x80, v30, vm0, $0xb8;
	[tilespmem:$0x1B980] =	vst v63  }
0xd9: {  	s8 =	simm.s32 $0x11D80  }
0xda: {  	[tilespmem:s8], [sflag:$0x2] =	stream.indirect_vreg.gather [hbm4b:s5+s3], $0x80, v30, vm1, $0xb8;
	[tilespmem:$0x1B980] =	vst v63  }
0xdb: {  	[tilespmem:$0x100] =	vst v14  }
0xdc: {  	[tilespmem:$0x110] =	vst v15  }
0xdd: {  	[tilespmem:$0x120] =	vst v16  }
0xde: {  	[tilespmem:$0x130] =	vst v18  }
0xdf: {  	[tilespmem:$0x140] =	vst v21  }
0xe0: {  	s9 =	simm.s32 $0x12180;
	[tilespmem:$0x150] =	vst v22  }
0xe1: {  	[tilespmem:s9], [sflag:$0x3] =	stream.indirect_vreg.gather [hbm4b:s2+s3], $0x80, v28, vm0, $0xb8;
	[tilespmem:$0x1B980] =	vst v63  }
0xe2: {  	s31 =	simm.s32 $0x12980  }
0xe3: {  	[tilespmem:s31], [sflag:$0x3] =	stream.indirect_vreg.gather [hbm4b:s5+s3], $0x80, v28, vm1, $0xb8;
	[tilespmem:$0x1B980] =	vst v63  }
0xe4: {  	s1 =	simm.s32 $0x12D80  }
0xe5: {  	[tilespmem:s1], [sflag:$0x3] =	stream.indirect_vreg.gather [hbm4b:s2+s3], $0x80, v29, vm0, $0xb8;
	[tilespmem:$0x1B980] =	vst v63  }
0xe6: {  	s6 =	simm.s32 $0x13580  }
0xe7: {  	[tilespmem:s6], [sflag:$0x3] =	stream.indirect_vreg.gather [hbm4b:s5+s3], $0x80, v29, vm1, $0xb8;
	[tilespmem:$0x1B980] =	vst v63  }
0xe8: {  	v30 =	vld [tilespmem:$0x110];
	_ =	sdelay $0x4  }
0xe9: {  	v31 =	vshrl.u32 v30, $0x3  }
0xea: {  	v31 =	vmul.u32 $0x18, v31  }
0xeb: {  	v30 =	vand.u32 $0x7, v30  }
0xec: {  	v30 =	vor.u32 v30, v31  }
0xed: {  	v31 =	vperm.xlane v30, v17;
	_ =	sdelay $0x1  }
0xee: {  	v31 =	vadd.s32 v19, v31;
	_ =	sdelay $0x1  }
0xef: {  	v30 =	vperm.xlane v30, v20;
	_ =	sdelay $0x1  }
0xf0: {  	s7 =	simm.s32 $0x13980;
	v30 =	vadd.s32 v19, v30  }
0xf1: {  	[tilespmem:s7], [sflag:$0x3] =	stream.indirect_vreg.gather [hbm4b:s2+s3], $0x80, v31, vm0, $0xb8;
	[tilespmem:$0x1B980] =	vst v63  }
0xf2: {  	s8 =	simm.s32 $0x14180  }
0xf3: {  	[tilespmem:s8], [sflag:$0x3] =	stream.indirect_vreg.gather [hbm4b:s5+s3], $0x80, v31, vm1, $0xb8;
	[tilespmem:$0x1B980] =	vst v63  }
0xf4: {  	s9 =	simm.s32 $0x14580  }
0xf5: {  	[tilespmem:s9], [sflag:$0x3] =	stream.indirect_vreg.gather [hbm4b:s2+s3], $0x80, v30, vm0, $0xb8;
	[tilespmem:$0x1B980] =	vst v63  }
0xf6: {  	s31 =	simm.s32 $0x14D80  }
0xf7: {  	[tilespmem:s31], [sflag:$0x3] =	stream.indirect_vreg.gather [hbm4b:s5+s3], $0x80, v30, vm1, $0xb8;
	[tilespmem:$0x1B980] =	vst v63  }
0xf8: {  	v30 =	vld [tilespmem:$0x120];
	_ =	sdelay $0x4  }
0xf9: {  	v31 =	vshrl.u32 v30, $0x3  }
0xfa: {  	v31 =	vmul.u32 $0x18, v31  }
0xfb: {  	v30 =	vand.u32 $0x7, v30  }
0xfc: {  	v30 =	vor.u32 v30, v31  }
0xfd: {  	v31 =	vperm.xlane v30, v17;
	_ =	sdelay $0x1  }
0xfe: {  	v31 =	vadd.s32 v19, v31;
	_ =	sdelay $0x1  }
0xff: {  	v30 =	vperm.xlane v30, v20;
	_ =	sdelay $0x1  }
0x100: {  	v30 =	vadd.s32 v19, v30  }
0x101: {  	[tilespmem:s10], [sflag:$0x3] =	stream.indirect_vreg.gather [hbm4b:s2+s3], $0x80, v31, vm0, $0xb8;
	[tilespmem:$0x1B980] =	vst v63  }
0x102: {  	_ = 	snop  }
0x103: {  	[tilespmem:s11], [sflag:$0x3] =	stream.indirect_vreg.gather [hbm4b:s5+s3], $0x80, v31, vm1, $0xb8;
	[tilespmem:$0x1B980] =	vst v63  }
0x104: {  	_ = 	snop  }
0x105: {  	[tilespmem:s12], [sflag:$0x3] =	stream.indirect_vreg.gather [hbm4b:s2+s3], $0x80, v30, vm0, $0xb8;
	[tilespmem:$0x1B980] =	vst v63  }
0x106: {  	_ = 	snop  }
0x107: {  	[tilespmem:s13], [sflag:$0x3] =	stream.indirect_vreg.gather [hbm4b:s5+s3], $0x80, v30, vm1, $0xb8;
	[tilespmem:$0x1B980] =	vst v63  }
0x108: {  	v30 =	vld [tilespmem:$0x130];
	_ =	sdelay $0x4  }
0x109: {  	v31 =	vshrl.u32 v30, $0x3  }
0x10a: {  	v31 =	vmul.u32 $0x18, v31  }
0x10b: {  	v30 =	vand.u32 $0x7, v30  }
0x10c: {  	v30 =	vor.u32 v30, v31  }
0x10d: {  	v31 =	vperm.xlane v30, v17;
	_ =	sdelay $0x1  }
0x10e: {  	v31 =	vadd.s32 v19, v31;
	_ =	sdelay $0x1  }
0x10f: {  	v30 =	vperm.xlane v30, v20;
	_ =	sdelay $0x1  }
0x110: {  	v30 =	vadd.s32 v19, v30  }
0x111: {  	[tilespmem:s14], [sflag:$0x3] =	stream.indirect_vreg.gather [hbm4b:s2+s3], $0x80, v31, vm0, $0xb8;
	[tilespmem:$0x1B980] =	vst v63  }
0x112: {  	_ = 	snop  }
0x113: {  	[tilespmem:s15], [sflag:$0x3] =	stream.indirect_vreg.gather [hbm4b:s5+s3], $0x80, v31, vm1, $0xb8;
	[tilespmem:$0x1B980] =	vst v63  }
0x114: {  	_ = 	snop  }
0x115: {  	[tilespmem:s16], [sflag:$0x3] =	stream.indirect_vreg.gather [hbm4b:s2+s3], $0x80, v30, vm0, $0xb8;
	[tilespmem:$0x1B980] =	vst v63  }
0x116: {  	_ = 	snop  }
0x117: {  	[tilespmem:s17], [sflag:$0x3] =	stream.indirect_vreg.gather [hbm4b:s5+s3], $0x80, v30, vm1, $0xb8;
	[tilespmem:$0x1B980] =	vst v63  }
0x118: {  	v30 =	vld [tilespmem:$0x140];
	_ =	sdelay $0x4  }
0x119: {  	v31 =	vshrl.u32 v30, $0x3  }
0x11a: {  	v31 =	vmul.u32 $0x18, v31  }
0x11b: {  	v30 =	vand.u32 $0x7, v30  }
0x11c: {  	v30 =	vor.u32 v30, v31  }
0x11d: {  	v31 =	vperm.xlane v30, v17;
	_ =	sdelay $0x1  }
0x11e: {  	v31 =	vadd.s32 v19, v31;
	_ =	sdelay $0x1  }
0x11f: {  	v30 =	vperm.xlane v30, v20;
	_ =	sdelay $0x1  }
0x120: {  	v30 =	vadd.s32 v19, v30  }
0x121: {  	[tilespmem:s18], [sflag:$0x3] =	stream.indirect_vreg.gather [hbm4b:s2+s3], $0x80, v31, vm0, $0xb8;
	[tilespmem:$0x1B980] =	vst v63  }
0x122: {  	_ = 	snop  }
0x123: {  	[tilespmem:s19], [sflag:$0x3] =	stream.indirect_vreg.gather [hbm4b:s5+s3], $0x80, v31, vm1, $0xb8;
	[tilespmem:$0x1B980] =	vst v63  }
0x124: {  	_ = 	snop  }
0x125: {  	[tilespmem:s20], [sflag:$0x3] =	stream.indirect_vreg.gather [hbm4b:s2+s3], $0x80, v30, vm0, $0xb8;
	[tilespmem:$0x1B980] =	vst v63  }
0x126: {  	_ = 	snop  }
0x127: {  	[tilespmem:s21], [sflag:$0x3] =	stream.indirect_vreg.gather [hbm4b:s5+s3], $0x80, v30, vm1, $0xb8;
	[tilespmem:$0x1B980] =	vst v63  }
0x128: {  	v30 =	vld [tilespmem:$0x150];
	_ =	sdelay $0x4  }
0x129: {  	v31 =	vshrl.u32 v30, $0x3  }
0x12a: {  	v31 =	vmul.u32 $0x18, v31  }
0x12b: {  	v30 =	vand.u32 $0x7, v30  }
0x12c: {  	v30 =	vor.u32 v30, v31  }
0x12d: {  	v31 =	vperm.xlane v30, v17;
	_ =	sdelay $0x1  }
0x12e: {  	v31 =	vadd.s32 v19, v31;
	_ =	sdelay $0x1  }
0x12f: {  	v30 =	vperm.xlane v30, v20;
	_ =	sdelay $0x1  }
0x130: {  	v30 =	vadd.s32 v19, v30  }
0x131: {  	[tilespmem:s22], [sflag:$0x3] =	stream.indirect_vreg.gather [hbm4b:s2+s3], $0x80, v31, vm0, $0xb8;
	[tilespmem:$0x1B980] =	vst v63  }
0x132: {  	_ = 	snop  }
0x133: {  	[tilespmem:s23], [sflag:$0x3] =	stream.indirect_vreg.gather [hbm4b:s5+s3], $0x80, v31, vm1, $0xb8;
	[tilespmem:$0x1B980] =	vst v63  }
0x134: {  	_ = 	snop  }
0x135: {  	[tilespmem:s24], [sflag:$0x3] =	stream.indirect_vreg.gather [hbm4b:s2+s3], $0x80, v30, vm0, $0xb8;
	[tilespmem:$0x1B980] =	vst v63  }
0x136: {  	s30 =	simm.s32 $0x0  }
0x137: {  	[tilespmem:s25], [sflag:$0x3] =	stream.indirect_vreg.gather [hbm4b:s5+s3], $0x80, v30, vm1, $0xb8;
	[tilespmem:$0x1B980] =	vst v63  }
.LBB2_2:
0x138: {  	s0 =	simm.s32 $0x0  }
0x139: {  	s0 =	smul.u32 $0x3000, s0  }
0x13a: {  	_ =	swait.ge [sflag:s26], $0x9000;
	s1 =	simm.s32 $0x0  }
0x13b: {  	[sflag:s26] =	ssyncset.done $0x0;
	s6 =	sand.u32 $0x380, s1;
	s0 =	sshra.s32 s0, $0x2  }
0x13c: {  	[sflag:s26] =	ssyncadd.s32 $0xFFFF7000;
	s0 =	sor.u32 s6, s0  }
0x13d: {  	v30 =	vld [tilespmem:s0+$0x9C0]  }
0x13e: {  	v31 =	vld [tilespmem:s0+$0x9D0]  }
0x13f: {  	v32 =	vld [tilespmem:s0+$0x980]  }
0x140: {  	v33 =	vld [tilespmem:s0+$0x990]  }
0x141: {  	v34 =	vld [tilespmem:s0+$0x5C0]  }
0x142: {  	v35 =	vld [tilespmem:s0+$0x5D0]  }
0x143: {  	v36 =	vld [tilespmem:s0+$0x580]  }
0x144: {  	v38 =	vimm.f32 $0.0e+00;
	v37 =	vld [tilespmem:s0+$0x590]  }
0x145: {  	v42 =	vimm.f32 $0.0e+00;
	v39 =	vimm.f32 $0.0e+00;
	v40 =	vimm.f32 $0.0e+00;
	s6 =	simm.s32 $0x1;
	v41 =	vld [tilespmem:s0+$0x1C0]  }
.LBB2_3:
0x146: {  	p0 =	sne.s32 s6, $0x5F;
	v43 =	vld [tilespmem:s0+$0x1D0]  }
0x147: {  	v44 =	vld [tilespmem:s0+$0x180]  }
0x148: {  	v45 =	vld [tilespmem:s0+$0x190]  }
0x149: {  	v46 =	vld [tilespmem:s0+$0x1A0]  }
0x14a: {  	v47 =	vld [tilespmem:s0+$0x1B0]  }
0x14b: {  	v48 =	vld [tilespmem:s0+$0x1E0]  }
0x14c: {  	v49 =	vld [tilespmem:s0+$0x1F0]  }
0x14d: {  	v50 =	vld [tilespmem:s0+$0x5A0]  }
0x14e: {  	v38 =	vadd.f32 v44, v38;
	v42 =	vadd.f32 v45, v42;
	v44 =	vld [tilespmem:s0+$0x5B0]  }
0x14f: {  	v39 =	vadd.f32 v46, v39;
	v40 =	vadd.f32 v47, v40;
	v45 =	vld [tilespmem:s0+$0x5E0]  }
0x150: {  	s7 =	sshrl.u32 s6, $0x3;
	v38 =	vadd.f32 v41, v38;
	v41 =	vadd.f32 v43, v42;
	v42 =	vld [tilespmem:s0+$0x5F0]  }
0x151: {  	s7 =	smul.u32 $0x3000, s7;
	v39 =	vadd.f32 v48, v39;
	v40 =	vadd.f32 v49, v40;
	v43 =	vld [tilespmem:s0+$0x9A0]  }
0x152: {  	s1 =	sadd.s32 $0x80, s1;
	v36 =	vadd.f32 v36, v38;
	v37 =	vadd.f32 v37, v41;
	v38 =	vld [tilespmem:s0+$0x9B0]  }
0x153: {  	s8 =	sand.u32 $0x380, s1;
	s7 =	sshra.s32 s7, $0x2;
	v39 =	vadd.f32 v50, v39;
	v40 =	vadd.f32 v44, v40;
	v41 =	vld [tilespmem:s0+$0x9E0]  }
0x154: {  	v34 =	vadd.f32 v34, v36;
	v35 =	vadd.f32 v35, v37;
	v36 =	vld [tilespmem:s0+$0x9F0];
	s0 =	sor.u32 s8, s7  }
0x155: {  	v39 =	vadd.f32 v45, v39;
	v37 =	vld [tilespmem:s0+$0x9C0];
	v40 =	vadd.f32 v42, v40  }
0x156: {  	v34 =	vadd.f32 v32, v34;
	v35 =	vadd.f32 v33, v35;
	v44 =	vld [tilespmem:s0+$0x9D0]  }
0x157: {  	v39 =	vadd.f32 v43, v39;
	v32 =	vld [tilespmem:s0+$0x980];
	v40 =	vadd.f32 v38, v40  }
0x158: {  	v38 =	vadd.f32 v30, v34;
	v42 =	vadd.f32 v31, v35;
	v33 =	vld [tilespmem:s0+$0x990]  }
.Ltmp0:
0x159: {  	v39 =	vadd.f32 v41, v39;
	v34 =	vld [tilespmem:s0+$0x5C0];
	v40 =	vadd.f32 v36, v40;
	(pc) =	sbr.rel @p0 .LBB2_3-.Ltmp0, $4  }
0x15a: {  	v35 =	vld [tilespmem:s0+$0x5D0];
	v30 =	vmov v37  }
0x15b: {  	v36 =	vld [tilespmem:s0+$0x580];
	v31 =	vmov v44  }
0x15c: {  	v37 =	vld [tilespmem:s0+$0x590]  }
0x15d: {  	s6 =	sadd.s32 $0x1, s6;
	v41 =	vld [tilespmem:s0+$0x1C0]  }
0x15e: {  	v43 =	vld [tilespmem:s0+$0x1D0]  }
0x15f: {  	v44 =	vld [tilespmem:s0+$0x180]  }
0x160: {  	v45 =	vld [tilespmem:s0+$0x190]  }
0x161: {  	v46 =	vld [tilespmem:s0+$0x1A0]  }
0x162: {  	v47 =	vld [tilespmem:s0+$0x1B0]  }
0x163: {  	v48 =	vld [tilespmem:s0+$0x1E0]  }
0x164: {  	v49 =	vld [tilespmem:s0+$0x1F0]  }
0x165: {  	v50 =	vld [tilespmem:s0+$0x5A0]  }
0x166: {  	v61 =	vld [tilespmem:s0+$0x5B0];
	v38 =	vadd.f32 v44, v38;
	v42 =	vadd.f32 v45, v42  }
0x167: {  	v62 =	vld [tilespmem:s0+$0x5E0];
	v39 =	vadd.f32 v46, v39;
	v40 =	vadd.f32 v47, v40  }
0x168: {  	v46 =	vld [tilespmem:s0+$0x5F0];
	v38 =	vadd.f32 v41, v38;
	v63 =	vadd.f32 v43, v42  }
0x169: {  	v47 =	vld [tilespmem:s0+$0x9A0];
	v39 =	vadd.f32 v48, v39;
	v40 =	vadd.f32 v49, v40  }
0x16a: {  	v48 =	vld [tilespmem:s0+$0x9B0];
	v36 =	vadd.f32 v36, v38;
	v37 =	vadd.f32 v37, v63  }
0x16b: {  	v49 =	vld [tilespmem:s0+$0x9E0];
	v39 =	vadd.f32 v50, v39;
	v40 =	vadd.f32 v61, v40  }
0x16c: {  	s31 =	smul.u32 $0x3, s30;
	v50 =	vld [tilespmem:s0+$0x9F0];
	v34 =	vadd.f32 v34, v36;
	v35 =	vadd.f32 v35, v37  }
0x16d: {  	v51 =	vadd.f32 v62, v39;
	v52 =	vadd.f32 v46, v40  }
0x16e: {  	s1 =	sadd.s32 $0x3, s31;
	s0 =	smul.u32 $0x300, s30;
	v32 =	vadd.f32 v32, v34;
	v33 =	vadd.f32 v33, v35  }
0x16f: {  	s7 =	sshrl.u32 s1, $0x1;
	s1 =	sand.u32 $0x1, s1;
	v53 =	vadd.f32 v47, v51;
	v54 =	vadd.f32 v48, v52  }
0x170: {  	s7 =	sadd.s32 s4, s7;
	p0 =	seq.s32 s1, $0x1;
	s6 =	sand.u32 $0x1E00, s0;
	v30 =	vadd.f32 v30, v32;
	v31 =	vadd.f32 v31, v33  }
0x171: {  	s1 =	simm.s32 $0xC0;
	s7 =	smul.u32 $0x180, s7;
	s6 =	sshrl.u32 s6, $0x2;
	v55 =	vadd.f32 v49, v53;
	v56 =	vadd.f32 v50, v54  }
0x172: {  	s1 =	simm.s32 @!p0 $0x0;
	v57 =	vld [tilespmem:s6+$0x1B180]  }
0x173: {  	s1 =	sadd.s32 s1, s7;
	v30 =	vadd.f32 v31, v30;
	v31 =	vadd.f32 v56, v55  }
0x174: {  	v58 =	vor.u32 s1, v0  }
0x175: {  	v30 =	vadd.f32 v31, v30;
	v31 =	vshrl.u32 v58, $0x3  }
0x176: {  	v31 =	vmul.u32 $0x18, v31  }
0x177: {  	v30 =	vadd.f32 v57, v30  }
0x178: {  	v31 =	vor.u32 v12, v31  }
0x179: {  	s7 =	sor.u32 $0x20, s1;
	[tilespmem:s6+$0x1B180] =	vst v30;
	v30 =	vperm.xlane v31, v17  }
0x17a: {  	s8 =	sadd.s32 $0x40, s1;
	v59 =	vor.u32 s7, v0;
	[tilespmem:$0x0] =	vst v58  }
0x17b: {  	s9 =	sadd.s32 $0x60, s1;
	v60 =	vor.u32 s8, v0;
	[tilespmem:$0x10] =	vst v59;
	v30 =	vadd.s32 v19, v30  }
0x17c: {  	v61 =	vor.u32 s9, v0;
	s7 =	sadd.s32 $0x80, s1;
	[tilespmem:$0x20] =	vst v60  }
0x17d: {  	s1 =	sadd.s32 $0xA0, s1;
	v62 =	vor.u32 s7, v0;
	v31 =	vperm.xlane v31, v20;
	[tilespmem:$0x30] =	vst v61  }
0x17e: {  	v63 =	vor.u32 s1, v0;
	[tilespmem:$0x40] =	vst v62  }
0x17f: {  	s8 =	simm.s32 $0x180;
	s1 =	simm.s32 $0x0;
	[tilespmem:$0x50] =	vst v63;
	v31 =	vadd.s32 v19, v31  }
0x180: {  	[tilespmem:s8], [sflag:$0x1] =	stream.indirect_vreg.gather [hbm4b:s2+s1], $0x80, v30, vm0, $0xb8;
	[tilespmem:$0x1B980] =	vst v63  }
0x181: {  	s9 =	simm.s32 $0x980  }
0x182: {  	[tilespmem:s9], [sflag:$0x1] =	stream.indirect_vreg.gather [hbm4b:s5+s1], $0x80, v30, vm1, $0xb8;
	[tilespmem:$0x1B980] =	vst v63  }
0x183: {  	s7 =	simm.s32 $0xD80  }
0x184: {  	[tilespmem:s7], [sflag:$0x1] =	stream.indirect_vreg.gather [hbm4b:s2+s1], $0x80, v31, vm0, $0xb8;
	[tilespmem:$0x1B980] =	vst v63  }
0x185: {  	s8 =	simm.s32 $0x1580  }
0x186: {  	[tilespmem:s8], [sflag:$0x1] =	stream.indirect_vreg.gather [hbm4b:s5+s1], $0x80, v31, vm1, $0xb8;
	[tilespmem:$0x1B980] =	vst v63  }
0x187: {  	v30 =	vld [tilespmem:$0x10];
	_ =	sdelay $0x4  }
0x188: {  	v31 =	vshrl.u32 v30, $0x3  }
0x189: {  	v31 =	vmul.u32 $0x18, v31  }
0x18a: {  	v30 =	vand.u32 $0x7, v30  }
0x18b: {  	v30 =	vor.u32 v30, v31  }
0x18c: {  	v31 =	vperm.xlane v30, v17;
	_ =	sdelay $0x1  }
0x18d: {  	v31 =	vadd.s32 v19, v31;
	_ =	sdelay $0x1  }
0x18e: {  	v30 =	vperm.xlane v30, v20;
	_ =	sdelay $0x1  }
0x18f: {  	s9 =	simm.s32 $0x1980;
	v30 =	vadd.s32 v19, v30  }
0x190: {  	[tilespmem:s9], [sflag:$0x1] =	stream.indirect_vreg.gather [hbm4b:s2+s1], $0x80, v31, vm0, $0xb8;
	[tilespmem:$0x1B980] =	vst v63  }
0x191: {  	s7 =	simm.s32 $0x2180  }
0x192: {  	[tilespmem:s7], [sflag:$0x1] =	stream.indirect_vreg.gather [hbm4b:s5+s1], $0x80, v31, vm1, $0xb8;
	[tilespmem:$0x1B980] =	vst v63  }
0x193: {  	s8 =	simm.s32 $0x2580  }
0x194: {  	[tilespmem:s8], [sflag:$0x1] =	stream.indirect_vreg.gather [hbm4b:s2+s1], $0x80, v30, vm0, $0xb8;
	[tilespmem:$0x1B980] =	vst v63  }
0x195: {  	s9 =	simm.s32 $0x2D80  }
0x196: {  	[tilespmem:s9], [sflag:$0x1] =	stream.indirect_vreg.gather [hbm4b:s5+s1], $0x80, v30, vm1, $0xb8;
	[tilespmem:$0x1B980] =	vst v63  }
0x197: {  	v30 =	vld [tilespmem:$0x20];
	_ =	sdelay $0x4  }
0x198: {  	v31 =	vshrl.u32 v30, $0x3  }
0x199: {  	v31 =	vmul.u32 $0x18, v31  }
0x19a: {  	v30 =	vand.u32 $0x7, v30  }
0x19b: {  	v30 =	vor.u32 v30, v31  }
0x19c: {  	v31 =	vperm.xlane v30, v17;
	_ =	sdelay $0x1  }
0x19d: {  	v31 =	vadd.s32 v19, v31;
	_ =	sdelay $0x1  }
0x19e: {  	v30 =	vperm.xlane v30, v20;
	_ =	sdelay $0x1  }
0x19f: {  	s7 =	simm.s32 $0x3180;
	v30 =	vadd.s32 v19, v30  }
0x1a0: {  	[tilespmem:s7], [sflag:$0x1] =	stream.indirect_vreg.gather [hbm4b:s2+s1], $0x80, v31, vm0, $0xb8;
	[tilespmem:$0x1B980] =	vst v63  }
0x1a1: {  	s8 =	simm.s32 $0x3980  }
0x1a2: {  	[tilespmem:s8], [sflag:$0x1] =	stream.indirect_vreg.gather [hbm4b:s5+s1], $0x80, v31, vm1, $0xb8;
	[tilespmem:$0x1B980] =	vst v63  }
0x1a3: {  	s9 =	simm.s32 $0x3D80  }
0x1a4: {  	[tilespmem:s9], [sflag:$0x1] =	stream.indirect_vreg.gather [hbm4b:s2+s1], $0x80, v30, vm0, $0xb8;
	[tilespmem:$0x1B980] =	vst v63  }
0x1a5: {  	s7 =	simm.s32 $0x4580  }
0x1a6: {  	[tilespmem:s7], [sflag:$0x1] =	stream.indirect_vreg.gather [hbm4b:s5+s1], $0x80, v30, vm1, $0xb8;
	[tilespmem:$0x1B980] =	vst v63  }
0x1a7: {  	v30 =	vld [tilespmem:$0x30];
	_ =	sdelay $0x4  }
0x1a8: {  	v31 =	vshrl.u32 v30, $0x3  }
0x1a9: {  	v31 =	vmul.u32 $0x18, v31  }
0x1aa: {  	v30 =	vand.u32 $0x7, v30  }
0x1ab: {  	v30 =	vor.u32 v30, v31  }
0x1ac: {  	v31 =	vperm.xlane v30, v17;
	_ =	sdelay $0x1  }
0x1ad: {  	v31 =	vadd.s32 v19, v31;
	_ =	sdelay $0x1  }
0x1ae: {  	v30 =	vperm.xlane v30, v20;
	_ =	sdelay $0x1  }
0x1af: {  	s8 =	simm.s32 $0x4980;
	v30 =	vadd.s32 v19, v30  }
0x1b0: {  	[tilespmem:s8], [sflag:$0x1] =	stream.indirect_vreg.gather [hbm4b:s2+s1], $0x80, v31, vm0, $0xb8;
	[tilespmem:$0x1B980] =	vst v63  }
0x1b1: {  	s9 =	simm.s32 $0x5180  }
0x1b2: {  	[tilespmem:s9], [sflag:$0x1] =	stream.indirect_vreg.gather [hbm4b:s5+s1], $0x80, v31, vm1, $0xb8;
	[tilespmem:$0x1B980] =	vst v63  }
0x1b3: {  	s7 =	simm.s32 $0x5580  }
0x1b4: {  	[tilespmem:s7], [sflag:$0x1] =	stream.indirect_vreg.gather [hbm4b:s2+s1], $0x80, v30, vm0, $0xb8;
	[tilespmem:$0x1B980] =	vst v63  }
0x1b5: {  	s8 =	simm.s32 $0x5D80  }
0x1b6: {  	[tilespmem:s8], [sflag:$0x1] =	stream.indirect_vreg.gather [hbm4b:s5+s1], $0x80, v30, vm1, $0xb8;
	[tilespmem:$0x1B980] =	vst v63  }
0x1b7: {  	v30 =	vld [tilespmem:$0x40];
	_ =	sdelay $0x4  }
0x1b8: {  	v31 =	vshrl.u32 v30, $0x3  }
0x1b9: {  	v31 =	vmul.u32 $0x18, v31  }
0x1ba: {  	v30 =	vand.u32 $0x7, v30  }
0x1bb: {  	v30 =	vor.u32 v30, v31  }
0x1bc: {  	v31 =	vperm.xlane v30, v17;
	_ =	sdelay $0x1  }
0x1bd: {  	v31 =	vadd.s32 v19, v31;
	_ =	sdelay $0x1  }
0x1be: {  	v30 =	vperm.xlane v30, v20;
	_ =	sdelay $0x1  }
0x1bf: {  	s9 =	simm.s32 $0x6180;
	v30 =	vadd.s32 v19, v30  }
0x1c0: {  	[tilespmem:s9], [sflag:$0x1] =	stream.indirect_vreg.gather [hbm4b:s2+s1], $0x80, v31, vm0, $0xb8;
	[tilespmem:$0x1B980] =	vst v63  }
0x1c1: {  	s7 =	simm.s32 $0x6980  }
0x1c2: {  	[tilespmem:s7], [sflag:$0x1] =	stream.indirect_vreg.gather [hbm4b:s5+s1], $0x80, v31, vm1, $0xb8;
	[tilespmem:$0x1B980] =	vst v63  }
0x1c3: {  	s8 =	simm.s32 $0x6D80  }
0x1c4: {  	[tilespmem:s8], [sflag:$0x1] =	stream.indirect_vreg.gather [hbm4b:s2+s1], $0x80, v30, vm0, $0xb8;
	[tilespmem:$0x1B980] =	vst v63  }
0x1c5: {  	s9 =	simm.s32 $0x7580  }
0x1c6: {  	[tilespmem:s9], [sflag:$0x1] =	stream.indirect_vreg.gather [hbm4b:s5+s1], $0x80, v30, vm1, $0xb8;
	[tilespmem:$0x1B980] =	vst v63  }
0x1c7: {  	v30 =	vld [tilespmem:$0x50];
	_ =	sdelay $0x4  }
0x1c8: {  	v31 =	vshrl.u32 v30, $0x3  }
0x1c9: {  	v31 =	vmul.u32 $0x18, v31  }
0x1ca: {  	v30 =	vand.u32 $0x7, v30  }
0x1cb: {  	v30 =	vor.u32 v30, v31  }
0x1cc: {  	v31 =	vperm.xlane v30, v17;
	_ =	sdelay $0x1  }
0x1cd: {  	v31 =	vadd.s32 v19, v31;
	_ =	sdelay $0x1  }
0x1ce: {  	v30 =	vperm.xlane v30, v20;
	_ =	sdelay $0x1  }
0x1cf: {  	s7 =	simm.s32 $0x7980;
	v30 =	vadd.s32 v19, v30  }
0x1d0: {  	[tilespmem:s7], [sflag:$0x1] =	stream.indirect_vreg.gather [hbm4b:s2+s1], $0x80, v31, vm0, $0xb8;
	[tilespmem:$0x1B980] =	vst v63  }
0x1d1: {  	s8 =	simm.s32 $0x8180  }
0x1d2: {  	[tilespmem:s8], [sflag:$0x1] =	stream.indirect_vreg.gather [hbm4b:s5+s1], $0x80, v31, vm1, $0xb8;
	[tilespmem:$0x1B980] =	vst v63  }
0x1d3: {  	s9 =	simm.s32 $0x8580;
	s8 =	simm.s32 $0x0  }
0x1d4: {  	[tilespmem:s9], [sflag:$0x1] =	stream.indirect_vreg.gather [hbm4b:s2+s1], $0x80, v30, vm0, $0xb8;
	[tilespmem:$0x1B980] =	vst v63  }
0x1d5: {  	s7 =	simm.s32 $0x8D80;
	s6 =	smul.u32 $0x3000, s8  }
0x1d6: {  	[tilespmem:s7], [sflag:$0x1] =	stream.indirect_vreg.gather [hbm4b:s5+s1], $0x80, v30, vm1, $0xb8;
	[tilespmem:$0x1B980] =	vst v63  }
0x1d7: {  	_ =	swait.ge [sflag:s28], $0x9000  }
0x1d8: {  	s9 =	sand.u32 $0x380, s1;
	s6 =	sshra.s32 s6, $0x2;
	[sflag:s28] =	ssyncset.done $0x0  }
0x1d9: {  	s6 =	sor.u32 s9, s6;
	[sflag:s28] =	ssyncadd.s32 $0xFFFF7000  }
0x1da: {  	v30 =	vld [tilespmem:s6+$0x99C0]  }
0x1db: {  	v31 =	vld [tilespmem:s6+$0x99D0]  }
0x1dc: {  	v32 =	vld [tilespmem:s6+$0x9980]  }
0x1dd: {  	v33 =	vld [tilespmem:s6+$0x9990]  }
0x1de: {  	v34 =	vld [tilespmem:s6+$0x95C0]  }
0x1df: {  	v35 =	vld [tilespmem:s6+$0x95D0]  }
0x1e0: {  	v36 =	vld [tilespmem:s6+$0x9580]  }
0x1e1: {  	v42 =	vimm.f32 $0.0e+00;
	v37 =	vld [tilespmem:s6+$0x9590]  }
0x1e2: {  	v38 =	vimm.f32 $0.0e+00;
	v39 =	vimm.f32 $0.0e+00;
	v40 =	vimm.f32 $0.0e+00;
	s7 =	simm.s32 $0x1;
	v41 =	vld [tilespmem:s6+$0x91C0]  }
.LBB2_5:
0x1e3: {  	p0 =	sne.s32 s7, $0x5F;
	v43 =	vld [tilespmem:s6+$0x91D0]  }
0x1e4: {  	v44 =	vld [tilespmem:s6+$0x9180]  }
0x1e5: {  	v45 =	vld [tilespmem:s6+$0x9190]  }
0x1e6: {  	v46 =	vld [tilespmem:s6+$0x91A0]  }
0x1e7: {  	v47 =	vld [tilespmem:s6+$0x91B0]  }
0x1e8: {  	v48 =	vld [tilespmem:s6+$0x91E0]  }
0x1e9: {  	v49 =	vld [tilespmem:s6+$0x91F0]  }
0x1ea: {  	v50 =	vld [tilespmem:s6+$0x95A0]  }
0x1eb: {  	v38 =	vadd.f32 v44, v38;
	v42 =	vadd.f32 v45, v42;
	v44 =	vld [tilespmem:s6+$0x95B0]  }
0x1ec: {  	v39 =	vadd.f32 v46, v39;
	v40 =	vadd.f32 v47, v40;
	v45 =	vld [tilespmem:s6+$0x95E0]  }
0x1ed: {  	s8 =	sshrl.u32 s7, $0x3;
	v38 =	vadd.f32 v41, v38;
	v41 =	vadd.f32 v43, v42;
	v42 =	vld [tilespmem:s6+$0x95F0]  }
0x1ee: {  	s8 =	smul.u32 $0x3000, s8;
	v39 =	vadd.f32 v48, v39;
	v40 =	vadd.f32 v49, v40;
	v43 =	vld [tilespmem:s6+$0x99A0]  }
0x1ef: {  	s1 =	sadd.s32 $0x80, s1;
	v36 =	vadd.f32 v36, v38;
	v37 =	vadd.f32 v37, v41;
	v38 =	vld [tilespmem:s6+$0x99B0]  }
0x1f0: {  	s9 =	sand.u32 $0x380, s1;
	s8 =	sshra.s32 s8, $0x2;
	v39 =	vadd.f32 v50, v39;
	v40 =	vadd.f32 v44, v40;
	v41 =	vld [tilespmem:s6+$0x99E0]  }
0x1f1: {  	v34 =	vadd.f32 v34, v36;
	v35 =	vadd.f32 v35, v37;
	v36 =	vld [tilespmem:s6+$0x99F0];
	s6 =	sor.u32 s9, s8  }
0x1f2: {  	v39 =	vadd.f32 v45, v39;
	v37 =	vld [tilespmem:s6+$0x99C0];
	v40 =	vadd.f32 v42, v40  }
0x1f3: {  	v34 =	vadd.f32 v32, v34;
	v35 =	vadd.f32 v33, v35;
	v44 =	vld [tilespmem:s6+$0x99D0]  }
0x1f4: {  	v39 =	vadd.f32 v43, v39;
	v32 =	vld [tilespmem:s6+$0x9980];
	v40 =	vadd.f32 v38, v40  }
0x1f5: {  	v38 =	vadd.f32 v30, v34;
	v42 =	vadd.f32 v31, v35;
	v33 =	vld [tilespmem:s6+$0x9990]  }
.Ltmp1:
0x1f6: {  	v39 =	vadd.f32 v41, v39;
	v34 =	vld [tilespmem:s6+$0x95C0];
	v40 =	vadd.f32 v36, v40;
	(pc) =	sbr.rel @p0 .LBB2_5-.Ltmp1, $4  }
0x1f7: {  	v35 =	vld [tilespmem:s6+$0x95D0];
	v30 =	vmov v37  }
0x1f8: {  	v36 =	vld [tilespmem:s6+$0x9580];
	v31 =	vmov v44  }
0x1f9: {  	v37 =	vld [tilespmem:s6+$0x9590]  }
0x1fa: {  	s7 =	sadd.s32 $0x1, s7;
	v41 =	vld [tilespmem:s6+$0x91C0]  }
0x1fb: {  	v43 =	vld [tilespmem:s6+$0x91D0]  }
0x1fc: {  	v44 =	vld [tilespmem:s6+$0x9180]  }
0x1fd: {  	v45 =	vld [tilespmem:s6+$0x9190]  }
0x1fe: {  	v46 =	vld [tilespmem:s6+$0x91A0]  }
0x1ff: {  	v47 =	vld [tilespmem:s6+$0x91B0]  }
0x200: {  	v48 =	vld [tilespmem:s6+$0x91E0]  }
0x201: {  	v49 =	vld [tilespmem:s6+$0x91F0]  }
0x202: {  	v50 =	vld [tilespmem:s6+$0x95A0]  }
0x203: {  	v61 =	vld [tilespmem:s6+$0x95B0];
	v38 =	vadd.f32 v44, v38;
	v42 =	vadd.f32 v45, v42  }
0x204: {  	v62 =	vld [tilespmem:s6+$0x95E0];
	v39 =	vadd.f32 v46, v39;
	v40 =	vadd.f32 v47, v40  }
0x205: {  	v46 =	vld [tilespmem:s6+$0x95F0];
	v38 =	vadd.f32 v41, v38;
	v63 =	vadd.f32 v43, v42  }
0x206: {  	v47 =	vld [tilespmem:s6+$0x99A0];
	v39 =	vadd.f32 v48, v39;
	v40 =	vadd.f32 v49, v40  }
0x207: {  	v48 =	vld [tilespmem:s6+$0x99B0];
	v36 =	vadd.f32 v36, v38;
	v37 =	vadd.f32 v37, v63  }
0x208: {  	v49 =	vld [tilespmem:s6+$0x99E0];
	v39 =	vadd.f32 v50, v39;
	v40 =	vadd.f32 v61, v40  }
0x209: {  	v50 =	vld [tilespmem:s6+$0x99F0];
	v34 =	vadd.f32 v34, v36;
	v35 =	vadd.f32 v35, v37  }
0x20a: {  	v51 =	vadd.f32 v62, v39;
	v52 =	vadd.f32 v46, v40  }
0x20b: {  	s1 =	sadd.s32 $0x100, s0;
	s8 =	sshrl.u32 s31, $0x1;
	v32 =	vadd.f32 v32, v34;
	v33 =	vadd.f32 v33, v35  }
0x20c: {  	s7 =	sand.u32 $0x1, s31;
	s1 =	sand.u32 $0x3E00, s1;
	s6 =	sadd.s32 s4, s8;
	v53 =	vadd.f32 v47, v51;
	v54 =	vadd.f32 v48, v52  }
0x20d: {  	p0 =	seq.s32 s7, $0x1;
	s7 =	simm.s32 $0xC0;
	s6 =	smul.u32 $0x180, s6;
	v30 =	vadd.f32 v30, v32;
	v31 =	vadd.f32 v31, v33  }
0x20e: {  	s1 =	sshrl.u32 s1, $0x2;
	s7 =	simm.s32 @!p0 $0x0;
	v55 =	vadd.f32 v49, v53;
	v56 =	vadd.f32 v50, v54  }
0x20f: {  	v57 =	vld [tilespmem:s1+$0x1B180];
	s6 =	sadd.s32 s7, s6  }
0x210: {  	s7 =	sadd.s32 $0x300, s6;
	v30 =	vadd.f32 v31, v30;
	v31 =	vadd.f32 v56, v55  }
0x211: {  	v58 =	vor.u32 s7, v0  }
0x212: {  	v30 =	vadd.f32 v31, v30;
	v31 =	vshrl.u32 v58, $0x3  }
0x213: {  	v31 =	vmul.u32 $0x18, v31  }
0x214: {  	v30 =	vadd.f32 v57, v30  }
0x215: {  	v31 =	vor.u32 v12, v31  }
0x216: {  	s9 =	sadd.s32 $0x320, s6;
	[tilespmem:s1+$0x1B180] =	vst v30;
	v30 =	vperm.xlane v31, v17  }
0x217: {  	v59 =	vor.u32 s9, v0;
	s7 =	sadd.s32 $0x340, s6;
	[tilespmem:$0x80] =	vst v58  }
0x218: {  	s8 =	sadd.s32 $0x360, s6;
	v60 =	vor.u32 s7, v0;
	[tilespmem:$0x90] =	vst v59;
	v30 =	vadd.s32 v19, v30  }
0x219: {  	v61 =	vor.u32 s8, v0;
	s9 =	sadd.s32 $0x380, s6;
	[tilespmem:$0xA0] =	vst v60  }
0x21a: {  	v62 =	vor.u32 s9, v0;
	s7 =	sadd.s32 $0x3A0, s6;
	v31 =	vperm.xlane v31, v20;
	[tilespmem:$0xB0] =	vst v61  }
0x21b: {  	v63 =	vor.u32 s7, v0;
	[tilespmem:$0xC0] =	vst v62  }
0x21c: {  	s8 =	simm.s32 $0x9180;
	s1 =	simm.s32 $0x0;
	[tilespmem:$0xD0] =	vst v63;
	v31 =	vadd.s32 v19, v31  }
0x21d: {  	[tilespmem:s8], [sflag:$0x2] =	stream.indirect_vreg.gather [hbm4b:s2+s1], $0x80, v30, vm0, $0xb8;
	[tilespmem:$0x1B980] =	vst v63  }
0x21e: {  	s9 =	simm.s32 $0x9980  }
0x21f: {  	[tilespmem:s9], [sflag:$0x2] =	stream.indirect_vreg.gather [hbm4b:s5+s1], $0x80, v30, vm1, $0xb8;
	[tilespmem:$0x1B980] =	vst v63  }
0x220: {  	s7 =	simm.s32 $0x9D80  }
0x221: {  	[tilespmem:s7], [sflag:$0x2] =	stream.indirect_vreg.gather [hbm4b:s2+s1], $0x80, v31, vm0, $0xb8;
	[tilespmem:$0x1B980] =	vst v63  }
0x222: {  	s8 =	simm.s32 $0xA580  }
0x223: {  	[tilespmem:s8], [sflag:$0x2] =	stream.indirect_vreg.gather [hbm4b:s5+s1], $0x80, v31, vm1, $0xb8;
	[tilespmem:$0x1B980] =	vst v63  }
0x224: {  	v30 =	vld [tilespmem:$0x90];
	_ =	sdelay $0x4  }
0x225: {  	v31 =	vshrl.u32 v30, $0x3  }
0x226: {  	v31 =	vmul.u32 $0x18, v31  }
0x227: {  	v30 =	vand.u32 $0x7, v30  }
0x228: {  	v30 =	vor.u32 v30, v31  }
0x229: {  	v31 =	vperm.xlane v30, v17;
	_ =	sdelay $0x1  }
0x22a: {  	v31 =	vadd.s32 v19, v31;
	_ =	sdelay $0x1  }
0x22b: {  	v30 =	vperm.xlane v30, v20;
	_ =	sdelay $0x1  }
0x22c: {  	s9 =	simm.s32 $0xA980;
	v30 =	vadd.s32 v19, v30  }
0x22d: {  	[tilespmem:s9], [sflag:$0x2] =	stream.indirect_vreg.gather [hbm4b:s2+s1], $0x80, v31, vm0, $0xb8;
	[tilespmem:$0x1B980] =	vst v63  }
0x22e: {  	s7 =	simm.s32 $0xB180  }
0x22f: {  	[tilespmem:s7], [sflag:$0x2] =	stream.indirect_vreg.gather [hbm4b:s5+s1], $0x80, v31, vm1, $0xb8;
	[tilespmem:$0x1B980] =	vst v63  }
0x230: {  	s8 =	simm.s32 $0xB580  }
0x231: {  	[tilespmem:s8], [sflag:$0x2] =	stream.indirect_vreg.gather [hbm4b:s2+s1], $0x80, v30, vm0, $0xb8;
	[tilespmem:$0x1B980] =	vst v63  }
0x232: {  	s9 =	simm.s32 $0xBD80  }
0x233: {  	[tilespmem:s9], [sflag:$0x2] =	stream.indirect_vreg.gather [hbm4b:s5+s1], $0x80, v30, vm1, $0xb8;
	[tilespmem:$0x1B980] =	vst v63  }
0x234: {  	v30 =	vld [tilespmem:$0xA0];
	_ =	sdelay $0x4  }
0x235: {  	v31 =	vshrl.u32 v30, $0x3  }
0x236: {  	v31 =	vmul.u32 $0x18, v31  }
0x237: {  	v30 =	vand.u32 $0x7, v30  }
0x238: {  	v30 =	vor.u32 v30, v31  }
0x239: {  	v31 =	vperm.xlane v30, v17;
	_ =	sdelay $0x1  }
0x23a: {  	v31 =	vadd.s32 v19, v31;
	_ =	sdelay $0x1  }
0x23b: {  	v30 =	vperm.xlane v30, v20;
	_ =	sdelay $0x1  }
0x23c: {  	s7 =	simm.s32 $0xC180;
	v30 =	vadd.s32 v19, v30  }
0x23d: {  	[tilespmem:s7], [sflag:$0x2] =	stream.indirect_vreg.gather [hbm4b:s2+s1], $0x80, v31, vm0, $0xb8;
	[tilespmem:$0x1B980] =	vst v63  }
0x23e: {  	s8 =	simm.s32 $0xC980  }
0x23f: {  	[tilespmem:s8], [sflag:$0x2] =	stream.indirect_vreg.gather [hbm4b:s5+s1], $0x80, v31, vm1, $0xb8;
	[tilespmem:$0x1B980] =	vst v63  }
0x240: {  	s9 =	simm.s32 $0xCD80  }
0x241: {  	[tilespmem:s9], [sflag:$0x2] =	stream.indirect_vreg.gather [hbm4b:s2+s1], $0x80, v30, vm0, $0xb8;
	[tilespmem:$0x1B980] =	vst v63  }
0x242: {  	s7 =	simm.s32 $0xD580  }
0x243: {  	[tilespmem:s7], [sflag:$0x2] =	stream.indirect_vreg.gather [hbm4b:s5+s1], $0x80, v30, vm1, $0xb8;
	[tilespmem:$0x1B980] =	vst v63  }
0x244: {  	v30 =	vld [tilespmem:$0xB0];
	_ =	sdelay $0x4  }
0x245: {  	v31 =	vshrl.u32 v30, $0x3  }
0x246: {  	v31 =	vmul.u32 $0x18, v31  }
0x247: {  	v30 =	vand.u32 $0x7, v30  }
0x248: {  	v30 =	vor.u32 v30, v31  }
0x249: {  	v31 =	vperm.xlane v30, v17;
	_ =	sdelay $0x1  }
0x24a: {  	v31 =	vadd.s32 v19, v31;
	_ =	sdelay $0x1  }
0x24b: {  	v30 =	vperm.xlane v30, v20;
	_ =	sdelay $0x1  }
0x24c: {  	s8 =	simm.s32 $0xD980;
	v30 =	vadd.s32 v19, v30  }
0x24d: {  	[tilespmem:s8], [sflag:$0x2] =	stream.indirect_vreg.gather [hbm4b:s2+s1], $0x80, v31, vm0, $0xb8;
	[tilespmem:$0x1B980] =	vst v63  }
0x24e: {  	s9 =	simm.s32 $0xE180  }
0x24f: {  	[tilespmem:s9], [sflag:$0x2] =	stream.indirect_vreg.gather [hbm4b:s5+s1], $0x80, v31, vm1, $0xb8;
	[tilespmem:$0x1B980] =	vst v63  }
0x250: {  	s7 =	simm.s32 $0xE580  }
0x251: {  	[tilespmem:s7], [sflag:$0x2] =	stream.indirect_vreg.gather [hbm4b:s2+s1], $0x80, v30, vm0, $0xb8;
	[tilespmem:$0x1B980] =	vst v63  }
0x252: {  	s8 =	simm.s32 $0xED80  }
0x253: {  	[tilespmem:s8], [sflag:$0x2] =	stream.indirect_vreg.gather [hbm4b:s5+s1], $0x80, v30, vm1, $0xb8;
	[tilespmem:$0x1B980] =	vst v63  }
0x254: {  	v30 =	vld [tilespmem:$0xC0];
	_ =	sdelay $0x4  }
0x255: {  	v31 =	vshrl.u32 v30, $0x3  }
0x256: {  	v31 =	vmul.u32 $0x18, v31  }
0x257: {  	v30 =	vand.u32 $0x7, v30  }
0x258: {  	v30 =	vor.u32 v30, v31  }
0x259: {  	v31 =	vperm.xlane v30, v17;
	_ =	sdelay $0x1  }
0x25a: {  	v31 =	vadd.s32 v19, v31;
	_ =	sdelay $0x1  }
0x25b: {  	v30 =	vperm.xlane v30, v20;
	_ =	sdelay $0x1  }
0x25c: {  	s9 =	simm.s32 $0xF180;
	v30 =	vadd.s32 v19, v30  }
0x25d: {  	[tilespmem:s9], [sflag:$0x2] =	stream.indirect_vreg.gather [hbm4b:s2+s1], $0x80, v31, vm0, $0xb8;
	[tilespmem:$0x1B980] =	vst v63  }
0x25e: {  	s7 =	simm.s32 $0xF980  }
0x25f: {  	[tilespmem:s7], [sflag:$0x2] =	stream.indirect_vreg.gather [hbm4b:s5+s1], $0x80, v31, vm1, $0xb8;
	[tilespmem:$0x1B980] =	vst v63  }
0x260: {  	s8 =	simm.s32 $0xFD80  }
0x261: {  	[tilespmem:s8], [sflag:$0x2] =	stream.indirect_vreg.gather [hbm4b:s2+s1], $0x80, v30, vm0, $0xb8;
	[tilespmem:$0x1B980] =	vst v63  }
0x262: {  	s9 =	simm.s32 $0x10580  }
0x263: {  	[tilespmem:s9], [sflag:$0x2] =	stream.indirect_vreg.gather [hbm4b:s5+s1], $0x80, v30, vm1, $0xb8;
	[tilespmem:$0x1B980] =	vst v63  }
0x264: {  	v30 =	vld [tilespmem:$0xD0];
	_ =	sdelay $0x4  }
0x265: {  	v31 =	vshrl.u32 v30, $0x3  }
0x266: {  	v31 =	vmul.u32 $0x18, v31  }
0x267: {  	v30 =	vand.u32 $0x7, v30  }
0x268: {  	v30 =	vor.u32 v30, v31  }
0x269: {  	v31 =	vperm.xlane v30, v17;
	_ =	sdelay $0x1  }
0x26a: {  	v31 =	vadd.s32 v19, v31;
	_ =	sdelay $0x1  }
0x26b: {  	v30 =	vperm.xlane v30, v20;
	_ =	sdelay $0x1  }
0x26c: {  	s7 =	simm.s32 $0x10980;
	v30 =	vadd.s32 v19, v30  }
0x26d: {  	[tilespmem:s7], [sflag:$0x2] =	stream.indirect_vreg.gather [hbm4b:s2+s1], $0x80, v31, vm0, $0xb8;
	[tilespmem:$0x1B980] =	vst v63  }
0x26e: {  	s8 =	simm.s32 $0x11180  }
0x26f: {  	[tilespmem:s8], [sflag:$0x2] =	stream.indirect_vreg.gather [hbm4b:s5+s1], $0x80, v31, vm1, $0xb8;
	[tilespmem:$0x1B980] =	vst v63  }
0x270: {  	s9 =	simm.s32 $0x11580;
	s8 =	simm.s32 $0x0  }
0x271: {  	[tilespmem:s9], [sflag:$0x2] =	stream.indirect_vreg.gather [hbm4b:s2+s1], $0x80, v30, vm0, $0xb8;
	[tilespmem:$0x1B980] =	vst v63  }
0x272: {  	s7 =	simm.s32 $0x11D80;
	s6 =	smul.u32 $0x3000, s8  }
0x273: {  	[tilespmem:s7], [sflag:$0x2] =	stream.indirect_vreg.gather [hbm4b:s5+s1], $0x80, v30, vm1, $0xb8;
	[tilespmem:$0x1B980] =	vst v63  }
0x274: {  	_ =	swait.ge [sflag:s29], $0x9000  }
0x275: {  	s9 =	sand.u32 $0x380, s1;
	s6 =	sshra.s32 s6, $0x2;
	[sflag:s29] =	ssyncset.done $0x0  }
0x276: {  	s9 =	sor.u32 s9, s6;
	[sflag:s29] =	ssyncadd.s32 $0xFFFF7000  }
0x277: {  	v32 =	vld [tilespmem:s9+$0x12980]  }
0x278: {  	v34 =	vld [tilespmem:s9+$0x12580]  }
0x279: {  	s6 =	sadd.s32 $0x12980, s9;
	v37 =	vld [tilespmem:s9+$0x12180]  }
0x27a: {  	v30 =	vld [tilespmem:s6+$0x40]  }
0x27b: {  	v31 =	vld [tilespmem:s6+$0x50]  }
0x27c: {  	s8 =	sadd.s32 $0x12580, s9;
	v33 =	vld [tilespmem:s6+$0x10]  }
0x27d: {  	v41 =	vimm.f32 $0.0e+00;
	v35 =	vld [tilespmem:s8+$0x40]  }
0x27e: {  	v38 =	vimm.f32 $0.0e+00;
	v39 =	vimm.f32 $0.0e+00;
	v40 =	vimm.f32 $0.0e+00;
	s7 =	simm.s32 $0x1;
	v36 =	vld [tilespmem:s8+$0x50]  }
.LBB2_7:
0x27f: {  	p0 =	sne.s32 s7, $0x5F;
	s9 =	sadd.s32 $0x12180, s9;
	v42 =	vld [tilespmem:s8+$0x10]  }
0x280: {  	v43 =	vld [tilespmem:s9+$0x40]  }
0x281: {  	v44 =	vld [tilespmem:s9+$0x50]  }
0x282: {  	v45 =	vld [tilespmem:s9+$0x10]  }
0x283: {  	v46 =	vld [tilespmem:s9+$0x20]  }
0x284: {  	v47 =	vld [tilespmem:s9+$0x30]  }
0x285: {  	v48 =	vld [tilespmem:s9+$0x60]  }
0x286: {  	v49 =	vld [tilespmem:s9+$0x70]  }
0x287: {  	v50 =	vld [tilespmem:s8+$0x20]  }
0x288: {  	v37 =	vadd.f32 v37, v38;
	v38 =	vadd.f32 v45, v41;
	v41 =	vld [tilespmem:s8+$0x30]  }
0x289: {  	v39 =	vadd.f32 v46, v39;
	v40 =	vadd.f32 v47, v40;
	v45 =	vld [tilespmem:s8+$0x60]  }
0x28a: {  	v37 =	vadd.f32 v43, v37;
	s9 =	sshrl.u32 s7, $0x3;
	v38 =	vadd.f32 v44, v38;
	v43 =	vld [tilespmem:s8+$0x70]  }
0x28b: {  	s8 =	smul.u32 $0x3000, s9;
	v39 =	vadd.f32 v48, v39;
	v40 =	vadd.f32 v49, v40;
	v44 =	vld [tilespmem:s6+$0x20]  }
0x28c: {  	s1 =	sadd.s32 $0x80, s1;
	v34 =	vadd.f32 v34, v37;
	v37 =	vadd.f32 v42, v38;
	v38 =	vld [tilespmem:s6+$0x30]  }
0x28d: {  	s9 =	sand.u32 $0x380, s1;
	s8 =	sshra.s32 s8, $0x2;
	v39 =	vadd.f32 v50, v39;
	v40 =	vadd.f32 v41, v40;
	v42 =	vld [tilespmem:s6+$0x60]  }
0x28e: {  	v35 =	vadd.f32 v35, v34;
	s9 =	sor.u32 s9, s8;
	v36 =	vadd.f32 v36, v37;
	v46 =	vld [tilespmem:s6+$0x70]  }
0x28f: {  	v39 =	vadd.f32 v45, v39;
	v47 =	vld [tilespmem:s9+$0x12980];
	v40 =	vadd.f32 v43, v40  }
0x290: {  	v32 =	vadd.f32 v32, v35;
	v33 =	vadd.f32 v33, v36;
	v34 =	vld [tilespmem:s9+$0x12580]  }
0x291: {  	s6 =	sadd.s32 $0x12980, s9;
	v35 =	vadd.f32 v44, v39;
	v37 =	vld [tilespmem:s9+$0x12180];
	v36 =	vadd.f32 v38, v40  }
.Ltmp2:
0x292: {  	v38 =	vadd.f32 v30, v32;
	v41 =	vadd.f32 v31, v33;
	v30 =	vld [tilespmem:s6+$0x40];
	(pc) =	sbr.rel @p0 .LBB2_7-.Ltmp2, $4  }
0x293: {  	v39 =	vadd.f32 v42, v35;
	v31 =	vld [tilespmem:s6+$0x50];
	v40 =	vadd.f32 v46, v36  }
0x294: {  	s8 =	sadd.s32 $0x12580, s9;
	v33 =	vld [tilespmem:s6+$0x10];
	v32 =	vmov v47  }
0x295: {  	v35 =	vld [tilespmem:s8+$0x40]  }
0x296: {  	s7 =	sadd.s32 $0x1, s7;
	v36 =	vld [tilespmem:s8+$0x50]  }
0x297: {  	s1 =	sadd.s32 $0x12180, s9;
	v49 =	vld [tilespmem:s8+$0x10]  }
0x298: {  	v42 =	vld [tilespmem:s1+$0x40]  }
0x299: {  	v43 =	vld [tilespmem:s1+$0x50]  }
0x29a: {  	v44 =	vld [tilespmem:s1+$0x10]  }
0x29b: {  	v45 =	vld [tilespmem:s1+$0x20]  }
0x29c: {  	v46 =	vld [tilespmem:s1+$0x30]  }
0x29d: {  	v47 =	vld [tilespmem:s1+$0x60]  }
0x29e: {  	v48 =	vld [tilespmem:s1+$0x70]  }
0x29f: {  	v50 =	vld [tilespmem:s8+$0x20]  }
0x2a0: {  	v37 =	vadd.f32 v37, v38;
	v60 =	vld [tilespmem:s8+$0x30];
	v59 =	vadd.f32 v44, v41  }
0x2a1: {  	v61 =	vld [tilespmem:s8+$0x60];
	v39 =	vadd.f32 v45, v39;
	v40 =	vadd.f32 v46, v40  }
0x2a2: {  	v62 =	vld [tilespmem:s8+$0x70];
	v37 =	vadd.f32 v42, v37;
	v38 =	vadd.f32 v43, v59  }
0x2a3: {  	v63 =	vld [tilespmem:s6+$0x20];
	v39 =	vadd.f32 v47, v39;
	v40 =	vadd.f32 v48, v40  }
0x2a4: {  	v34 =	vadd.f32 v34, v37;
	v47 =	vld [tilespmem:s6+$0x30];
	v46 =	vadd.f32 v49, v38  }
0x2a5: {  	v48 =	vld [tilespmem:s6+$0x60];
	v39 =	vadd.f32 v50, v39;
	v40 =	vadd.f32 v60, v40  }
0x2a6: {  	v34 =	vadd.f32 v35, v34;
	v50 =	vld [tilespmem:s6+$0x70];
	v49 =	vadd.f32 v36, v46  }
0x2a7: {  	v51 =	vadd.f32 v61, v39;
	v52 =	vadd.f32 v62, v40  }
0x2a8: {  	s0 =	sadd.s32 $0x200, s0;
	s7 =	sadd.s32 $0x5, s31;
	v32 =	vadd.f32 v32, v34;
	v33 =	vadd.f32 v33, v49  }
0x2a9: {  	s0 =	sand.u32 $0x3E00, s0;
	s8 =	sshrl.u32 s7, $0x1;
	v53 =	vadd.f32 v63, v51;
	v54 =	vadd.f32 v47, v52  }
0x2aa: {  	s1 =	sand.u32 $0x1, s7;
	s0 =	sshrl.u32 s0, $0x2;
	s6 =	sadd.s32 s4, s8;
	v30 =	vadd.f32 v30, v32;
	v31 =	vadd.f32 v31, v33  }
0x2ab: {  	p0 =	seq.s32 s1, $0x1;
	s1 =	simm.s32 $0xC0;
	s6 =	smul.u32 $0x180, s6;
	v55 =	vadd.f32 v48, v53;
	v56 =	vadd.f32 v50, v54  }
0x2ac: {  	v57 =	vld [tilespmem:s0+$0x1B180];
	s1 =	simm.s32 @!p0 $0x0  }
0x2ad: {  	s1 =	sadd.s32 s1, s6;
	v30 =	vadd.f32 v31, v30;
	v31 =	vadd.f32 v56, v55  }
0x2ae: {  	v58 =	vor.u32 s1, v0  }
0x2af: {  	v30 =	vadd.f32 v31, v30;
	v31 =	vshrl.u32 v58, $0x3  }
0x2b0: {  	v31 =	vmul.u32 $0x18, v31  }
0x2b1: {  	v30 =	vadd.f32 v57, v30  }
0x2b2: {  	v31 =	vor.u32 v12, v31  }
0x2b3: {  	s9 =	sor.u32 $0x20, s1;
	[tilespmem:s0+$0x1B180] =	vst v30;
	v30 =	vperm.xlane v31, v17  }
0x2b4: {  	s31 =	sadd.s32 $0x40, s1;
	v59 =	vor.u32 s9, v0;
	[tilespmem:$0x100] =	vst v58  }
0x2b5: {  	s6 =	sadd.s32 $0x60, s1;
	v60 =	vor.u32 s31, v0;
	[tilespmem:$0x110] =	vst v59;
	v30 =	vadd.s32 v19, v30  }
0x2b6: {  	s7 =	sadd.s32 $0x80, s1;
	v61 =	vor.u32 s6, v0;
	[tilespmem:$0x120] =	vst v60  }
0x2b7: {  	s8 =	sadd.s32 $0xA0, s1;
	v62 =	vor.u32 s7, v0;
	v31 =	vperm.xlane v31, v20;
	[tilespmem:$0x130] =	vst v61  }
0x2b8: {  	v63 =	vor.u32 s8, v0;
	[tilespmem:$0x140] =	vst v62  }
0x2b9: {  	s9 =	simm.s32 $0x12180;
	[tilespmem:$0x150] =	vst v63;
	v31 =	vadd.s32 v19, v31  }
0x2ba: {  	[tilespmem:s9], [sflag:$0x3] =	stream.indirect_vreg.gather [hbm4b:s2+s3], $0x80, v30, vm0, $0xb8;
	[tilespmem:$0x1B980] =	vst v63  }
0x2bb: {  	s31 =	simm.s32 $0x12980  }
0x2bc: {  	[tilespmem:s31], [sflag:$0x3] =	stream.indirect_vreg.gather [hbm4b:s5+s3], $0x80, v30, vm1, $0xb8;
	[tilespmem:$0x1B980] =	vst v63  }
0x2bd: {  	s1 =	simm.s32 $0x12D80  }
0x2be: {  	[tilespmem:s1], [sflag:$0x3] =	stream.indirect_vreg.gather [hbm4b:s2+s3], $0x80, v31, vm0, $0xb8;
	[tilespmem:$0x1B980] =	vst v63  }
0x2bf: {  	s6 =	simm.s32 $0x13580  }
0x2c0: {  	[tilespmem:s6], [sflag:$0x3] =	stream.indirect_vreg.gather [hbm4b:s5+s3], $0x80, v31, vm1, $0xb8;
	[tilespmem:$0x1B980] =	vst v63  }
0x2c1: {  	v30 =	vld [tilespmem:$0x110];
	_ =	sdelay $0x4  }
0x2c2: {  	v31 =	vshrl.u32 v30, $0x3  }
0x2c3: {  	v31 =	vmul.u32 $0x18, v31  }
0x2c4: {  	v30 =	vand.u32 $0x7, v30  }
0x2c5: {  	v30 =	vor.u32 v30, v31  }
0x2c6: {  	v31 =	vperm.xlane v30, v17;
	_ =	sdelay $0x1  }
0x2c7: {  	v31 =	vadd.s32 v19, v31;
	_ =	sdelay $0x1  }
0x2c8: {  	v30 =	vperm.xlane v30, v20;
	_ =	sdelay $0x1  }
0x2c9: {  	s7 =	simm.s32 $0x13980;
	v30 =	vadd.s32 v19, v30  }
0x2ca: {  	[tilespmem:s7], [sflag:$0x3] =	stream.indirect_vreg.gather [hbm4b:s2+s3], $0x80, v31, vm0, $0xb8;
	[tilespmem:$0x1B980] =	vst v63  }
0x2cb: {  	s8 =	simm.s32 $0x14180  }
0x2cc: {  	[tilespmem:s8], [sflag:$0x3] =	stream.indirect_vreg.gather [hbm4b:s5+s3], $0x80, v31, vm1, $0xb8;
	[tilespmem:$0x1B980] =	vst v63  }
0x2cd: {  	s9 =	simm.s32 $0x14580  }
0x2ce: {  	[tilespmem:s9], [sflag:$0x3] =	stream.indirect_vreg.gather [hbm4b:s2+s3], $0x80, v30, vm0, $0xb8;
	[tilespmem:$0x1B980] =	vst v63  }
0x2cf: {  	s31 =	simm.s32 $0x14D80  }
0x2d0: {  	[tilespmem:s31], [sflag:$0x3] =	stream.indirect_vreg.gather [hbm4b:s5+s3], $0x80, v30, vm1, $0xb8;
	[tilespmem:$0x1B980] =	vst v63  }
0x2d1: {  	v30 =	vld [tilespmem:$0x120];
	_ =	sdelay $0x4  }
0x2d2: {  	v31 =	vshrl.u32 v30, $0x3  }
0x2d3: {  	v31 =	vmul.u32 $0x18, v31  }
0x2d4: {  	v30 =	vand.u32 $0x7, v30  }
0x2d5: {  	v30 =	vor.u32 v30, v31  }
0x2d6: {  	v31 =	vperm.xlane v30, v17;
	_ =	sdelay $0x1  }
0x2d7: {  	v31 =	vadd.s32 v19, v31;
	_ =	sdelay $0x1  }
0x2d8: {  	v30 =	vperm.xlane v30, v20;
	_ =	sdelay $0x1  }
0x2d9: {  	v30 =	vadd.s32 v19, v30  }
0x2da: {  	[tilespmem:s10], [sflag:$0x3] =	stream.indirect_vreg.gather [hbm4b:s2+s3], $0x80, v31, vm0, $0xb8;
	[tilespmem:$0x1B980] =	vst v63  }
0x2db: {  	_ = 	snop  }
0x2dc: {  	[tilespmem:s11], [sflag:$0x3] =	stream.indirect_vreg.gather [hbm4b:s5+s3], $0x80, v31, vm1, $0xb8;
	[tilespmem:$0x1B980] =	vst v63  }
0x2dd: {  	_ = 	snop  }
0x2de: {  	[tilespmem:s12], [sflag:$0x3] =	stream.indirect_vreg.gather [hbm4b:s2+s3], $0x80, v30, vm0, $0xb8;
	[tilespmem:$0x1B980] =	vst v63  }
0x2df: {  	_ = 	snop  }
0x2e0: {  	[tilespmem:s13], [sflag:$0x3] =	stream.indirect_vreg.gather [hbm4b:s5+s3], $0x80, v30, vm1, $0xb8;
	[tilespmem:$0x1B980] =	vst v63  }
0x2e1: {  	v30 =	vld [tilespmem:$0x130];
	_ =	sdelay $0x4  }
0x2e2: {  	v31 =	vshrl.u32 v30, $0x3  }
0x2e3: {  	v31 =	vmul.u32 $0x18, v31  }
0x2e4: {  	v30 =	vand.u32 $0x7, v30  }
0x2e5: {  	v30 =	vor.u32 v30, v31  }
0x2e6: {  	v31 =	vperm.xlane v30, v17;
	_ =	sdelay $0x1  }
0x2e7: {  	v31 =	vadd.s32 v19, v31;
	_ =	sdelay $0x1  }
0x2e8: {  	v30 =	vperm.xlane v30, v20;
	_ =	sdelay $0x1  }
0x2e9: {  	v30 =	vadd.s32 v19, v30  }
0x2ea: {  	[tilespmem:s14], [sflag:$0x3] =	stream.indirect_vreg.gather [hbm4b:s2+s3], $0x80, v31, vm0, $0xb8;
	[tilespmem:$0x1B980] =	vst v63  }
0x2eb: {  	_ = 	snop  }
0x2ec: {  	[tilespmem:s15], [sflag:$0x3] =	stream.indirect_vreg.gather [hbm4b:s5+s3], $0x80, v31, vm1, $0xb8;
	[tilespmem:$0x1B980] =	vst v63  }
0x2ed: {  	_ = 	snop  }
0x2ee: {  	[tilespmem:s16], [sflag:$0x3] =	stream.indirect_vreg.gather [hbm4b:s2+s3], $0x80, v30, vm0, $0xb8;
	[tilespmem:$0x1B980] =	vst v63  }
0x2ef: {  	_ = 	snop  }
0x2f0: {  	[tilespmem:s17], [sflag:$0x3] =	stream.indirect_vreg.gather [hbm4b:s5+s3], $0x80, v30, vm1, $0xb8;
	[tilespmem:$0x1B980] =	vst v63  }
0x2f1: {  	v30 =	vld [tilespmem:$0x140];
	_ =	sdelay $0x4  }
0x2f2: {  	v31 =	vshrl.u32 v30, $0x3  }
0x2f3: {  	v31 =	vmul.u32 $0x18, v31  }
0x2f4: {  	v30 =	vand.u32 $0x7, v30  }
0x2f5: {  	v30 =	vor.u32 v30, v31  }
0x2f6: {  	v31 =	vperm.xlane v30, v17;
	_ =	sdelay $0x1  }
0x2f7: {  	v31 =	vadd.s32 v19, v31;
	_ =	sdelay $0x1  }
0x2f8: {  	v30 =	vperm.xlane v30, v20;
	_ =	sdelay $0x1  }
0x2f9: {  	v30 =	vadd.s32 v19, v30  }
0x2fa: {  	[tilespmem:s18], [sflag:$0x3] =	stream.indirect_vreg.gather [hbm4b:s2+s3], $0x80, v31, vm0, $0xb8;
	[tilespmem:$0x1B980] =	vst v63  }
0x2fb: {  	_ = 	snop  }
0x2fc: {  	[tilespmem:s19], [sflag:$0x3] =	stream.indirect_vreg.gather [hbm4b:s5+s3], $0x80, v31, vm1, $0xb8;
	[tilespmem:$0x1B980] =	vst v63  }
0x2fd: {  	_ = 	snop  }
0x2fe: {  	[tilespmem:s20], [sflag:$0x3] =	stream.indirect_vreg.gather [hbm4b:s2+s3], $0x80, v30, vm0, $0xb8;
	[tilespmem:$0x1B980] =	vst v63  }
0x2ff: {  	_ = 	snop  }
0x300: {  	[tilespmem:s21], [sflag:$0x3] =	stream.indirect_vreg.gather [hbm4b:s5+s3], $0x80, v30, vm1, $0xb8;
	[tilespmem:$0x1B980] =	vst v63  }
0x301: {  	v30 =	vld [tilespmem:$0x150];
	_ =	sdelay $0x4  }
0x302: {  	v31 =	vshrl.u32 v30, $0x3  }
0x303: {  	v31 =	vmul.u32 $0x18, v31  }
0x304: {  	v30 =	vand.u32 $0x7, v30  }
0x305: {  	v30 =	vor.u32 v30, v31  }
0x306: {  	v31 =	vperm.xlane v30, v17;
	_ =	sdelay $0x1  }
0x307: {  	v31 =	vadd.s32 v19, v31;
	_ =	sdelay $0x2  }
0x308: {  	v30 =	vperm.xlane v30, v20  }
0x309: {  	s30 =	sadd.s32 $0x1, s30  }
0x30a: {  	v30 =	vadd.s32 v19, v30;
	[tilespmem:s22], [sflag:$0x3] =	stream.indirect_vreg.gather [hbm4b:s2+s3], $0x80, v31, vm0, $0xb8;
	[tilespmem:$0x1B980] =	vst v63  }
0x30b: {  	p0 =	sne.s32 s30, $0x7  }
0x30c: {  	[tilespmem:s23], [sflag:$0x3] =	stream.indirect_vreg.gather [hbm4b:s5+s3], $0x80, v31, vm1, $0xb8;
	[tilespmem:$0x1B980] =	vst v63  }
.Ltmp3:
0x30d: {  	_ = 	snop;
	(pc) =	sbr.rel @p0 .LBB2_2-.Ltmp3, $4  }
0x30e: {  	_ = 	snop  }
0x30f: {  	[tilespmem:s24], [sflag:$0x3] =	stream.indirect_vreg.gather [hbm4b:s2+s3], $0x80, v30, vm0, $0xb8;
	[tilespmem:$0x1B980] =	vst v63  }
0x310: {  	_ = 	snop  }
0x311: {  	[tilespmem:s25], [sflag:$0x3] =	stream.indirect_vreg.gather [hbm4b:s5+s3], $0x80, v30, vm1, $0xb8;
	[tilespmem:$0x1B980] =	vst v63  }
0x312: {  	s0 =	simm.s32 $0x0  }
0x313: {  	s0 =	smul.u32 $0x3000, s0  }
0x314: {  	_ =	swait.ge [sflag:s26], $0x9000;
	s1 =	simm.s32 $0x0  }
0x315: {  	[sflag:s26] =	ssyncset.done $0x0;
	s6 =	sand.u32 $0x380, s1;
	s0 =	sshra.s32 s0, $0x2  }
0x316: {  	[sflag:s26] =	ssyncadd.s32 $0xFFFF7000;
	s0 =	sor.u32 s6, s0  }
0x317: {  	v30 =	vld [tilespmem:s0+$0x9C0]  }
0x318: {  	v32 =	vld [tilespmem:s0+$0x9D0]  }
0x319: {  	v31 =	vld [tilespmem:s0+$0x980]  }
0x31a: {  	v33 =	vld [tilespmem:s0+$0x990]  }
0x31b: {  	v34 =	vld [tilespmem:s0+$0x5C0]  }
0x31c: {  	v35 =	vld [tilespmem:s0+$0x5D0]  }
0x31d: {  	v36 =	vld [tilespmem:s0+$0x580]  }
0x31e: {  	v38 =	vimm.f32 $0.0e+00;
	v37 =	vld [tilespmem:s0+$0x590]  }
0x31f: {  	v42 =	vimm.f32 $0.0e+00;
	v39 =	vimm.f32 $0.0e+00;
	v40 =	vimm.f32 $0.0e+00;
	s6 =	simm.s32 $0x1;
	v41 =	vld [tilespmem:s0+$0x1C0]  }
.LBB2_10:
0x320: {  	p0 =	sne.s32 s6, $0x5F;
	v43 =	vld [tilespmem:s0+$0x1D0]  }
0x321: {  	v44 =	vld [tilespmem:s0+$0x180]  }
0x322: {  	v45 =	vld [tilespmem:s0+$0x190]  }
0x323: {  	v46 =	vld [tilespmem:s0+$0x1A0]  }
0x324: {  	v47 =	vld [tilespmem:s0+$0x1B0]  }
0x325: {  	v48 =	vld [tilespmem:s0+$0x1E0]  }
0x326: {  	v49 =	vld [tilespmem:s0+$0x1F0]  }
0x327: {  	v50 =	vld [tilespmem:s0+$0x5A0]  }
0x328: {  	v38 =	vadd.f32 v44, v38;
	v42 =	vadd.f32 v45, v42;
	v44 =	vld [tilespmem:s0+$0x5B0]  }
0x329: {  	v39 =	vadd.f32 v46, v39;
	v40 =	vadd.f32 v47, v40;
	v45 =	vld [tilespmem:s0+$0x5E0]  }
0x32a: {  	s7 =	sshrl.u32 s6, $0x3;
	v38 =	vadd.f32 v41, v38;
	v41 =	vadd.f32 v43, v42;
	v42 =	vld [tilespmem:s0+$0x5F0]  }
0x32b: {  	s7 =	smul.u32 $0x3000, s7;
	v39 =	vadd.f32 v48, v39;
	v40 =	vadd.f32 v49, v40;
	v43 =	vld [tilespmem:s0+$0x9A0]  }
0x32c: {  	s1 =	sadd.s32 $0x80, s1;
	v36 =	vadd.f32 v36, v38;
	v37 =	vadd.f32 v37, v41;
	v38 =	vld [tilespmem:s0+$0x9B0]  }
0x32d: {  	s8 =	sand.u32 $0x380, s1;
	s7 =	sshra.s32 s7, $0x2;
	v39 =	vadd.f32 v50, v39;
	v40 =	vadd.f32 v44, v40;
	v41 =	vld [tilespmem:s0+$0x9E0]  }
0x32e: {  	v34 =	vadd.f32 v34, v36;
	v35 =	vadd.f32 v35, v37;
	v36 =	vld [tilespmem:s0+$0x9F0];
	s0 =	sor.u32 s8, s7  }
0x32f: {  	v39 =	vadd.f32 v45, v39;
	v37 =	vld [tilespmem:s0+$0x9C0];
	v40 =	vadd.f32 v42, v40  }
0x330: {  	v34 =	vadd.f32 v31, v34;
	v35 =	vadd.f32 v33, v35;
	v44 =	vld [tilespmem:s0+$0x9D0]  }
0x331: {  	v39 =	vadd.f32 v43, v39;
	v31 =	vld [tilespmem:s0+$0x980];
	v40 =	vadd.f32 v38, v40  }
0x332: {  	v38 =	vadd.f32 v30, v34;
	v42 =	vadd.f32 v32, v35;
	v33 =	vld [tilespmem:s0+$0x990]  }
.Ltmp4:
0x333: {  	v39 =	vadd.f32 v41, v39;
	v34 =	vld [tilespmem:s0+$0x5C0];
	v40 =	vadd.f32 v36, v40;
	(pc) =	sbr.rel @p0 .LBB2_10-.Ltmp4, $4  }
0x334: {  	v35 =	vld [tilespmem:s0+$0x5D0];
	v30 =	vmov v37  }
0x335: {  	v36 =	vld [tilespmem:s0+$0x580];
	v32 =	vmov v44  }
0x336: {  	v37 =	vld [tilespmem:s0+$0x590]  }
0x337: {  	s6 =	sadd.s32 $0x1, s6;
	v41 =	vld [tilespmem:s0+$0x1C0]  }
0x338: {  	v43 =	vld [tilespmem:s0+$0x1D0]  }
0x339: {  	v44 =	vld [tilespmem:s0+$0x180]  }
0x33a: {  	v45 =	vld [tilespmem:s0+$0x190]  }
0x33b: {  	v46 =	vld [tilespmem:s0+$0x1A0]  }
0x33c: {  	v47 =	vld [tilespmem:s0+$0x1B0]  }
0x33d: {  	v48 =	vld [tilespmem:s0+$0x1E0]  }
0x33e: {  	v49 =	vld [tilespmem:s0+$0x1F0]  }
0x33f: {  	v50 =	vld [tilespmem:s0+$0x5A0]  }
0x340: {  	v62 =	vld [tilespmem:s0+$0x5B0];
	v38 =	vadd.f32 v44, v38;
	v42 =	vadd.f32 v45, v42  }
0x341: {  	v63 =	vld [tilespmem:s0+$0x5E0];
	v39 =	vadd.f32 v46, v39;
	v40 =	vadd.f32 v47, v40  }
0x342: {  	v52 =	vld [tilespmem:s0+$0x5F0];
	v38 =	vadd.f32 v41, v38;
	v51 =	vadd.f32 v43, v42  }
0x343: {  	v53 =	vld [tilespmem:s0+$0x9A0];
	v39 =	vadd.f32 v48, v39;
	v40 =	vadd.f32 v49, v40  }
0x344: {  	v54 =	vld [tilespmem:s0+$0x9B0];
	v36 =	vadd.f32 v36, v38;
	v37 =	vadd.f32 v37, v51  }
0x345: {  	v55 =	vld [tilespmem:s0+$0x9E0];
	v39 =	vadd.f32 v50, v39;
	v40 =	vadd.f32 v62, v40  }
0x346: {  	v56 =	vld [tilespmem:s0+$0x9F0];
	v34 =	vadd.f32 v34, v36;
	v35 =	vadd.f32 v35, v37  }
0x347: {  	v57 =	vadd.f32 v63, v39;
	v58 =	vadd.f32 v52, v40  }
0x348: {  	v31 =	vadd.f32 v31, v34;
	v33 =	vadd.f32 v33, v35  }
0x349: {  	v59 =	vadd.f32 v53, v57;
	v60 =	vadd.f32 v54, v58  }
0x34a: {  	v30 =	vadd.f32 v30, v31;
	v31 =	vadd.f32 v32, v33  }
0x34b: {  	v61 =	vadd.f32 v55, v59;
	v62 =	vadd.f32 v56, v60  }
0x34c: {  	v63 =	vld [tilespmem:$0x1B680]  }
0x34d: {  	v30 =	vadd.f32 v31, v30;
	v31 =	vadd.f32 v62, v61;
	_ =	sdelay $0x1  }
0x34e: {  	v30 =	vadd.f32 v31, v30;
	_ =	sdelay $0x1  }
0x34f: {  	v30 =	vadd.f32 v63, v30  }
0x350: {  	s31 =	simm.s32 $0x0  }
0x351: {  	s0 =	smul.u32 $0x3000, s31;
	[tilespmem:$0x1B680] =	vst v30  }
0x352: {  	s1 =	simm.s32 $0x0;
	_ =	swait.ge [sflag:s28], $0x9000  }
0x353: {  	s6 =	sand.u32 $0x380, s1;
	s0 =	sshra.s32 s0, $0x2;
	[sflag:s28] =	ssyncset.done $0x0  }
0x354: {  	s0 =	sor.u32 s6, s0;
	[sflag:s28] =	ssyncadd.s32 $0xFFFF7000  }
0x355: {  	v30 =	vld [tilespmem:s0+$0x99C0]  }
0x356: {  	v32 =	vld [tilespmem:s0+$0x99D0]  }
0x357: {  	v31 =	vld [tilespmem:s0+$0x9980]  }
0x358: {  	v33 =	vld [tilespmem:s0+$0x9990]  }
0x359: {  	v34 =	vld [tilespmem:s0+$0x95C0]  }
0x35a: {  	v35 =	vld [tilespmem:s0+$0x95D0]  }
0x35b: {  	v36 =	vld [tilespmem:s0+$0x9580]  }
0x35c: {  	v42 =	vimm.f32 $0.0e+00;
	v37 =	vld [tilespmem:s0+$0x9590]  }
0x35d: {  	s6 =	simm.s32 $0x1;
	v38 =	vimm.f32 $0.0e+00;
	v39 =	vimm.f32 $0.0e+00;
	v40 =	vimm.f32 $0.0e+00;
	v41 =	vld [tilespmem:s0+$0x91C0]  }
.LBB2_12:
0x35e: {  	p0 =	sne.s32 s6, $0x5F;
	v43 =	vld [tilespmem:s0+$0x91D0]  }
0x35f: {  	v44 =	vld [tilespmem:s0+$0x9180]  }
0x360: {  	v45 =	vld [tilespmem:s0+$0x9190]  }
0x361: {  	v46 =	vld [tilespmem:s0+$0x91A0]  }
0x362: {  	v47 =	vld [tilespmem:s0+$0x91B0]  }
0x363: {  	v48 =	vld [tilespmem:s0+$0x91E0]  }
0x364: {  	v49 =	vld [tilespmem:s0+$0x91F0]  }
0x365: {  	v50 =	vld [tilespmem:s0+$0x95A0]  }
0x366: {  	v38 =	vadd.f32 v44, v38;
	v42 =	vadd.f32 v45, v42;
	v44 =	vld [tilespmem:s0+$0x95B0]  }
0x367: {  	v39 =	vadd.f32 v46, v39;
	v40 =	vadd.f32 v47, v40;
	v45 =	vld [tilespmem:s0+$0x95E0]  }
0x368: {  	s7 =	sshrl.u32 s6, $0x3;
	v38 =	vadd.f32 v41, v38;
	v41 =	vadd.f32 v43, v42;
	v42 =	vld [tilespmem:s0+$0x95F0]  }
0x369: {  	s7 =	smul.u32 $0x3000, s7;
	v39 =	vadd.f32 v48, v39;
	v40 =	vadd.f32 v49, v40;
	v43 =	vld [tilespmem:s0+$0x99A0]  }
0x36a: {  	s1 =	sadd.s32 $0x80, s1;
	v36 =	vadd.f32 v36, v38;
	v37 =	vadd.f32 v37, v41;
	v38 =	vld [tilespmem:s0+$0x99B0]  }
0x36b: {  	s8 =	sand.u32 $0x380, s1;
	s7 =	sshra.s32 s7, $0x2;
	v39 =	vadd.f32 v50, v39;
	v40 =	vadd.f32 v44, v40;
	v41 =	vld [tilespmem:s0+$0x99E0]  }
0x36c: {  	v34 =	vadd.f32 v34, v36;
	v35 =	vadd.f32 v35, v37;
	v36 =	vld [tilespmem:s0+$0x99F0];
	s0 =	sor.u32 s8, s7  }
0x36d: {  	v39 =	vadd.f32 v45, v39;
	v37 =	vld [tilespmem:s0+$0x99C0];
	v40 =	vadd.f32 v42, v40  }
0x36e: {  	v34 =	vadd.f32 v31, v34;
	v35 =	vadd.f32 v33, v35;
	v44 =	vld [tilespmem:s0+$0x99D0]  }
0x36f: {  	v39 =	vadd.f32 v43, v39;
	v31 =	vld [tilespmem:s0+$0x9980];
	v40 =	vadd.f32 v38, v40  }
0x370: {  	v38 =	vadd.f32 v30, v34;
	v42 =	vadd.f32 v32, v35;
	v33 =	vld [tilespmem:s0+$0x9990]  }
.Ltmp5:
0x371: {  	v39 =	vadd.f32 v41, v39;
	v34 =	vld [tilespmem:s0+$0x95C0];
	v40 =	vadd.f32 v36, v40;
	(pc) =	sbr.rel @p0 .LBB2_12-.Ltmp5, $4  }
0x372: {  	v35 =	vld [tilespmem:s0+$0x95D0];
	v30 =	vmov v37  }
0x373: {  	v36 =	vld [tilespmem:s0+$0x9580];
	v32 =	vmov v44  }
0x374: {  	v37 =	vld [tilespmem:s0+$0x9590]  }
0x375: {  	s6 =	sadd.s32 $0x1, s6;
	v41 =	vld [tilespmem:s0+$0x91C0]  }
0x376: {  	v43 =	vld [tilespmem:s0+$0x91D0]  }
0x377: {  	v44 =	vld [tilespmem:s0+$0x9180]  }
0x378: {  	v45 =	vld [tilespmem:s0+$0x9190]  }
0x379: {  	v46 =	vld [tilespmem:s0+$0x91A0]  }
0x37a: {  	v47 =	vld [tilespmem:s0+$0x91B0]  }
0x37b: {  	v48 =	vld [tilespmem:s0+$0x91E0]  }
0x37c: {  	v49 =	vld [tilespmem:s0+$0x91F0]  }
0x37d: {  	v50 =	vld [tilespmem:s0+$0x95A0]  }
0x37e: {  	v62 =	vld [tilespmem:s0+$0x95B0];
	v38 =	vadd.f32 v44, v38;
	v42 =	vadd.f32 v45, v42  }
0x37f: {  	v63 =	vld [tilespmem:s0+$0x95E0];
	v39 =	vadd.f32 v46, v39;
	v40 =	vadd.f32 v47, v40  }
0x380: {  	v52 =	vld [tilespmem:s0+$0x95F0];
	v38 =	vadd.f32 v41, v38;
	v51 =	vadd.f32 v43, v42  }
0x381: {  	v53 =	vld [tilespmem:s0+$0x99A0];
	v39 =	vadd.f32 v48, v39;
	v40 =	vadd.f32 v49, v40  }
0x382: {  	v54 =	vld [tilespmem:s0+$0x99B0];
	v36 =	vadd.f32 v36, v38;
	v37 =	vadd.f32 v37, v51  }
0x383: {  	v55 =	vld [tilespmem:s0+$0x99E0];
	v39 =	vadd.f32 v50, v39;
	v40 =	vadd.f32 v62, v40  }
0x384: {  	v56 =	vld [tilespmem:s0+$0x99F0];
	v34 =	vadd.f32 v34, v36;
	v35 =	vadd.f32 v35, v37  }
0x385: {  	v57 =	vadd.f32 v63, v39;
	v58 =	vadd.f32 v52, v40  }
0x386: {  	v31 =	vadd.f32 v31, v34;
	v33 =	vadd.f32 v33, v35  }
0x387: {  	v59 =	vadd.f32 v53, v57;
	v60 =	vadd.f32 v54, v58  }
0x388: {  	v30 =	vadd.f32 v30, v31;
	v31 =	vadd.f32 v32, v33  }
0x389: {  	v61 =	vadd.f32 v55, v59;
	v62 =	vadd.f32 v56, v60  }
0x38a: {  	v63 =	vld [tilespmem:$0x1B700]  }
0x38b: {  	v30 =	vadd.f32 v31, v30;
	v31 =	vadd.f32 v62, v61;
	_ =	sdelay $0x1  }
0x38c: {  	v30 =	vadd.f32 v31, v30;
	_ =	sdelay $0x1  }
0x38d: {  	v30 =	vadd.f32 v63, v30  }
0x38e: {  	s31 =	simm.s32 $0x0  }
0x38f: {  	s0 =	smul.u32 $0x3000, s31;
	[tilespmem:$0x1B700] =	vst v30  }
0x390: {  	s1 =	simm.s32 $0x0;
	_ =	swait.ge [sflag:s29], $0x9000  }
0x391: {  	s6 =	sand.u32 $0x380, s1;
	s0 =	sshra.s32 s0, $0x2;
	[sflag:s29] =	ssyncset.done $0x0  }
0x392: {  	s8 =	sor.u32 s6, s0;
	[sflag:s29] =	ssyncadd.s32 $0xFFFF7000  }
0x393: {  	v33 =	vld [tilespmem:s8+$0x12980]  }
0x394: {  	v35 =	vld [tilespmem:s8+$0x12580]  }
0x395: {  	s0 =	sadd.s32 $0x12980, s8;
	v38 =	vld [tilespmem:s8+$0x12180]  }
0x396: {  	v31 =	vld [tilespmem:s0+$0x40]  }
0x397: {  	v32 =	vld [tilespmem:s0+$0x50]  }
0x398: {  	s7 =	sadd.s32 $0x12580, s8;
	v34 =	vld [tilespmem:s0+$0x10]  }
0x399: {  	v42 =	vimm.f32 $0.0e+00;
	v36 =	vld [tilespmem:s7+$0x40]  }
0x39a: {  	s6 =	simm.s32 $0x1;
	v41 =	vimm.f32 $0.0e+00;
	v39 =	vimm.f32 $0.0e+00;
	v40 =	vimm.f32 $0.0e+00;
	v37 =	vld [tilespmem:s7+$0x50]  }
.LBB2_14:
0x39b: {  	p0 =	sne.s32 s6, $0x5F;
	s8 =	sadd.s32 $0x12180, s8;
	v43 =	vld [tilespmem:s7+$0x10]  }
0x39c: {  	v44 =	vld [tilespmem:s8+$0x40]  }
0x39d: {  	v45 =	vld [tilespmem:s8+$0x50]  }
0x39e: {  	v46 =	vld [tilespmem:s8+$0x10]  }
0x39f: {  	v47 =	vld [tilespmem:s8+$0x20]  }
0x3a0: {  	v48 =	vld [tilespmem:s8+$0x30]  }
0x3a1: {  	v49 =	vld [tilespmem:s8+$0x60]  }
0x3a2: {  	v50 =	vld [tilespmem:s8+$0x70]  }
0x3a3: {  	v51 =	vld [tilespmem:s7+$0x20]  }
0x3a4: {  	v38 =	vadd.f32 v38, v39;
	v39 =	vadd.f32 v46, v42;
	v42 =	vld [tilespmem:s7+$0x30]  }
0x3a5: {  	v40 =	vadd.f32 v47, v40;
	v41 =	vadd.f32 v48, v41;
	v46 =	vld [tilespmem:s7+$0x60]  }
0x3a6: {  	v38 =	vadd.f32 v44, v38;
	s8 =	sshrl.u32 s6, $0x3;
	v39 =	vadd.f32 v45, v39;
	v44 =	vld [tilespmem:s7+$0x70]  }
0x3a7: {  	s7 =	smul.u32 $0x3000, s8;
	v40 =	vadd.f32 v49, v40;
	v41 =	vadd.f32 v50, v41;
	v45 =	vld [tilespmem:s0+$0x20]  }
0x3a8: {  	s1 =	sadd.s32 $0x80, s1;
	v35 =	vadd.f32 v35, v38;
	v38 =	vadd.f32 v43, v39;
	v39 =	vld [tilespmem:s0+$0x30]  }
0x3a9: {  	s8 =	sand.u32 $0x380, s1;
	s7 =	sshra.s32 s7, $0x2;
	v40 =	vadd.f32 v51, v40;
	v41 =	vadd.f32 v42, v41;
	v43 =	vld [tilespmem:s0+$0x60]  }
0x3aa: {  	v36 =	vadd.f32 v36, v35;
	s8 =	sor.u32 s8, s7;
	v37 =	vadd.f32 v37, v38;
	v47 =	vld [tilespmem:s0+$0x70]  }
0x3ab: {  	v40 =	vadd.f32 v46, v40;
	v48 =	vld [tilespmem:s8+$0x12980];
	v41 =	vadd.f32 v44, v41  }
0x3ac: {  	v33 =	vadd.f32 v33, v36;
	v34 =	vadd.f32 v34, v37;
	v35 =	vld [tilespmem:s8+$0x12580]  }
0x3ad: {  	s0 =	sadd.s32 $0x12980, s8;
	v36 =	vadd.f32 v45, v40;
	v38 =	vld [tilespmem:s8+$0x12180];
	v37 =	vadd.f32 v39, v41  }
.Ltmp6:
0x3ae: {  	v39 =	vadd.f32 v31, v33;
	v42 =	vadd.f32 v32, v34;
	v31 =	vld [tilespmem:s0+$0x40];
	(pc) =	sbr.rel @p0 .LBB2_14-.Ltmp6, $4  }
0x3af: {  	v40 =	vadd.f32 v43, v36;
	v32 =	vld [tilespmem:s0+$0x50];
	v41 =	vadd.f32 v47, v37  }
0x3b0: {  	s7 =	sadd.s32 $0x12580, s8;
	v34 =	vld [tilespmem:s0+$0x10];
	v33 =	vmov v48  }
0x3b1: {  	v36 =	vld [tilespmem:s7+$0x40]  }
0x3b2: {  	s6 =	sadd.s32 $0x1, s6;
	v37 =	vld [tilespmem:s7+$0x50]  }
0x3b3: {  	s1 =	sadd.s32 $0x12180, s8;
	v43 =	vld [tilespmem:s7+$0x10]  }
0x3b4: {  	v44 =	vld [tilespmem:s1+$0x40]  }
0x3b5: {  	v45 =	vld [tilespmem:s1+$0x50]  }
0x3b6: {  	v46 =	vld [tilespmem:s1+$0x10]  }
0x3b7: {  	v47 =	vld [tilespmem:s1+$0x20]  }
0x3b8: {  	v48 =	vld [tilespmem:s1+$0x30]  }
0x3b9: {  	v49 =	vld [tilespmem:s1+$0x60]  }
0x3ba: {  	v50 =	vld [tilespmem:s1+$0x70]  }
0x3bb: {  	v51 =	vld [tilespmem:s7+$0x20]  }
0x3bc: {  	v38 =	vadd.f32 v38, v39;
	v62 =	vld [tilespmem:s7+$0x30];
	v61 =	vadd.f32 v46, v42  }
0x3bd: {  	v63 =	vld [tilespmem:s7+$0x60];
	v40 =	vadd.f32 v47, v40;
	v41 =	vadd.f32 v48, v41  }
0x3be: {  	v38 =	vadd.f32 v44, v38;
	v48 =	vld [tilespmem:s7+$0x70];
	v39 =	vadd.f32 v45, v61  }
0x3bf: {  	v53 =	vld [tilespmem:s0+$0x30];
	v40 =	vadd.f32 v49, v40;
	v41 =	vadd.f32 v50, v41  }
0x3c0: {  	v50 =	vld [tilespmem:s0+$0x20];
	v35 =	vadd.f32 v35, v38;
	v52 =	vadd.f32 v43, v39  }
0x3c1: {  	v54 =	vld [tilespmem:s0+$0x60];
	v40 =	vadd.f32 v51, v40;
	v41 =	vadd.f32 v62, v41  }
0x3c2: {  	v56 =	vld [tilespmem:s0+$0x70];
	v35 =	vadd.f32 v36, v35;
	v55 =	vadd.f32 v37, v52  }
0x3c3: {  	v57 =	vadd.f32 v63, v40;
	v58 =	vadd.f32 v48, v41  }
0x3c4: {  	v33 =	vadd.f32 v33, v35;
	v34 =	vadd.f32 v34, v55  }
0x3c5: {  	v59 =	vadd.f32 v50, v57;
	v60 =	vadd.f32 v53, v58  }
0x3c6: {  	v31 =	vadd.f32 v31, v33;
	v32 =	vadd.f32 v32, v34  }
0x3c7: {  	v61 =	vadd.f32 v54, v59;
	v62 =	vadd.f32 v56, v60;
	_ =	sdelay $0x1  }
0x3c8: {  	v31 =	vadd.f32 v32, v31;
	v63 =	vadd.f32 v62, v61;
	_ =	sdelay $0x1  }
0x3c9: {  	v31 =	vadd.f32 v63, v31;
	_ =	sdelay $0x1  }
0x3ca: {  	v30 =	vadd.f32 v31, v30;
	_ =	sdelay $0x1  }
0x3cb: {  	s8 =	rddreg [dreg:$0x3];
	s9 =	simm.s32 $0x1B180;
	s30 =	simm.s32 $0x4;
	[tilespmem:$0x1B700] =	vst v30  }
0x3cc: {  	[hbm4b:s8+s3] =	stream.linear.scatter [tilespmem:s9], [sflag:$0x4], $0x600, $0x38;
	[tilespmem:$0x1B980] =	vst v63  }
0x3cd: {  	_ =	swait.ge [sflag:s30], $0x600  }
0x3ce: {  	s6 =	rddreg [dreg:$0x5]  }
0x3cf: {  	s31 =	rddreg [dreg:$0x4];
	s6 =	sadd.s32 $0x1, s6  }
0x3d0: {  	p0 =	sne.s32 s6, s31  }
.Ltmp7:
0x3d1: {  	_ = 	snop;
	(pc) =	sbr.rel @p0 .LBB2_1-.Ltmp7, $3  }
0x3d2: {  	_ =	sdelay $0x1  }
0x3d3: {  	[sflag:s30] =	ssyncset.done $0x0  }
0x3d4: {  	[sflag:s30] =	ssyncadd.s32 $0xFFFFFA00  }
0x3d5: {  	_ =	sfence.sel $0x180000  }
0x3d6: {  	[bflag:$0x0] =	sbarrier.arrive $0xFFFF  }
0x3d7: {  	_ =	strace $0x90000047  }
0x3d8: {  	s0 =	stileid.u32;
	[bflag:$0x2] =	sbarrier.arrive $0xFFFF  }
0x3d9: {  	p0 =	sne.s32 s0, $0x0;
	s0 =	rddreg [dreg:$0x2]  }
0x3da: {  	s0 =	sadd.s32 @!p0 $0x100000, s0  }
0x3db: {  	[sflag:s0] =	ssyncadd.tile.s32 @!p0 $0x1;
	_ =	shalt  }
.Lfunc_end2:
_tile_overlayer_lowered:
.L_overlay_start_2:
0x3dc: {  	(tag) =	ssettag $0x2  }
0x3dd: {  	s0 =	rddreg [dreg:$0x0];
	s2 =	stileid.u32  }
0x3de: {  	s1 =	rddreg [dreg:$0x1];
	p0 =	sne.s32 s2, $0x0  }
0x3df: {  	s3 =	rddreg [dreg:$0x2];
	[bflag:$0x3] =	sbarrier.arrive $0xFFFF;
	s2 =	simm.s32 @!p0 $0x1C04  }
0x3e0: {  	[timem:s3], [sflag:s2] =	dma.local @!p0 [hbm:s0], s1  }
0x3e1: {  	s0 =	simm.s32 @!p0 $0x4  }
0x3e2: {  	_ =	swait.ge @!p0 [sflag:s0], s1  }
0x3e3: {  	s1 =	ssub.s32 @!p0 $0x0, s1;
	[sflag:s0] =	ssyncset.done @!p0 $0x0  }
0x3e4: {  	[sflag:s0] =	ssyncadd.s32 @!p0 s1  }
0x3e5: {  	[bflag:$0x3] =	sbarrier.arrive $0xFFFF  }
0x3e6: {  	_ =	shalt  }

</sc_bundles>
